<compile_context>
chip_gen: v7x
topology: tpu7x:2x2x1
jax: 0.10.2.dev20260603
libtpu: 0.0.44.dev20260713+nightly
codegen_flags: <defaults>
</compile_context>

<pallas_src>
import jax
import jax.numpy as jnp
from jax import lax
from jax.experimental import pallas as pl
from jax.experimental.pallas import tpu as pltpu
from jax.experimental.pallas import tpu_sc as plsc

N_UNIQUE = 1000000
DIM_EMB = 16
BATCH = 16384
N_FIELDS = 26

R = BATCH * N_FIELDS
NW = 32
RW = R // NW
CHUNK = 128
K = 13
SUPER = K * CHUNK
NSUPER = RW // SUPER

NFULL = N_UNIQUE // 128
TAIL = N_UNIQUE - NFULL * 128
BLOCKC = 4
BCOLS = BLOCKC * 128
NBLK = NFULL // BLOCKC
BLK_PER_W = (NBLK + NW - 1) // NW


def _transpose_body(
    wt_hbm, tail_hbm, lin_hbm, in0, in1, out0, out1, si0, si1, so0, so1
):
    nc = 2
    wid = lax.axis_index("s") * nc + lax.axis_index("c")
    lanes = lax.iota(jnp.int32, 16)
    ins = (in0, in1)
    outs = (out0, out1)
    sis = (si0, si1)
    sos = (so0, so1)

    def fire_in(i, q):
        off = pl.multiple_of((i * NW + wid) * BCOLS, 128)
        pltpu.async_copy(
            wt_hbm.at[:, pl.ds(off, BCOLS)], ins[q].at[:, pl.ds(0, BCOLS)], sis[q]
        )

    fire_in(0, 0)

    def body(p, _):
        for q in (0, 1):
            i = p * 2 + q
            j = i * NW + wid

            @pl.when(j < NBLK)
            def _():
                @pl.when(j + NW < NBLK)
                def _():
                    fire_in(i + 1, 1 - q)

                pltpu.make_async_copy(
                    wt_hbm.at[:, pl.ds(0, BCOLS)],
                    ins[q].at[:, pl.ds(0, BCOLS)],
                    sis[q],
                ).wait()

                @pl.when(j >= 2 * NW)
                def _():
                    pltpu.make_async_copy(
                        outs[q], lin_hbm.at[pl.ds(0, BCOLS * DIM_EMB)], sos[q]
                    ).wait()

                @plsc.parallel_loop(0, BCOLS, unroll=32, carry=lanes * 0)
                def _(c, colv):
                    row = plsc.load_gather(ins[q], [lanes, colv])
                    outs[q][pl.ds(c * DIM_EMB, DIM_EMB)] = row
                    return colv + 1

                off = pl.multiple_of(j * BCOLS * DIM_EMB, 8)
                pltpu.async_copy(
                    outs[q], lin_hbm.at[pl.ds(off, BCOLS * DIM_EMB)], sos[q]
                )

        return 0

    lax.fori_loop(0, (BLK_PER_W + 1) // 2, body, 0)

    pltpu.make_async_copy(out0, lin_hbm.at[pl.ds(0, BCOLS * DIM_EMB)], so0).wait()
    pltpu.make_async_copy(out1, lin_hbm.at[pl.ds(0, BCOLS * DIM_EMB)], so1).wait()

    @pl.when(wid == NFULL % NW)
    def _():
        pltpu.sync_copy(tail_hbm, out0.at[pl.ds(0, TAIL * DIM_EMB)])
        pltpu.sync_copy(
            out0.at[pl.ds(0, TAIL * DIM_EMB)],
            lin_hbm.at[pl.ds(NFULL * 128 * DIM_EMB, TAIL * DIM_EMB)],
        )


def _gather_body(table_hbm, ids_hbm, out_hbm, idx_v, rows_v, sem0, sem1):
    nc = 2
    wid = lax.axis_index("s") * nc + lax.axis_index("c")
    base = wid * RW
    pltpu.sync_copy(ids_hbm.at[pl.ds(base, RW)], idx_v)

    def fire(s, b, sem):
        soff = pl.multiple_of(s * SUPER, 8)
        for c in range(K):
            pltpu.async_copy(
                table_hbm.at[idx_v.at[pl.ds(soff + c * CHUNK, CHUNK)]],
                rows_v.at[b, pl.ds(c * CHUNK, CHUNK)],
                sem,
            )

    def drain(b, sem):
        for c in range(K):
            pltpu.make_async_copy(
                table_hbm.at[idx_v.at[pl.ds(c * CHUNK, CHUNK)]],
                rows_v.at[b, pl.ds(c * CHUNK, CHUNK)],
                sem,
            ).wait()

    def flush(s, b):
        ooff = pl.multiple_of(base + s * SUPER, 8)
        pltpu.sync_copy(rows_v.at[b], out_hbm.at[pl.ds(ooff, SUPER)])

    fire(0, 0, sem0)

    def pair(p, _):
        s0 = p * 2
        fire(s0 + 1, 1, sem1)
        drain(0, sem0)
        flush(s0, 0)

        @pl.when(s0 + 2 < NSUPER)
        def _():
            fire(s0 + 2, 0, sem0)

        drain(1, sem1)
        flush(s0 + 1, 1)
        return 0

    lax.fori_loop(0, NSUPER // 2, pair, 0)


@jax.jit
def _encode(emb_weight, flat_ids):
    mesh = plsc.VectorSubcoreMesh(core_axis_name="c", subcore_axis_name="s")
    detile = pl.kernel(
        _transpose_body,
        out_type=jax.ShapeDtypeStruct((N_UNIQUE * DIM_EMB,), jnp.float32),
        mesh=mesh,
        scratch_types=[
            pltpu.VMEM((DIM_EMB, BCOLS + 1), jnp.float32),
            pltpu.VMEM((DIM_EMB, BCOLS + 1), jnp.float32),
            pltpu.VMEM((BCOLS * DIM_EMB,), jnp.float32),
            pltpu.VMEM((BCOLS * DIM_EMB,), jnp.float32),
            pltpu.SemaphoreType.DMA,
            pltpu.SemaphoreType.DMA,
            pltpu.SemaphoreType.DMA,
            pltpu.SemaphoreType.DMA,
        ],
        compiler_params=pltpu.CompilerParams(needs_layout_passes=False),
    )
    tail = emb_weight[NFULL * 128 :].reshape(-1)
    lin = detile(emb_weight.T, tail)
    table = lin.reshape(N_UNIQUE, DIM_EMB)

    gather = pl.kernel(
        _gather_body,
        out_type=jax.ShapeDtypeStruct((R, DIM_EMB), jnp.float32),
        mesh=mesh,
        scratch_types=[
            pltpu.VMEM((RW,), jnp.int32),
            pltpu.VMEM((2, SUPER, DIM_EMB), jnp.float32),
            pltpu.SemaphoreType.DMA,
            pltpu.SemaphoreType.DMA,
        ],
        compiler_params=pltpu.CompilerParams(use_tc_tiling_on_sc=False),
    )
    return gather(table, flat_ids)


def kernel(state_ids, emb_weight):
    flat_ids = state_ids.reshape(-1)
    out = _encode(emb_weight, flat_ids)
    return out.reshape(BATCH, N_FIELDS * DIM_EMB)

# --- scband reference (transcript-rebuilt; emitter-appended) ---
"""Pipeline reference for scband-state-encoder-81329500717503 (READ-ONLY COPY).

The authoritative reference and input builder live on the scoring server;
editing this copy changes nothing except your own understanding.
"""

import jax, jax.numpy as jnp
import numpy as np

N_UNIQUE = 1000000
DIM_EMB = 16
BATCH = 16384
N_FIELDS = 26


def setup_inputs(seed: int = 0) -> dict:
    key = jax.random.key(seed)
    k_idx, k_emb = jax.random.split(key)
    state_ids = jax.random.randint(k_idx, (BATCH, N_FIELDS), 0, N_UNIQUE, dtype=jnp.int32)
    emb_weight = jax.random.normal(k_emb, (N_UNIQUE, DIM_EMB), dtype=jnp.float32)
    return {"state_ids": state_ids, "emb_weight": emb_weight}


def reference(state_ids, emb_weight):
    # torch forward: cat([embedding(state_ids[:, i]) for i in range(F)], dim=1)
    # equivalent to gathering [B, F, D] and reshaping to [B, F*D] in field order
    gathered = jnp.take(emb_weight, state_ids, axis=0)  # [B, F, D]
    out = gathered.reshape(state_ids.shape[0], state_ids.shape[1] * emb_weight.shape[1])
    return out

if __name__ == "__main__":
    import jax
    _d = setup_inputs()
    print(jax.jit(kernel)(*tuple(_d.values())))

</pallas_src>

<mosaic_0001>
#map = affine_map<(d0, d1) -> (0, 0)>
#map1 = affine_map<(d0, d1) -> (0)>
module attributes {stable_mosaic.version = 14 : i64} {
  func.func @_transpose_body(%arg0: i32, %arg1: i32, %arg2: memref<16x1000000xf32, #tpu.memory_space<hbm>>, %arg3: memref<1024xf32, #tpu.memory_space<hbm>>, %arg4: memref<16000000xf32, #tpu.memory_space<hbm>>, %arg5: memref<16x513xf32, #tpu.memory_space<vmem>>, %arg6: memref<16x513xf32, #tpu.memory_space<vmem>>, %arg7: memref<8192xf32, #tpu.memory_space<vmem>>, %arg8: memref<8192xf32, #tpu.memory_space<vmem>>, %arg9: memref<!tpu.dma_semaphore, #tpu.memory_space<semaphore_mem>>, %arg10: memref<!tpu.dma_semaphore, #tpu.memory_space<semaphore_mem>>, %arg11: memref<!tpu.dma_semaphore, #tpu.memory_space<semaphore_mem>>, %arg12: memref<!tpu.dma_semaphore, #tpu.memory_space<semaphore_mem>>) attributes {dimension_semantics = [#tpu.dimension_semantics<core_parallel>, #tpu.dimension_semantics<subcore_parallel>], iteration_bounds = array<i64: 2, 16>, scalar_prefetch = 0 : i64, scratch_operands = 8 : i64, tpu.core_type = #tpu.core_type<sc_vector_subcore>, window_params = [{transform_indices = #map}, {transform_indices = #map1}, {transform_indices = #map1}]} {
    %mul3A = arith.constant 2 : i32
    %mul3A_0 = arith.muli %arg1, %mul3A : i32
    %add3A = arith.addi %mul3A_0, %arg0 : i32
    %iota3A = tpu.iota {dimensions = array<i32: 0>} : vector<16xi32>
    %add3A_1 = arith.constant 0 : i32
    %add3A_2 = arith.addi %add3A_1, %add3A : i32
    %mul3A_3 = arith.constant 512 : i32
    %mul3A_4 = arith.muli %add3A_2, %mul3A_3 : i32
    %multiple_of3A = tpu.assume_multiple %mul3A_4, 128 : i32
    %dma_start3A = arith.constant 0 : i32
    %dma_start3A_5 = arith.constant 0 : i32
    %dma_start3A_6 = tpu.memref_slice %arg5[%dma_start3A, %dma_start3A_5] : memref<16x513xf32, #tpu.memory_space<vmem>> -> memref<16x512xf32, #tpu.memory_space<vmem>>
    %dma_start3A_7 = arith.constant 0 : i32
    %dma_start3A_8 = tpu.memref_slice %arg2[%dma_start3A_7, %multiple_of3A] : memref<16x1000000xf32, #tpu.memory_space<hbm>> -> memref<16x512xf32, #tpu.memory_space<hbm>>
    %dma_start3A_9 = arith.constant 0 : i32
    %dma_start3A_10 = arith.constant 0 : i32
    %dma_start3A_11 = tpu.memref_slice %arg5[%dma_start3A_9, %dma_start3A_10] : memref<16x513xf32, #tpu.memory_space<vmem>> -> memref<16x512xf32, #tpu.memory_space<vmem>>
    %dma_start3A_12 = arith.constant 0 : i32
    %dma_start3A_13 = tpu.memref_slice %arg2[%dma_start3A_12, %multiple_of3A] : memref<16x1000000xf32, #tpu.memory_space<hbm>> -> memref<16x512xf32, #tpu.memory_space<hbm>>
    tpu.enqueue_dma source(%dma_start3A_13 : memref<16x512xf32, #tpu.memory_space<hbm>>) target(%dma_start3A_11 : memref<16x512xf32, #tpu.memory_space<vmem>>) target_semaphore(%arg9 : memref<!tpu.dma_semaphore, #tpu.memory_space<semaphore_mem>>)
    %scan3A = arith.constant 0 : i32
    %scan3A_14 = arith.constant 0 : i32
    %scan3A_15 = arith.constant 31 : i32
    %scan3A_16 = arith.addi %scan3A_14, %scan3A_15 : i32
    %scan3A_17 = arith.constant 1 : i32
    %scan3A_18 = scf.for %scan3A_29 = %scan3A_14 to %scan3A_16 step %scan3A_17 iter_args(%scan3A_30 = %scan3A) -> (i32)  : i32 {
      %mul3A_31 = arith.constant 2 : i32
      %mul3A_32 = arith.muli %scan3A_29, %mul3A_31 : i32
      %add3A_33 = arith.constant 0 : i32
      %add3A_34 = arith.addi %mul3A_32, %add3A_33 : i32
      %mul3A_35 = arith.constant 32 : i32
      %mul3A_36 = arith.muli %add3A_34, %mul3A_35 : i32
      %add3A_37 = arith.addi %mul3A_36, %add3A : i32
      %lt3A = arith.constant 1953 : i32
      %lt3A_38 = arith.cmpi slt, %add3A_37, %lt3A : i32
      %convert_element_type3A_39 = arith.extui %lt3A_38 : i1 to i32
      %cond3A_40 = arith.constant 0 : i32
      %cond3A_41 = arith.cmpi ne, %convert_element_type3A_39, %cond3A_40 : i32
      scf.if %cond3A_41 {
        %add3A_55 = arith.constant 32 : i32
        %add3A_56 = arith.addi %add3A_37, %add3A_55 : i32
        %lt3A_57 = arith.constant 1953 : i32
        %lt3A_58 = arith.cmpi slt, %add3A_56, %lt3A_57 : i32
        %convert_element_type3A_59 = arith.extui %lt3A_58 : i1 to i32
        %cond3A_60 = arith.constant 0 : i32
        %cond3A_61 = arith.cmpi ne, %convert_element_type3A_59, %cond3A_60 : i32
        scf.if %cond3A_61 {
          %add3A_91 = arith.constant 1 : i32
          %add3A_92 = arith.addi %add3A_34, %add3A_91 : i32
          %mul3A_93 = arith.constant 32 : i32
          %mul3A_94 = arith.muli %add3A_92, %mul3A_93 : i32
          %add3A_95 = arith.addi %mul3A_94, %add3A : i32
          %mul3A_96 = arith.constant 512 : i32
          %mul3A_97 = arith.muli %add3A_95, %mul3A_96 : i32
          %multiple_of3A_98 = tpu.assume_multiple %mul3A_97, 128 : i32
          %dma_start3A_99 = arith.constant 0 : i32
          %dma_start3A_100 = arith.constant 0 : i32
          %dma_start3A_101 = tpu.memref_slice %arg6[%dma_start3A_99, %dma_start3A_100] : memref<16x513xf32, #tpu.memory_space<vmem>> -> memref<16x512xf32, #tpu.memory_space<vmem>>
          %dma_start3A_102 = arith.constant 0 : i32
          %dma_start3A_103 = tpu.memref_slice %arg2[%dma_start3A_102, %multiple_of3A_98] : memref<16x1000000xf32, #tpu.memory_space<hbm>> -> memref<16x512xf32, #tpu.memory_space<hbm>>
          %dma_start3A_104 = arith.constant 0 : i32
          %dma_start3A_105 = arith.constant 0 : i32
          %dma_start3A_106 = tpu.memref_slice %arg6[%dma_start3A_104, %dma_start3A_105] : memref<16x513xf32, #tpu.memory_space<vmem>> -> memref<16x512xf32, #tpu.memory_space<vmem>>
          %dma_start3A_107 = arith.constant 0 : i32
          %dma_start3A_108 = tpu.memref_slice %arg2[%dma_start3A_107, %multiple_of3A_98] : memref<16x1000000xf32, #tpu.memory_space<hbm>> -> memref<16x512xf32, #tpu.memory_space<hbm>>
          tpu.enqueue_dma source(%dma_start3A_108 : memref<16x512xf32, #tpu.memory_space<hbm>>) target(%dma_start3A_106 : memref<16x512xf32, #tpu.memory_space<vmem>>) target_semaphore(%arg10 : memref<!tpu.dma_semaphore, #tpu.memory_space<semaphore_mem>>)
        } else {
        }
        %dma_wait3A_62 = arith.constant 0 : i32
        %dma_wait3A_63 = arith.constant 0 : i32
        %dma_wait3A_64 = tpu.memref_slice %arg5[%dma_wait3A_62, %dma_wait3A_63] : memref<16x513xf32, #tpu.memory_space<vmem>> -> memref<16x512xf32, #tpu.memory_space<vmem>>
        %dma_wait3A_65 = arith.constant 0 : i32
        %dma_wait3A_66 = arith.constant 0 : i32
        %dma_wait3A_67 = tpu.memref_slice %arg2[%dma_wait3A_65, %dma_wait3A_66] : memref<16x1000000xf32, #tpu.memory_space<hbm>> -> memref<16x512xf32, #tpu.memory_space<hbm>>
        %dma_wait3A_68 = arith.constant 0 : i32
        %dma_wait3A_69 = arith.constant 0 : i32
        %dma_wait3A_70 = tpu.memref_slice %arg5[%dma_wait3A_68, %dma_wait3A_69] : memref<16x513xf32, #tpu.memory_space<vmem>> -> memref<16x512xf32, #tpu.memory_space<vmem>>
        %dma_wait3A_71 = arith.constant 0 : i32
        %dma_wait3A_72 = arith.constant 0 : i32
        %dma_wait3A_73 = tpu.memref_slice %arg2[%dma_wait3A_71, %dma_wait3A_72] : memref<16x1000000xf32, #tpu.memory_space<hbm>> -> memref<16x512xf32, #tpu.memory_space<hbm>>
        tpu.wait_dma2 semaphore(%arg9 : memref<!tpu.dma_semaphore, #tpu.memory_space<semaphore_mem>>) src(%dma_wait3A_73 : memref<16x512xf32, #tpu.memory_space<hbm>>) dst(%dma_wait3A_70 : memref<16x512xf32, #tpu.memory_space<vmem>>)
        %ge3A = arith.constant 64 : i32
        %ge3A_74 = arith.cmpi sge, %add3A_37, %ge3A : i32
        %convert_element_type3A_75 = arith.extui %ge3A_74 : i1 to i32
        %cond3A_76 = arith.constant 0 : i32
        %cond3A_77 = arith.cmpi ne, %convert_element_type3A_75, %cond3A_76 : i32
        scf.if %cond3A_77 {
          %dma_wait3A_91 = arith.constant 0 : i32
          %dma_wait3A_92 = tpu.memref_slice %arg4[%dma_wait3A_91] : memref<16000000xf32, #tpu.memory_space<hbm>> -> memref<8192xf32, #tpu.memory_space<hbm>>
          %dma_wait3A_93 = arith.constant 0 : i32
          %dma_wait3A_94 = tpu.memref_slice %arg4[%dma_wait3A_93] : memref<16000000xf32, #tpu.memory_space<hbm>> -> memref<8192xf32, #tpu.memory_space<hbm>>
          tpu.wait_dma2 semaphore(%arg11 : memref<!tpu.dma_semaphore, #tpu.memory_space<semaphore_mem>>) src(%arg7 : memref<8192xf32, #tpu.memory_space<vmem>>) dst(%dma_wait3A_94 : memref<8192xf32, #tpu.memory_space<hbm>>)
        } else {
        }
        %mul3A_78 = arith.constant 0 : i32
        %mul3A_79 = vector.broadcast %mul3A_78 : i32 to vector<16xi32>
        %mul3A_80 = arith.muli %iota3A, %mul3A_79 : vector<16xi32>
        %parallel_loop3A = arith.constant 0 : i32
        %parallel_loop3A_81 = arith.constant 512 : i32
        %parallel_loop3A_82 = arith.constant 1 : i32
        %parallel_loop3A_83 = scf.for %parallel_loop3A_91 = %parallel_loop3A to %parallel_loop3A_81 step %parallel_loop3A_82 iter_args(%parallel_loop3A_92 = %mul3A_80) -> (vector<16xi32>)  : i32 {
          %parallel_loop3A_93 = tpu.vector_load_idx %arg5[%iota3A, %parallel_loop3A_92] : memref<16x513xf32, #tpu.memory_space<vmem>>[vector<16xi32>, vector<16xi32>], vector<16xf32>,
          %parallel_loop3A_94 = arith.constant 16 : i32
          %parallel_loop3A_95 = arith.muli %parallel_loop3A_91, %parallel_loop3A_94 : i32
          %parallel_loop3A_96 = arith.index_cast %parallel_loop3A_95 : i32 to index
          %parallel_loop3A_97 = tpu.vector_load %arg7[%parallel_loop3A_96] {strides = array<i32>} : memref<8192xf32, #tpu.memory_space<vmem>>, vector<16xf32>,
          tpu.vector_store %arg7[%parallel_loop3A_96], %parallel_loop3A_93 {strides = array<i32>} : memref<8192xf32, #tpu.memory_space<vmem>>, vector<16xf32>,
          %parallel_loop3A_98 = arith.constant 1 : i32
          %parallel_loop3A_99 = vector.broadcast %parallel_loop3A_98 : i32 to vector<16xi32>
          %parallel_loop3A_100 = arith.addi %parallel_loop3A_92, %parallel_loop3A_99 : vector<16xi32>
          scf.yield %parallel_loop3A_100 : vector<16xi32>
        } {sc.loop_unroll_factor = 32 : i64, sc.parallel_access}
        %mul3A_84 = arith.constant 512 : i32
        %mul3A_85 = arith.muli %add3A_37, %mul3A_84 : i32
        %mul3A_86 = arith.constant 16 : i32
        %mul3A_87 = arith.muli %mul3A_85, %mul3A_86 : i32
        %multiple_of3A_88 = tpu.assume_multiple %mul3A_87, 8 : i32
        %dma_start3A_89 = tpu.memref_slice %arg4[%multiple_of3A_88] : memref<16000000xf32, #tpu.memory_space<hbm>> -> memref<8192xf32, #tpu.memory_space<hbm>>
        %dma_start3A_90 = tpu.memref_slice %arg4[%multiple_of3A_88] : memref<16000000xf32, #tpu.memory_space<hbm>> -> memref<8192xf32, #tpu.memory_space<hbm>>
        tpu.enqueue_dma source(%arg7 : memref<8192xf32, #tpu.memory_space<vmem>>) target(%dma_start3A_90 : memref<8192xf32, #tpu.memory_space<hbm>>) target_semaphore(%arg11 : memref<!tpu.dma_semaphore, #tpu.memory_space<semaphore_mem>>)
      } else {
      }
      %mul3A_42 = arith.constant 2 : i32
      %mul3A_43 = arith.muli %scan3A_29, %mul3A_42 : i32
      %add3A_44 = arith.constant 1 : i32
      %add3A_45 = arith.addi %mul3A_43, %add3A_44 : i32
      %mul3A_46 = arith.constant 32 : i32
      %mul3A_47 = arith.muli %add3A_45, %mul3A_46 : i32
      %add3A_48 = arith.addi %mul3A_47, %add3A : i32
      %lt3A_49 = arith.constant 1953 : i32
      %lt3A_50 = arith.cmpi slt, %add3A_48, %lt3A_49 : i32
      %convert_element_type3A_51 = arith.extui %lt3A_50 : i1 to i32
      %cond3A_52 = arith.constant 0 : i32
      %cond3A_53 = arith.cmpi ne, %convert_element_type3A_51, %cond3A_52 : i32
      scf.if %cond3A_53 {
        %add3A_55 = arith.constant 32 : i32
        %add3A_56 = arith.addi %add3A_48, %add3A_55 : i32
        %lt3A_57 = arith.constant 1953 : i32
        %lt3A_58 = arith.cmpi slt, %add3A_56, %lt3A_57 : i32
        %convert_element_type3A_59 = arith.extui %lt3A_58 : i1 to i32
        %cond3A_60 = arith.constant 0 : i32
        %cond3A_61 = arith.cmpi ne, %convert_element_type3A_59, %cond3A_60 : i32
        scf.if %cond3A_61 {
          %add3A_91 = arith.constant 1 : i32
          %add3A_92 = arith.addi %add3A_45, %add3A_91 : i32
          %mul3A_93 = arith.constant 32 : i32
          %mul3A_94 = arith.muli %add3A_92, %mul3A_93 : i32
          %add3A_95 = arith.addi %mul3A_94, %add3A : i32
          %mul3A_96 = arith.constant 512 : i32
          %mul3A_97 = arith.muli %add3A_95, %mul3A_96 : i32
          %multiple_of3A_98 = tpu.assume_multiple %mul3A_97, 128 : i32
          %dma_start3A_99 = arith.constant 0 : i32
          %dma_start3A_100 = arith.constant 0 : i32
          %dma_start3A_101 = tpu.memref_slice %arg5[%dma_start3A_99, %dma_start3A_100] : memref<16x513xf32, #tpu.memory_space<vmem>> -> memref<16x512xf32, #tpu.memory_space<vmem>>
          %dma_start3A_102 = arith.constant 0 : i32
          %dma_start3A_103 = tpu.memref_slice %arg2[%dma_start3A_102, %multiple_of3A_98] : memref<16x1000000xf32, #tpu.memory_space<hbm>> -> memref<16x512xf32, #tpu.memory_space<hbm>>
          %dma_start3A_104 = arith.constant 0 : i32
          %dma_start3A_105 = arith.constant 0 : i32
          %dma_start3A_106 = tpu.memref_slice %arg5[%dma_start3A_104, %dma_start3A_105] : memref<16x513xf32, #tpu.memory_space<vmem>> -> memref<16x512xf32, #tpu.memory_space<vmem>>
          %dma_start3A_107 = arith.constant 0 : i32
          %dma_start3A_108 = tpu.memref_slice %arg2[%dma_start3A_107, %multiple_of3A_98] : memref<16x1000000xf32, #tpu.memory_space<hbm>> -> memref<16x512xf32, #tpu.memory_space<hbm>>
          tpu.enqueue_dma source(%dma_start3A_108 : memref<16x512xf32, #tpu.memory_space<hbm>>) target(%dma_start3A_106 : memref<16x512xf32, #tpu.memory_space<vmem>>) target_semaphore(%arg9 : memref<!tpu.dma_semaphore, #tpu.memory_space<semaphore_mem>>)
        } else {
        }
        %dma_wait3A_62 = arith.constant 0 : i32
        %dma_wait3A_63 = arith.constant 0 : i32
        %dma_wait3A_64 = tpu.memref_slice %arg6[%dma_wait3A_62, %dma_wait3A_63] : memref<16x513xf32, #tpu.memory_space<vmem>> -> memref<16x512xf32, #tpu.memory_space<vmem>>
        %dma_wait3A_65 = arith.constant 0 : i32
        %dma_wait3A_66 = arith.constant 0 : i32
        %dma_wait3A_67 = tpu.memref_slice %arg2[%dma_wait3A_65, %dma_wait3A_66] : memref<16x1000000xf32, #tpu.memory_space<hbm>> -> memref<16x512xf32, #tpu.memory_space<hbm>>
        %dma_wait3A_68 = arith.constant 0 : i32
        %dma_wait3A_69 = arith.constant 0 : i32
        %dma_wait3A_70 = tpu.memref_slice %arg6[%dma_wait3A_68, %dma_wait3A_69] : memref<16x513xf32, #tpu.memory_space<vmem>> -> memref<16x512xf32, #tpu.memory_space<vmem>>
        %dma_wait3A_71 = arith.constant 0 : i32
        %dma_wait3A_72 = arith.constant 0 : i32
        %dma_wait3A_73 = tpu.memref_slice %arg2[%dma_wait3A_71, %dma_wait3A_72] : memref<16x1000000xf32, #tpu.memory_space<hbm>> -> memref<16x512xf32, #tpu.memory_space<hbm>>
        tpu.wait_dma2 semaphore(%arg10 : memref<!tpu.dma_semaphore, #tpu.memory_space<semaphore_mem>>) src(%dma_wait3A_73 : memref<16x512xf32, #tpu.memory_space<hbm>>) dst(%dma_wait3A_70 : memref<16x512xf32, #tpu.memory_space<vmem>>)
        %ge3A = arith.constant 64 : i32
        %ge3A_74 = arith.cmpi sge, %add3A_48, %ge3A : i32
        %convert_element_type3A_75 = arith.extui %ge3A_74 : i1 to i32
        %cond3A_76 = arith.constant 0 : i32
        %cond3A_77 = arith.cmpi ne, %convert_element_type3A_75, %cond3A_76 : i32
        scf.if %cond3A_77 {
          %dma_wait3A_91 = arith.constant 0 : i32
          %dma_wait3A_92 = tpu.memref_slice %arg4[%dma_wait3A_91] : memref<16000000xf32, #tpu.memory_space<hbm>> -> memref<8192xf32, #tpu.memory_space<hbm>>
          %dma_wait3A_93 = arith.constant 0 : i32
          %dma_wait3A_94 = tpu.memref_slice %arg4[%dma_wait3A_93] : memref<16000000xf32, #tpu.memory_space<hbm>> -> memref<8192xf32, #tpu.memory_space<hbm>>
          tpu.wait_dma2 semaphore(%arg12 : memref<!tpu.dma_semaphore, #tpu.memory_space<semaphore_mem>>) src(%arg8 : memref<8192xf32, #tpu.memory_space<vmem>>) dst(%dma_wait3A_94 : memref<8192xf32, #tpu.memory_space<hbm>>)
        } else {
        }
        %mul3A_78 = arith.constant 0 : i32
        %mul3A_79 = vector.broadcast %mul3A_78 : i32 to vector<16xi32>
        %mul3A_80 = arith.muli %iota3A, %mul3A_79 : vector<16xi32>
        %parallel_loop3A = arith.constant 0 : i32
        %parallel_loop3A_81 = arith.constant 512 : i32
        %parallel_loop3A_82 = arith.constant 1 : i32
        %parallel_loop3A_83 = scf.for %parallel_loop3A_91 = %parallel_loop3A to %parallel_loop3A_81 step %parallel_loop3A_82 iter_args(%parallel_loop3A_92 = %mul3A_80) -> (vector<16xi32>)  : i32 {
          %parallel_loop3A_93 = tpu.vector_load_idx %arg6[%iota3A, %parallel_loop3A_92] : memref<16x513xf32, #tpu.memory_space<vmem>>[vector<16xi32>, vector<16xi32>], vector<16xf32>,
          %parallel_loop3A_94 = arith.constant 16 : i32
          %parallel_loop3A_95 = arith.muli %parallel_loop3A_91, %parallel_loop3A_94 : i32
          %parallel_loop3A_96 = arith.index_cast %parallel_loop3A_95 : i32 to index
          %parallel_loop3A_97 = tpu.vector_load %arg8[%parallel_loop3A_96] {strides = array<i32>} : memref<8192xf32, #tpu.memory_space<vmem>>, vector<16xf32>,
          tpu.vector_store %arg8[%parallel_loop3A_96], %parallel_loop3A_93 {strides = array<i32>} : memref<8192xf32, #tpu.memory_space<vmem>>, vector<16xf32>,
          %parallel_loop3A_98 = arith.constant 1 : i32
          %parallel_loop3A_99 = vector.broadcast %parallel_loop3A_98 : i32 to vector<16xi32>
          %parallel_loop3A_100 = arith.addi %parallel_loop3A_92, %parallel_loop3A_99 : vector<16xi32>
          scf.yield %parallel_loop3A_100 : vector<16xi32>
        } {sc.loop_unroll_factor = 32 : i64, sc.parallel_access}
        %mul3A_84 = arith.constant 512 : i32
        %mul3A_85 = arith.muli %add3A_48, %mul3A_84 : i32
        %mul3A_86 = arith.constant 16 : i32
        %mul3A_87 = arith.muli %mul3A_85, %mul3A_86 : i32
        %multiple_of3A_88 = tpu.assume_multiple %mul3A_87, 8 : i32
        %dma_start3A_89 = tpu.memref_slice %arg4[%multiple_of3A_88] : memref<16000000xf32, #tpu.memory_space<hbm>> -> memref<8192xf32, #tpu.memory_space<hbm>>
        %dma_start3A_90 = tpu.memref_slice %arg4[%multiple_of3A_88] : memref<16000000xf32, #tpu.memory_space<hbm>> -> memref<8192xf32, #tpu.memory_space<hbm>>
        tpu.enqueue_dma source(%arg8 : memref<8192xf32, #tpu.memory_space<vmem>>) target(%dma_start3A_90 : memref<8192xf32, #tpu.memory_space<hbm>>) target_semaphore(%arg12 : memref<!tpu.dma_semaphore, #tpu.memory_space<semaphore_mem>>)
      } else {
      }
      %scan3A_54 = arith.constant 0 : i32
      scf.yield %scan3A_54 : i32
    }
    %scan3A_19 = arith.constant 31 : i32
    %dma_wait3A = arith.constant 0 : i32
    %dma_wait3A_20 = tpu.memref_slice %arg4[%dma_wait3A] : memref<16000000xf32, #tpu.memory_space<hbm>> -> memref<8192xf32, #tpu.memory_space<hbm>>
    %dma_wait3A_21 = arith.constant 0 : i32
    %dma_wait3A_22 = tpu.memref_slice %arg4[%dma_wait3A_21] : memref<16000000xf32, #tpu.memory_space<hbm>> -> memref<8192xf32, #tpu.memory_space<hbm>>
    tpu.wait_dma2 semaphore(%arg11 : memref<!tpu.dma_semaphore, #tpu.memory_space<semaphore_mem>>) src(%arg7 : memref<8192xf32, #tpu.memory_space<vmem>>) dst(%dma_wait3A_22 : memref<8192xf32, #tpu.memory_space<hbm>>)
    %dma_wait3A_23 = arith.constant 0 : i32
    %dma_wait3A_24 = tpu.memref_slice %arg4[%dma_wait3A_23] : memref<16000000xf32, #tpu.memory_space<hbm>> -> memref<8192xf32, #tpu.memory_space<hbm>>
    %dma_wait3A_25 = arith.constant 0 : i32
    %dma_wait3A_26 = tpu.memref_slice %arg4[%dma_wait3A_25] : memref<16000000xf32, #tpu.memory_space<hbm>> -> memref<8192xf32, #tpu.memory_space<hbm>>
    tpu.wait_dma2 semaphore(%arg12 : memref<!tpu.dma_semaphore, #tpu.memory_space<semaphore_mem>>) src(%arg8 : memref<8192xf32, #tpu.memory_space<vmem>>) dst(%dma_wait3A_26 : memref<8192xf32, #tpu.memory_space<hbm>>)
    %eq3A = arith.constant 4 : i32
    %eq3A_27 = arith.cmpi eq, %add3A, %eq3A : i32
    %convert_element_type3A = arith.extui %eq3A_27 : i1 to i32
    %cond3A = arith.constant 0 : i32
    %cond3A_28 = arith.cmpi ne, %convert_element_type3A, %cond3A : i32
    scf.if %cond3A_28 {
      "tpu.region"() ({
        %run_scoped3A = tpu.sem_alloc : memref<!tpu.dma_semaphore, #tpu.memory_space<semaphore_mem>>
        %dma_start3A_29 = arith.constant 0 : i32
        %dma_start3A_30 = tpu.memref_slice %arg7[%dma_start3A_29] : memref<8192xf32, #tpu.memory_space<vmem>> -> memref<1024xf32, #tpu.memory_space<vmem>>
        %dma_start3A_31 = arith.constant 0 : i32
        %dma_start3A_32 = tpu.memref_slice %arg7[%dma_start3A_31] : memref<8192xf32, #tpu.memory_space<vmem>> -> memref<1024xf32, #tpu.memory_space<vmem>>
        tpu.enqueue_dma source(%arg3 : memref<1024xf32, #tpu.memory_space<hbm>>) target(%dma_start3A_32 : memref<1024xf32, #tpu.memory_space<vmem>>) target_semaphore(%run_scoped3A : memref<!tpu.dma_semaphore, #tpu.memory_space<semaphore_mem>>)
        %dma_wait3A_33 = arith.constant 0 : i32
        %dma_wait3A_34 = tpu.memref_slice %arg7[%dma_wait3A_33] : memref<8192xf32, #tpu.memory_space<vmem>> -> memref<1024xf32, #tpu.memory_space<vmem>>
        %dma_wait3A_35 = arith.constant 0 : i32
        %dma_wait3A_36 = tpu.memref_slice %arg7[%dma_wait3A_35] : memref<8192xf32, #tpu.memory_space<vmem>> -> memref<1024xf32, #tpu.memory_space<vmem>>
        tpu.wait_dma2 semaphore(%run_scoped3A : memref<!tpu.dma_semaphore, #tpu.memory_space<semaphore_mem>>) src(%arg3 : memref<1024xf32, #tpu.memory_space<hbm>>) dst(%dma_wait3A_36 : memref<1024xf32, #tpu.memory_space<vmem>>)
        tpu.yield
      }) : () -> ()
      "tpu.region"() ({
        %run_scoped3A = tpu.sem_alloc : memref<!tpu.dma_semaphore, #tpu.memory_space<semaphore_mem>>
        %dma_start3A_29 = arith.constant 0 : i32
        %dma_start3A_30 = tpu.memref_slice %arg7[%dma_start3A_29] : memref<8192xf32, #tpu.memory_space<vmem>> -> memref<1024xf32, #tpu.memory_space<vmem>>
        %dma_start3A_31 = arith.constant 15998976 : i32
        %dma_start3A_32 = tpu.memref_slice %arg4[%dma_start3A_31] : memref<16000000xf32, #tpu.memory_space<hbm>> -> memref<1024xf32, #tpu.memory_space<hbm>>
        %dma_start3A_33 = arith.constant 15998976 : i32
        %dma_start3A_34 = tpu.memref_slice %arg4[%dma_start3A_33] : memref<16000000xf32, #tpu.memory_space<hbm>> -> memref<1024xf32, #tpu.memory_space<hbm>>
        %dma_start3A_35 = arith.constant 0 : i32
        %dma_start3A_36 = tpu.memref_slice %arg7[%dma_start3A_35] : memref<8192xf32, #tpu.memory_space<vmem>> -> memref<1024xf32, #tpu.memory_space<vmem>>
        tpu.enqueue_dma source(%dma_start3A_36 : memref<1024xf32, #tpu.memory_space<vmem>>) target(%dma_start3A_34 : memref<1024xf32, #tpu.memory_space<hbm>>) target_semaphore(%run_scoped3A : memref<!tpu.dma_semaphore, #tpu.memory_space<semaphore_mem>>)
        %dma_wait3A_37 = arith.constant 0 : i32
        %dma_wait3A_38 = tpu.memref_slice %arg7[%dma_wait3A_37] : memref<8192xf32, #tpu.memory_space<vmem>> -> memref<1024xf32, #tpu.memory_space<vmem>>
        %dma_wait3A_39 = arith.constant 15998976 : i32
        %dma_wait3A_40 = tpu.memref_slice %arg4[%dma_wait3A_39] : memref<16000000xf32, #tpu.memory_space<hbm>> -> memref<1024xf32, #tpu.memory_space<hbm>>
        %dma_wait3A_41 = arith.constant 15998976 : i32
        %dma_wait3A_42 = tpu.memref_slice %arg4[%dma_wait3A_41] : memref<16000000xf32, #tpu.memory_space<hbm>> -> memref<1024xf32, #tpu.memory_space<hbm>>
        %dma_wait3A_43 = arith.constant 0 : i32
        %dma_wait3A_44 = tpu.memref_slice %arg7[%dma_wait3A_43] : memref<8192xf32, #tpu.memory_space<vmem>> -> memref<1024xf32, #tpu.memory_space<vmem>>
        tpu.wait_dma2 semaphore(%run_scoped3A : memref<!tpu.dma_semaphore, #tpu.memory_space<semaphore_mem>>) src(%dma_wait3A_44 : memref<1024xf32, #tpu.memory_space<vmem>>) dst(%dma_wait3A_42 : memref<1024xf32, #tpu.memory_space<hbm>>)
        tpu.yield
      }) : () -> ()
    } else {
    }
    return
  }
}

#map = affine_map<(d0, d1) -> (0, 0)>
#map1 = affine_map<(d0, d1) -> (0)>
module attributes {stable_mosaic.version = 14 : i64} {
  func.func @_gather_body(%arg0: i32, %arg1: i32, %arg2: memref<1000000x16xf32, #tpu.memory_space<hbm>>, %arg3: memref<425984xi32, #tpu.memory_space<hbm>>, %arg4: memref<425984x16xf32, #tpu.memory_space<hbm>>, %arg5: memref<13312xi32, #tpu.memory_space<vmem>>, %arg6: memref<2x1664x16xf32, #tpu.memory_space<vmem>>, %arg7: memref<!tpu.dma_semaphore, #tpu.memory_space<semaphore_mem>>, %arg8: memref<!tpu.dma_semaphore, #tpu.memory_space<semaphore_mem>>) attributes {dimension_semantics = [#tpu.dimension_semantics<core_parallel>, #tpu.dimension_semantics<subcore_parallel>], iteration_bounds = array<i64: 2, 16>, scalar_prefetch = 0 : i64, scratch_operands = 4 : i64, tpu.core_type = #tpu.core_type<sc_vector_subcore>, window_params = [{transform_indices = #map}, {transform_indices = #map1}, {transform_indices = #map}]} {
    %mul3A = arith.constant 2 : i32
    %mul3A_0 = arith.muli %arg1, %mul3A : i32
    %add3A = arith.addi %mul3A_0, %arg0 : i32
    %mul3A_1 = arith.constant 13312 : i32
    %mul3A_2 = arith.muli %add3A, %mul3A_1 : i32
    "tpu.region"() ({
      %run_scoped3A = tpu.sem_alloc : memref<!tpu.dma_semaphore, #tpu.memory_space<semaphore_mem>>
      %dma_start3A_152 = tpu.memref_slice %arg3[%mul3A_2] : memref<425984xi32, #tpu.memory_space<hbm>> -> memref<13312xi32, #tpu.memory_space<hbm>>
      %dma_start3A_153 = tpu.memref_slice %arg3[%mul3A_2] : memref<425984xi32, #tpu.memory_space<hbm>> -> memref<13312xi32, #tpu.memory_space<hbm>>
      tpu.enqueue_dma source(%dma_start3A_153 : memref<13312xi32, #tpu.memory_space<hbm>>) target(%arg5 : memref<13312xi32, #tpu.memory_space<vmem>>) target_semaphore(%run_scoped3A : memref<!tpu.dma_semaphore, #tpu.memory_space<semaphore_mem>>)
      %dma_wait3A = tpu.memref_slice %arg3[%mul3A_2] : memref<425984xi32, #tpu.memory_space<hbm>> -> memref<13312xi32, #tpu.memory_space<hbm>>
      %dma_wait3A_154 = tpu.memref_slice %arg3[%mul3A_2] : memref<425984xi32, #tpu.memory_space<hbm>> -> memref<13312xi32, #tpu.memory_space<hbm>>
      tpu.wait_dma2 semaphore(%run_scoped3A : memref<!tpu.dma_semaphore, #tpu.memory_space<semaphore_mem>>) src(%dma_wait3A_154 : memref<13312xi32, #tpu.memory_space<hbm>>) dst(%arg5 : memref<13312xi32, #tpu.memory_space<vmem>>)
      tpu.yield
    }) : () -> ()
    %multiple_of3A = arith.constant 0 : i32
    %multiple_of3A_3 = tpu.assume_multiple %multiple_of3A, 8 : i32
    %add3A_4 = arith.constant 0 : i32
    %add3A_5 = arith.addi %multiple_of3A_3, %add3A_4 : i32
    %dma_start3A = arith.constant 0 : i32
    %dma_start3A_6 = arith.constant 0 : i32
    %dma_start3A_7 = arith.constant 0 : i32
    %dma_start3A_8 = tpu.memref_slice %arg6[%dma_start3A, %dma_start3A_6, %dma_start3A_7] : memref<2x1664x16xf32, #tpu.memory_space<vmem>> -> memref<1x128x16xf32, #tpu.memory_space<vmem>>
    %dma_start3A_9 = tpu.memref_squeeze %dma_start3A_8 : memref<1x128x16xf32, #tpu.memory_space<vmem>> -> memref<128x16xf32, #tpu.memory_space<vmem>>
    %dma_start3A_10 = tpu.memref_slice %arg5[%add3A_5] : memref<13312xi32, #tpu.memory_space<vmem>> -> memref<128xi32, #tpu.memory_space<vmem>>
    %dma_start3A_11 = arith.constant 0 : i32
    %dma_start3A_12 = arith.constant 0 : i32
    %dma_start3A_13 = tpu.memref_slice %arg2[%dma_start3A_11, %dma_start3A_12] : memref<1000000x16xf32, #tpu.memory_space<hbm>> -> memref<1000000x16xf32, #tpu.memory_space<hbm>>
    tpu.enqueue_indirect_dma source(%dma_start3A_13 : memref<1000000x16xf32, #tpu.memory_space<hbm>>) target(%dma_start3A_9 : memref<128x16xf32, #tpu.memory_space<vmem>>) offsets(%dma_start3A_10 : memref<128xi32, #tpu.memory_space<vmem>>) semaphore(%arg7 : memref<!tpu.dma_semaphore, #tpu.memory_space<semaphore_mem>>)
    %add3A_14 = arith.constant 128 : i32
    %add3A_15 = arith.addi %multiple_of3A_3, %add3A_14 : i32
    %dma_start3A_16 = arith.constant 0 : i32
    %dma_start3A_17 = arith.constant 128 : i32
    %dma_start3A_18 = arith.constant 0 : i32
    %dma_start3A_19 = tpu.memref_slice %arg6[%dma_start3A_16, %dma_start3A_17, %dma_start3A_18] : memref<2x1664x16xf32, #tpu.memory_space<vmem>> -> memref<1x128x16xf32, #tpu.memory_space<vmem>>
    %dma_start3A_20 = tpu.memref_squeeze %dma_start3A_19 : memref<1x128x16xf32, #tpu.memory_space<vmem>> -> memref<128x16xf32, #tpu.memory_space<vmem>>
    %dma_start3A_21 = tpu.memref_slice %arg5[%add3A_15] : memref<13312xi32, #tpu.memory_space<vmem>> -> memref<128xi32, #tpu.memory_space<vmem>>
    %dma_start3A_22 = arith.constant 0 : i32
    %dma_start3A_23 = arith.constant 0 : i32
    %dma_start3A_24 = tpu.memref_slice %arg2[%dma_start3A_22, %dma_start3A_23] : memref<1000000x16xf32, #tpu.memory_space<hbm>> -> memref<1000000x16xf32, #tpu.memory_space<hbm>>
    tpu.enqueue_indirect_dma source(%dma_start3A_24 : memref<1000000x16xf32, #tpu.memory_space<hbm>>) target(%dma_start3A_20 : memref<128x16xf32, #tpu.memory_space<vmem>>) offsets(%dma_start3A_21 : memref<128xi32, #tpu.memory_space<vmem>>) semaphore(%arg7 : memref<!tpu.dma_semaphore, #tpu.memory_space<semaphore_mem>>)
    %add3A_25 = arith.constant 256 : i32
    %add3A_26 = arith.addi %multiple_of3A_3, %add3A_25 : i32
    %dma_start3A_27 = arith.constant 0 : i32
    %dma_start3A_28 = arith.constant 256 : i32
    %dma_start3A_29 = arith.constant 0 : i32
    %dma_start3A_30 = tpu.memref_slice %arg6[%dma_start3A_27, %dma_start3A_28, %dma_start3A_29] : memref<2x1664x16xf32, #tpu.memory_space<vmem>> -> memref<1x128x16xf32, #tpu.memory_space<vmem>>
    %dma_start3A_31 = tpu.memref_squeeze %dma_start3A_30 : memref<1x128x16xf32, #tpu.memory_space<vmem>> -> memref<128x16xf32, #tpu.memory_space<vmem>>
    %dma_start3A_32 = tpu.memref_slice %arg5[%add3A_26] : memref<13312xi32, #tpu.memory_space<vmem>> -> memref<128xi32, #tpu.memory_space<vmem>>
    %dma_start3A_33 = arith.constant 0 : i32
    %dma_start3A_34 = arith.constant 0 : i32
    %dma_start3A_35 = tpu.memref_slice %arg2[%dma_start3A_33, %dma_start3A_34] : memref<1000000x16xf32, #tpu.memory_space<hbm>> -> memref<1000000x16xf32, #tpu.memory_space<hbm>>
    tpu.enqueue_indirect_dma source(%dma_start3A_35 : memref<1000000x16xf32, #tpu.memory_space<hbm>>) target(%dma_start3A_31 : memref<128x16xf32, #tpu.memory_space<vmem>>) offsets(%dma_start3A_32 : memref<128xi32, #tpu.memory_space<vmem>>) semaphore(%arg7 : memref<!tpu.dma_semaphore, #tpu.memory_space<semaphore_mem>>)
    %add3A_36 = arith.constant 384 : i32
    %add3A_37 = arith.addi %multiple_of3A_3, %add3A_36 : i32
    %dma_start3A_38 = arith.constant 0 : i32
    %dma_start3A_39 = arith.constant 384 : i32
    %dma_start3A_40 = arith.constant 0 : i32
    %dma_start3A_41 = tpu.memref_slice %arg6[%dma_start3A_38, %dma_start3A_39, %dma_start3A_40] : memref<2x1664x16xf32, #tpu.memory_space<vmem>> -> memref<1x128x16xf32, #tpu.memory_space<vmem>>
    %dma_start3A_42 = tpu.memref_squeeze %dma_start3A_41 : memref<1x128x16xf32, #tpu.memory_space<vmem>> -> memref<128x16xf32, #tpu.memory_space<vmem>>
    %dma_start3A_43 = tpu.memref_slice %arg5[%add3A_37] : memref<13312xi32, #tpu.memory_space<vmem>> -> memref<128xi32, #tpu.memory_space<vmem>>
    %dma_start3A_44 = arith.constant 0 : i32
    %dma_start3A_45 = arith.constant 0 : i32
    %dma_start3A_46 = tpu.memref_slice %arg2[%dma_start3A_44, %dma_start3A_45] : memref<1000000x16xf32, #tpu.memory_space<hbm>> -> memref<1000000x16xf32, #tpu.memory_space<hbm>>
    tpu.enqueue_indirect_dma source(%dma_start3A_46 : memref<1000000x16xf32, #tpu.memory_space<hbm>>) target(%dma_start3A_42 : memref<128x16xf32, #tpu.memory_space<vmem>>) offsets(%dma_start3A_43 : memref<128xi32, #tpu.memory_space<vmem>>) semaphore(%arg7 : memref<!tpu.dma_semaphore, #tpu.memory_space<semaphore_mem>>)
    %add3A_47 = arith.constant 512 : i32
    %add3A_48 = arith.addi %multiple_of3A_3, %add3A_47 : i32
    %dma_start3A_49 = arith.constant 0 : i32
    %dma_start3A_50 = arith.constant 512 : i32
    %dma_start3A_51 = arith.constant 0 : i32
    %dma_start3A_52 = tpu.memref_slice %arg6[%dma_start3A_49, %dma_start3A_50, %dma_start3A_51] : memref<2x1664x16xf32, #tpu.memory_space<vmem>> -> memref<1x128x16xf32, #tpu.memory_space<vmem>>
    %dma_start3A_53 = tpu.memref_squeeze %dma_start3A_52 : memref<1x128x16xf32, #tpu.memory_space<vmem>> -> memref<128x16xf32, #tpu.memory_space<vmem>>
    %dma_start3A_54 = tpu.memref_slice %arg5[%add3A_48] : memref<13312xi32, #tpu.memory_space<vmem>> -> memref<128xi32, #tpu.memory_space<vmem>>
    %dma_start3A_55 = arith.constant 0 : i32
    %dma_start3A_56 = arith.constant 0 : i32
    %dma_start3A_57 = tpu.memref_slice %arg2[%dma_start3A_55, %dma_start3A_56] : memref<1000000x16xf32, #tpu.memory_space<hbm>> -> memref<1000000x16xf32, #tpu.memory_space<hbm>>
    tpu.enqueue_indirect_dma source(%dma_start3A_57 : memref<1000000x16xf32, #tpu.memory_space<hbm>>) target(%dma_start3A_53 : memref<128x16xf32, #tpu.memory_space<vmem>>) offsets(%dma_start3A_54 : memref<128xi32, #tpu.memory_space<vmem>>) semaphore(%arg7 : memref<!tpu.dma_semaphore, #tpu.memory_space<semaphore_mem>>)
    %add3A_58 = arith.constant 640 : i32
    %add3A_59 = arith.addi %multiple_of3A_3, %add3A_58 : i32
    %dma_start3A_60 = arith.constant 0 : i32
    %dma_start3A_61 = arith.constant 640 : i32
    %dma_start3A_62 = arith.constant 0 : i32
    %dma_start3A_63 = tpu.memref_slice %arg6[%dma_start3A_60, %dma_start3A_61, %dma_start3A_62] : memref<2x1664x16xf32, #tpu.memory_space<vmem>> -> memref<1x128x16xf32, #tpu.memory_space<vmem>>
    %dma_start3A_64 = tpu.memref_squeeze %dma_start3A_63 : memref<1x128x16xf32, #tpu.memory_space<vmem>> -> memref<128x16xf32, #tpu.memory_space<vmem>>
    %dma_start3A_65 = tpu.memref_slice %arg5[%add3A_59] : memref<13312xi32, #tpu.memory_space<vmem>> -> memref<128xi32, #tpu.memory_space<vmem>>
    %dma_start3A_66 = arith.constant 0 : i32
    %dma_start3A_67 = arith.constant 0 : i32
    %dma_start3A_68 = tpu.memref_slice %arg2[%dma_start3A_66, %dma_start3A_67] : memref<1000000x16xf32, #tpu.memory_space<hbm>> -> memref<1000000x16xf32, #tpu.memory_space<hbm>>
    tpu.enqueue_indirect_dma source(%dma_start3A_68 : memref<1000000x16xf32, #tpu.memory_space<hbm>>) target(%dma_start3A_64 : memref<128x16xf32, #tpu.memory_space<vmem>>) offsets(%dma_start3A_65 : memref<128xi32, #tpu.memory_space<vmem>>) semaphore(%arg7 : memref<!tpu.dma_semaphore, #tpu.memory_space<semaphore_mem>>)
    %add3A_69 = arith.constant 768 : i32
    %add3A_70 = arith.addi %multiple_of3A_3, %add3A_69 : i32
    %dma_start3A_71 = arith.constant 0 : i32
    %dma_start3A_72 = arith.constant 768 : i32
    %dma_start3A_73 = arith.constant 0 : i32
    %dma_start3A_74 = tpu.memref_slice %arg6[%dma_start3A_71, %dma_start3A_72, %dma_start3A_73] : memref<2x1664x16xf32, #tpu.memory_space<vmem>> -> memref<1x128x16xf32, #tpu.memory_space<vmem>>
    %dma_start3A_75 = tpu.memref_squeeze %dma_start3A_74 : memref<1x128x16xf32, #tpu.memory_space<vmem>> -> memref<128x16xf32, #tpu.memory_space<vmem>>
    %dma_start3A_76 = tpu.memref_slice %arg5[%add3A_70] : memref<13312xi32, #tpu.memory_space<vmem>> -> memref<128xi32, #tpu.memory_space<vmem>>
    %dma_start3A_77 = arith.constant 0 : i32
    %dma_start3A_78 = arith.constant 0 : i32
    %dma_start3A_79 = tpu.memref_slice %arg2[%dma_start3A_77, %dma_start3A_78] : memref<1000000x16xf32, #tpu.memory_space<hbm>> -> memref<1000000x16xf32, #tpu.memory_space<hbm>>
    tpu.enqueue_indirect_dma source(%dma_start3A_79 : memref<1000000x16xf32, #tpu.memory_space<hbm>>) target(%dma_start3A_75 : memref<128x16xf32, #tpu.memory_space<vmem>>) offsets(%dma_start3A_76 : memref<128xi32, #tpu.memory_space<vmem>>) semaphore(%arg7 : memref<!tpu.dma_semaphore, #tpu.memory_space<semaphore_mem>>)
    %add3A_80 = arith.constant 896 : i32
    %add3A_81 = arith.addi %multiple_of3A_3, %add3A_80 : i32
    %dma_start3A_82 = arith.constant 0 : i32
    %dma_start3A_83 = arith.constant 896 : i32
    %dma_start3A_84 = arith.constant 0 : i32
    %dma_start3A_85 = tpu.memref_slice %arg6[%dma_start3A_82, %dma_start3A_83, %dma_start3A_84] : memref<2x1664x16xf32, #tpu.memory_space<vmem>> -> memref<1x128x16xf32, #tpu.memory_space<vmem>>
    %dma_start3A_86 = tpu.memref_squeeze %dma_start3A_85 : memref<1x128x16xf32, #tpu.memory_space<vmem>> -> memref<128x16xf32, #tpu.memory_space<vmem>>
    %dma_start3A_87 = tpu.memref_slice %arg5[%add3A_81] : memref<13312xi32, #tpu.memory_space<vmem>> -> memref<128xi32, #tpu.memory_space<vmem>>
    %dma_start3A_88 = arith.constant 0 : i32
    %dma_start3A_89 = arith.constant 0 : i32
    %dma_start3A_90 = tpu.memref_slice %arg2[%dma_start3A_88, %dma_start3A_89] : memref<1000000x16xf32, #tpu.memory_space<hbm>> -> memref<1000000x16xf32, #tpu.memory_space<hbm>>
    tpu.enqueue_indirect_dma source(%dma_start3A_90 : memref<1000000x16xf32, #tpu.memory_space<hbm>>) target(%dma_start3A_86 : memref<128x16xf32, #tpu.memory_space<vmem>>) offsets(%dma_start3A_87 : memref<128xi32, #tpu.memory_space<vmem>>) semaphore(%arg7 : memref<!tpu.dma_semaphore, #tpu.memory_space<semaphore_mem>>)
    %add3A_91 = arith.constant 1024 : i32
    %add3A_92 = arith.addi %multiple_of3A_3, %add3A_91 : i32
    %dma_start3A_93 = arith.constant 0 : i32
    %dma_start3A_94 = arith.constant 1024 : i32
    %dma_start3A_95 = arith.constant 0 : i32
    %dma_start3A_96 = tpu.memref_slice %arg6[%dma_start3A_93, %dma_start3A_94, %dma_start3A_95] : memref<2x1664x16xf32, #tpu.memory_space<vmem>> -> memref<1x128x16xf32, #tpu.memory_space<vmem>>
    %dma_start3A_97 = tpu.memref_squeeze %dma_start3A_96 : memref<1x128x16xf32, #tpu.memory_space<vmem>> -> memref<128x16xf32, #tpu.memory_space<vmem>>
    %dma_start3A_98 = tpu.memref_slice %arg5[%add3A_92] : memref<13312xi32, #tpu.memory_space<vmem>> -> memref<128xi32, #tpu.memory_space<vmem>>
    %dma_start3A_99 = arith.constant 0 : i32
    %dma_start3A_100 = arith.constant 0 : i32
    %dma_start3A_101 = tpu.memref_slice %arg2[%dma_start3A_99, %dma_start3A_100] : memref<1000000x16xf32, #tpu.memory_space<hbm>> -> memref<1000000x16xf32, #tpu.memory_space<hbm>>
    tpu.enqueue_indirect_dma source(%dma_start3A_101 : memref<1000000x16xf32, #tpu.memory_space<hbm>>) target(%dma_start3A_97 : memref<128x16xf32, #tpu.memory_space<vmem>>) offsets(%dma_start3A_98 : memref<128xi32, #tpu.memory_space<vmem>>) semaphore(%arg7 : memref<!tpu.dma_semaphore, #tpu.memory_space<semaphore_mem>>)
    %add3A_102 = arith.constant 1152 : i32
    %add3A_103 = arith.addi %multiple_of3A_3, %add3A_102 : i32
    %dma_start3A_104 = arith.constant 0 : i32
    %dma_start3A_105 = arith.constant 1152 : i32
    %dma_start3A_106 = arith.constant 0 : i32
    %dma_start3A_107 = tpu.memref_slice %arg6[%dma_start3A_104, %dma_start3A_105, %dma_start3A_106] : memref<2x1664x16xf32, #tpu.memory_space<vmem>> -> memref<1x128x16xf32, #tpu.memory_space<vmem>>
    %dma_start3A_108 = tpu.memref_squeeze %dma_start3A_107 : memref<1x128x16xf32, #tpu.memory_space<vmem>> -> memref<128x16xf32, #tpu.memory_space<vmem>>
    %dma_start3A_109 = tpu.memref_slice %arg5[%add3A_103] : memref<13312xi32, #tpu.memory_space<vmem>> -> memref<128xi32, #tpu.memory_space<vmem>>
    %dma_start3A_110 = arith.constant 0 : i32
    %dma_start3A_111 = arith.constant 0 : i32
    %dma_start3A_112 = tpu.memref_slice %arg2[%dma_start3A_110, %dma_start3A_111] : memref<1000000x16xf32, #tpu.memory_space<hbm>> -> memref<1000000x16xf32, #tpu.memory_space<hbm>>
    tpu.enqueue_indirect_dma source(%dma_start3A_112 : memref<1000000x16xf32, #tpu.memory_space<hbm>>) target(%dma_start3A_108 : memref<128x16xf32, #tpu.memory_space<vmem>>) offsets(%dma_start3A_109 : memref<128xi32, #tpu.memory_space<vmem>>) semaphore(%arg7 : memref<!tpu.dma_semaphore, #tpu.memory_space<semaphore_mem>>)
    %add3A_113 = arith.constant 1280 : i32
    %add3A_114 = arith.addi %multiple_of3A_3, %add3A_113 : i32
    %dma_start3A_115 = arith.constant 0 : i32
    %dma_start3A_116 = arith.constant 1280 : i32
    %dma_start3A_117 = arith.constant 0 : i32
    %dma_start3A_118 = tpu.memref_slice %arg6[%dma_start3A_115, %dma_start3A_116, %dma_start3A_117] : memref<2x1664x16xf32, #tpu.memory_space<vmem>> -> memref<1x128x16xf32, #tpu.memory_space<vmem>>
    %dma_start3A_119 = tpu.memref_squeeze %dma_start3A_118 : memref<1x128x16xf32, #tpu.memory_space<vmem>> -> memref<128x16xf32, #tpu.memory_space<vmem>>
    %dma_start3A_120 = tpu.memref_slice %arg5[%add3A_114] : memref<13312xi32, #tpu.memory_space<vmem>> -> memref<128xi32, #tpu.memory_space<vmem>>
    %dma_start3A_121 = arith.constant 0 : i32
    %dma_start3A_122 = arith.constant 0 : i32
    %dma_start3A_123 = tpu.memref_slice %arg2[%dma_start3A_121, %dma_start3A_122] : memref<1000000x16xf32, #tpu.memory_space<hbm>> -> memref<1000000x16xf32, #tpu.memory_space<hbm>>
    tpu.enqueue_indirect_dma source(%dma_start3A_123 : memref<1000000x16xf32, #tpu.memory_space<hbm>>) target(%dma_start3A_119 : memref<128x16xf32, #tpu.memory_space<vmem>>) offsets(%dma_start3A_120 : memref<128xi32, #tpu.memory_space<vmem>>) semaphore(%arg7 : memref<!tpu.dma_semaphore, #tpu.memory_space<semaphore_mem>>)
    %add3A_124 = arith.constant 1408 : i32
    %add3A_125 = arith.addi %multiple_of3A_3, %add3A_124 : i32
    %dma_start3A_126 = arith.constant 0 : i32
    %dma_start3A_127 = arith.constant 1408 : i32
    %dma_start3A_128 = arith.constant 0 : i32
    %dma_start3A_129 = tpu.memref_slice %arg6[%dma_start3A_126, %dma_start3A_127, %dma_start3A_128] : memref<2x1664x16xf32, #tpu.memory_space<vmem>> -> memref<1x128x16xf32, #tpu.memory_space<vmem>>
    %dma_start3A_130 = tpu.memref_squeeze %dma_start3A_129 : memref<1x128x16xf32, #tpu.memory_space<vmem>> -> memref<128x16xf32, #tpu.memory_space<vmem>>
    %dma_start3A_131 = tpu.memref_slice %arg5[%add3A_125] : memref<13312xi32, #tpu.memory_space<vmem>> -> memref<128xi32, #tpu.memory_space<vmem>>
    %dma_start3A_132 = arith.constant 0 : i32
    %dma_start3A_133 = arith.constant 0 : i32
    %dma_start3A_134 = tpu.memref_slice %arg2[%dma_start3A_132, %dma_start3A_133] : memref<1000000x16xf32, #tpu.memory_space<hbm>> -> memref<1000000x16xf32, #tpu.memory_space<hbm>>
    tpu.enqueue_indirect_dma source(%dma_start3A_134 : memref<1000000x16xf32, #tpu.memory_space<hbm>>) target(%dma_start3A_130 : memref<128x16xf32, #tpu.memory_space<vmem>>) offsets(%dma_start3A_131 : memref<128xi32, #tpu.memory_space<vmem>>) semaphore(%arg7 : memref<!tpu.dma_semaphore, #tpu.memory_space<semaphore_mem>>)
    %add3A_135 = arith.constant 1536 : i32
    %add3A_136 = arith.addi %multiple_of3A_3, %add3A_135 : i32
    %dma_start3A_137 = arith.constant 0 : i32
    %dma_start3A_138 = arith.constant 1536 : i32
    %dma_start3A_139 = arith.constant 0 : i32
    %dma_start3A_140 = tpu.memref_slice %arg6[%dma_start3A_137, %dma_start3A_138, %dma_start3A_139] : memref<2x1664x16xf32, #tpu.memory_space<vmem>> -> memref<1x128x16xf32, #tpu.memory_space<vmem>>
    %dma_start3A_141 = tpu.memref_squeeze %dma_start3A_140 : memref<1x128x16xf32, #tpu.memory_space<vmem>> -> memref<128x16xf32, #tpu.memory_space<vmem>>
    %dma_start3A_142 = tpu.memref_slice %arg5[%add3A_136] : memref<13312xi32, #tpu.memory_space<vmem>> -> memref<128xi32, #tpu.memory_space<vmem>>
    %dma_start3A_143 = arith.constant 0 : i32
    %dma_start3A_144 = arith.constant 0 : i32
    %dma_start3A_145 = tpu.memref_slice %arg2[%dma_start3A_143, %dma_start3A_144] : memref<1000000x16xf32, #tpu.memory_space<hbm>> -> memref<1000000x16xf32, #tpu.memory_space<hbm>>
    tpu.enqueue_indirect_dma source(%dma_start3A_145 : memref<1000000x16xf32, #tpu.memory_space<hbm>>) target(%dma_start3A_141 : memref<128x16xf32, #tpu.memory_space<vmem>>) offsets(%dma_start3A_142 : memref<128xi32, #tpu.memory_space<vmem>>) semaphore(%arg7 : memref<!tpu.dma_semaphore, #tpu.memory_space<semaphore_mem>>)
    %scan3A = arith.constant 0 : i32
    %scan3A_146 = arith.constant 0 : i32
    %scan3A_147 = arith.constant 4 : i32
    %scan3A_148 = arith.addi %scan3A_146, %scan3A_147 : i32
    %scan3A_149 = arith.constant 1 : i32
    %scan3A_150 = scf.for %scan3A_152 = %scan3A_146 to %scan3A_148 step %scan3A_149 iter_args(%scan3A_153 = %scan3A) -> (i32)  : i32 {
      %mul3A_154 = arith.constant 2 : i32
      %mul3A_155 = arith.muli %scan3A_152, %mul3A_154 : i32
      %add3A_156 = arith.constant 1 : i32
      %add3A_157 = arith.addi %mul3A_155, %add3A_156 : i32
      %mul3A_158 = arith.constant 1664 : i32
      %mul3A_159 = arith.muli %add3A_157, %mul3A_158 : i32
      %multiple_of3A_160 = tpu.assume_multiple %mul3A_159, 8 : i32
      %add3A_161 = arith.constant 0 : i32
      %add3A_162 = arith.addi %multiple_of3A_160, %add3A_161 : i32
      %dma_start3A_163 = arith.constant 1 : i32
      %dma_start3A_164 = arith.constant 0 : i32
      %dma_start3A_165 = arith.constant 0 : i32
      %dma_start3A_166 = tpu.memref_slice %arg6[%dma_start3A_163, %dma_start3A_164, %dma_start3A_165] : memref<2x1664x16xf32, #tpu.memory_space<vmem>> -> memref<1x128x16xf32, #tpu.memory_space<vmem>>
      %dma_start3A_167 = tpu.memref_squeeze %dma_start3A_166 : memref<1x128x16xf32, #tpu.memory_space<vmem>> -> memref<128x16xf32, #tpu.memory_space<vmem>>
      %dma_start3A_168 = tpu.memref_slice %arg5[%add3A_162] : memref<13312xi32, #tpu.memory_space<vmem>> -> memref<128xi32, #tpu.memory_space<vmem>>
      %dma_start3A_169 = arith.constant 0 : i32
      %dma_start3A_170 = arith.constant 0 : i32
      %dma_start3A_171 = tpu.memref_slice %arg2[%dma_start3A_169, %dma_start3A_170] : memref<1000000x16xf32, #tpu.memory_space<hbm>> -> memref<1000000x16xf32, #tpu.memory_space<hbm>>
      tpu.enqueue_indirect_dma source(%dma_start3A_171 : memref<1000000x16xf32, #tpu.memory_space<hbm>>) target(%dma_start3A_167 : memref<128x16xf32, #tpu.memory_space<vmem>>) offsets(%dma_start3A_168 : memref<128xi32, #tpu.memory_space<vmem>>) semaphore(%arg8 : memref<!tpu.dma_semaphore, #tpu.memory_space<semaphore_mem>>)
      %add3A_172 = arith.constant 128 : i32
      %add3A_173 = arith.addi %multiple_of3A_160, %add3A_172 : i32
      %dma_start3A_174 = arith.constant 1 : i32
      %dma_start3A_175 = arith.constant 128 : i32
      %dma_start3A_176 = arith.constant 0 : i32
      %dma_start3A_177 = tpu.memref_slice %arg6[%dma_start3A_174, %dma_start3A_175, %dma_start3A_176] : memref<2x1664x16xf32, #tpu.memory_space<vmem>> -> memref<1x128x16xf32, #tpu.memory_space<vmem>>
      %dma_start3A_178 = tpu.memref_squeeze %dma_start3A_177 : memref<1x128x16xf32, #tpu.memory_space<vmem>> -> memref<128x16xf32, #tpu.memory_space<vmem>>
      %dma_start3A_179 = tpu.memref_slice %arg5[%add3A_173] : memref<13312xi32, #tpu.memory_space<vmem>> -> memref<128xi32, #tpu.memory_space<vmem>>
      %dma_start3A_180 = arith.constant 0 : i32
      %dma_start3A_181 = arith.constant 0 : i32
      %dma_start3A_182 = tpu.memref_slice %arg2[%dma_start3A_180, %dma_start3A_181] : memref<1000000x16xf32, #tpu.memory_space<hbm>> -> memref<1000000x16xf32, #tpu.memory_space<hbm>>
      tpu.enqueue_indirect_dma source(%dma_start3A_182 : memref<1000000x16xf32, #tpu.memory_space<hbm>>) target(%dma_start3A_178 : memref<128x16xf32, #tpu.memory_space<vmem>>) offsets(%dma_start3A_179 : memref<128xi32, #tpu.memory_space<vmem>>) semaphore(%arg8 : memref<!tpu.dma_semaphore, #tpu.memory_space<semaphore_mem>>)
      %add3A_183 = arith.constant 256 : i32
      %add3A_184 = arith.addi %multiple_of3A_160, %add3A_183 : i32
      %dma_start3A_185 = arith.constant 1 : i32
      %dma_start3A_186 = arith.constant 256 : i32
      %dma_start3A_187 = arith.constant 0 : i32
      %dma_start3A_188 = tpu.memref_slice %arg6[%dma_start3A_185, %dma_start3A_186, %dma_start3A_187] : memref<2x1664x16xf32, #tpu.memory_space<vmem>> -> memref<1x128x16xf32, #tpu.memory_space<vmem>>
      %dma_start3A_189 = tpu.memref_squeeze %dma_start3A_188 : memref<1x128x16xf32, #tpu.memory_space<vmem>> -> memref<128x16xf32, #tpu.memory_space<vmem>>
      %dma_start3A_190 = tpu.memref_slice %arg5[%add3A_184] : memref<13312xi32, #tpu.memory_space<vmem>> -> memref<128xi32, #tpu.memory_space<vmem>>
      %dma_start3A_191 = arith.constant 0 : i32
      %dma_start3A_192 = arith.constant 0 : i32
      %dma_start3A_193 = tpu.memref_slice %arg2[%dma_start3A_191, %dma_start3A_192] : memref<1000000x16xf32, #tpu.memory_space<hbm>> -> memref<1000000x16xf32, #tpu.memory_space<hbm>>
      tpu.enqueue_indirect_dma source(%dma_start3A_193 : memref<1000000x16xf32, #tpu.memory_space<hbm>>) target(%dma_start3A_189 : memref<128x16xf32, #tpu.memory_space<vmem>>) offsets(%dma_start3A_190 : memref<128xi32, #tpu.memory_space<vmem>>) semaphore(%arg8 : memref<!tpu.dma_semaphore, #tpu.memory_space<semaphore_mem>>)
      %add3A_194 = arith.constant 384 : i32
      %add3A_195 = arith.addi %multiple_of3A_160, %add3A_194 : i32
      %dma_start3A_196 = arith.constant 1 : i32
      %dma_start3A_197 = arith.constant 384 : i32
      %dma_start3A_198 = arith.constant 0 : i32
      %dma_start3A_199 = tpu.memref_slice %arg6[%dma_start3A_196, %dma_start3A_197, %dma_start3A_198] : memref<2x1664x16xf32, #tpu.memory_space<vmem>> -> memref<1x128x16xf32, #tpu.memory_space<vmem>>
      %dma_start3A_200 = tpu.memref_squeeze %dma_start3A_199 : memref<1x128x16xf32, #tpu.memory_space<vmem>> -> memref<128x16xf32, #tpu.memory_space<vmem>>
      %dma_start3A_201 = tpu.memref_slice %arg5[%add3A_195] : memref<13312xi32, #tpu.memory_space<vmem>> -> memref<128xi32, #tpu.memory_space<vmem>>
      %dma_start3A_202 = arith.constant 0 : i32
      %dma_start3A_203 = arith.constant 0 : i32
      %dma_start3A_204 = tpu.memref_slice %arg2[%dma_start3A_202, %dma_start3A_203] : memref<1000000x16xf32, #tpu.memory_space<hbm>> -> memref<1000000x16xf32, #tpu.memory_space<hbm>>
      tpu.enqueue_indirect_dma source(%dma_start3A_204 : memref<1000000x16xf32, #tpu.memory_space<hbm>>) target(%dma_start3A_200 : memref<128x16xf32, #tpu.memory_space<vmem>>) offsets(%dma_start3A_201 : memref<128xi32, #tpu.memory_space<vmem>>) semaphore(%arg8 : memref<!tpu.dma_semaphore, #tpu.memory_space<semaphore_mem>>)
      %add3A_205 = arith.constant 512 : i32
      %add3A_206 = arith.addi %multiple_of3A_160, %add3A_205 : i32
      %dma_start3A_207 = arith.constant 1 : i32
      %dma_start3A_208 = arith.constant 512 : i32
      %dma_start3A_209 = arith.constant 0 : i32
      %dma_start3A_210 = tpu.memref_slice %arg6[%dma_start3A_207, %dma_start3A_208, %dma_start3A_209] : memref<2x1664x16xf32, #tpu.memory_space<vmem>> -> memref<1x128x16xf32, #tpu.memory_space<vmem>>
      %dma_start3A_211 = tpu.memref_squeeze %dma_start3A_210 : memref<1x128x16xf32, #tpu.memory_space<vmem>> -> memref<128x16xf32, #tpu.memory_space<vmem>>
      %dma_start3A_212 = tpu.memref_slice %arg5[%add3A_206] : memref<13312xi32, #tpu.memory_space<vmem>> -> memref<128xi32, #tpu.memory_space<vmem>>
      %dma_start3A_213 = arith.constant 0 : i32
      %dma_start3A_214 = arith.constant 0 : i32
      %dma_start3A_215 = tpu.memref_slice %arg2[%dma_start3A_213, %dma_start3A_214] : memref<1000000x16xf32, #tpu.memory_space<hbm>> -> memref<1000000x16xf32, #tpu.memory_space<hbm>>
      tpu.enqueue_indirect_dma source(%dma_start3A_215 : memref<1000000x16xf32, #tpu.memory_space<hbm>>) target(%dma_start3A_211 : memref<128x16xf32, #tpu.memory_space<vmem>>) offsets(%dma_start3A_212 : memref<128xi32, #tpu.memory_space<vmem>>) semaphore(%arg8 : memref<!tpu.dma_semaphore, #tpu.memory_space<semaphore_mem>>)
      %add3A_216 = arith.constant 640 : i32
      %add3A_217 = arith.addi %multiple_of3A_160, %add3A_216 : i32
      %dma_start3A_218 = arith.constant 1 : i32
      %dma_start3A_219 = arith.constant 640 : i32
      %dma_start3A_220 = arith.constant 0 : i32
      %dma_start3A_221 = tpu.memref_slice %arg6[%dma_start3A_218, %dma_start3A_219, %dma_start3A_220] : memref<2x1664x16xf32, #tpu.memory_space<vmem>> -> memref<1x128x16xf32, #tpu.memory_space<vmem>>
      %dma_start3A_222 = tpu.memref_squeeze %dma_start3A_221 : memref<1x128x16xf32, #tpu.memory_space<vmem>> -> memref<128x16xf32, #tpu.memory_space<vmem>>
      %dma_start3A_223 = tpu.memref_slice %arg5[%add3A_217] : memref<13312xi32, #tpu.memory_space<vmem>> -> memref<128xi32, #tpu.memory_space<vmem>>
      %dma_start3A_224 = arith.constant 0 : i32
      %dma_start3A_225 = arith.constant 0 : i32
      %dma_start3A_226 = tpu.memref_slice %arg2[%dma_start3A_224, %dma_start3A_225] : memref<1000000x16xf32, #tpu.memory_space<hbm>> -> memref<1000000x16xf32, #tpu.memory_space<hbm>>
      tpu.enqueue_indirect_dma source(%dma_start3A_226 : memref<1000000x16xf32, #tpu.memory_space<hbm>>) target(%dma_start3A_222 : memref<128x16xf32, #tpu.memory_space<vmem>>) offsets(%dma_start3A_223 : memref<128xi32, #tpu.memory_space<vmem>>) semaphore(%arg8 : memref<!tpu.dma_semaphore, #tpu.memory_space<semaphore_mem>>)
      %add3A_227 = arith.constant 768 : i32
      %add3A_228 = arith.addi %multiple_of3A_160, %add3A_227 : i32
      %dma_start3A_229 = arith.constant 1 : i32
      %dma_start3A_230 = arith.constant 768 : i32
      %dma_start3A_231 = arith.constant 0 : i32
      %dma_start3A_232 = tpu.memref_slice %arg6[%dma_start3A_229, %dma_start3A_230, %dma_start3A_231] : memref<2x1664x16xf32, #tpu.memory_space<vmem>> -> memref<1x128x16xf32, #tpu.memory_space<vmem>>
      %dma_start3A_233 = tpu.memref_squeeze %dma_start3A_232 : memref<1x128x16xf32, #tpu.memory_space<vmem>> -> memref<128x16xf32, #tpu.memory_space<vmem>>
      %dma_start3A_234 = tpu.memref_slice %arg5[%add3A_228] : memref<13312xi32, #tpu.memory_space<vmem>> -> memref<128xi32, #tpu.memory_space<vmem>>
      %dma_start3A_235 = arith.constant 0 : i32
      %dma_start3A_236 = arith.constant 0 : i32
      %dma_start3A_237 = tpu.memref_slice %arg2[%dma_start3A_235, %dma_start3A_236] : memref<1000000x16xf32, #tpu.memory_space<hbm>> -> memref<1000000x16xf32, #tpu.memory_space<hbm>>
      tpu.enqueue_indirect_dma source(%dma_start3A_237 : memref<1000000x16xf32, #tpu.memory_space<hbm>>) target(%dma_start3A_233 : memref<128x16xf32, #tpu.memory_space<vmem>>) offsets(%dma_start3A_234 : memref<128xi32, #tpu.memory_space<vmem>>) semaphore(%arg8 : memref<!tpu.dma_semaphore, #tpu.memory_space<semaphore_mem>>)
      %add3A_238 = arith.constant 896 : i32
      %add3A_239 = arith.addi %multiple_of3A_160, %add3A_238 : i32
      %dma_start3A_240 = arith.constant 1 : i32
      %dma_start3A_241 = arith.constant 896 : i32
      %dma_start3A_242 = arith.constant 0 : i32
      %dma_start3A_243 = tpu.memref_slice %arg6[%dma_start3A_240, %dma_start3A_241, %dma_start3A_242] : memref<2x1664x16xf32, #tpu.memory_space<vmem>> -> memref<1x128x16xf32, #tpu.memory_space<vmem>>
      %dma_start3A_244 = tpu.memref_squeeze %dma_start3A_243 : memref<1x128x16xf32, #tpu.memory_space<vmem>> -> memref<128x16xf32, #tpu.memory_space<vmem>>
      %dma_start3A_245 = tpu.memref_slice %arg5[%add3A_239] : memref<13312xi32, #tpu.memory_space<vmem>> -> memref<128xi32, #tpu.memory_space<vmem>>
      %dma_start3A_246 = arith.constant 0 : i32
      %dma_start3A_247 = arith.constant 0 : i32
      %dma_start3A_248 = tpu.memref_slice %arg2[%dma_start3A_246, %dma_start3A_247] : memref<1000000x16xf32, #tpu.memory_space<hbm>> -> memref<1000000x16xf32, #tpu.memory_space<hbm>>
      tpu.enqueue_indirect_dma source(%dma_start3A_248 : memref<1000000x16xf32, #tpu.memory_space<hbm>>) target(%dma_start3A_244 : memref<128x16xf32, #tpu.memory_space<vmem>>) offsets(%dma_start3A_245 : memref<128xi32, #tpu.memory_space<vmem>>) semaphore(%arg8 : memref<!tpu.dma_semaphore, #tpu.memory_space<semaphore_mem>>)
      %add3A_249 = arith.constant 1024 : i32
      %add3A_250 = arith.addi %multiple_of3A_160, %add3A_249 : i32
      %dma_start3A_251 = arith.constant 1 : i32
      %dma_start3A_252 = arith.constant 1024 : i32
      %dma_start3A_253 = arith.constant 0 : i32
      %dma_start3A_254 = tpu.memref_slice %arg6[%dma_start3A_251, %dma_start3A_252, %dma_start3A_253] : memref<2x1664x16xf32, #tpu.memory_space<vmem>> -> memref<1x128x16xf32, #tpu.memory_space<vmem>>
      %dma_start3A_255 = tpu.memref_squeeze %dma_start3A_254 : memref<1x128x16xf32, #tpu.memory_space<vmem>> -> memref<128x16xf32, #tpu.memory_space<vmem>>
      %dma_start3A_256 = tpu.memref_slice %arg5[%add3A_250] : memref<13312xi32, #tpu.memory_space<vmem>> -> memref<128xi32, #tpu.memory_space<vmem>>
      %dma_start3A_257 = arith.constant 0 : i32
      %dma_start3A_258 = arith.constant 0 : i32
      %dma_start3A_259 = tpu.memref_slice %arg2[%dma_start3A_257, %dma_start3A_258] : memref<1000000x16xf32, #tpu.memory_space<hbm>> -> memref<1000000x16xf32, #tpu.memory_space<hbm>>
      tpu.enqueue_indirect_dma source(%dma_start3A_259 : memref<1000000x16xf32, #tpu.memory_space<hbm>>) target(%dma_start3A_255 : memref<128x16xf32, #tpu.memory_space<vmem>>) offsets(%dma_start3A_256 : memref<128xi32, #tpu.memory_space<vmem>>) semaphore(%arg8 : memref<!tpu.dma_semaphore, #tpu.memory_space<semaphore_mem>>)
      %add3A_260 = arith.constant 1152 : i32
      %add3A_261 = arith.addi %multiple_of3A_160, %add3A_260 : i32
      %dma_start3A_262 = arith.constant 1 : i32
      %dma_start3A_263 = arith.constant 1152 : i32
      %dma_start3A_264 = arith.constant 0 : i32
      %dma_start3A_265 = tpu.memref_slice %arg6[%dma_start3A_262, %dma_start3A_263, %dma_start3A_264] : memref<2x1664x16xf32, #tpu.memory_space<vmem>> -> memref<1x128x16xf32, #tpu.memory_space<vmem>>
      %dma_start3A_266 = tpu.memref_squeeze %dma_start3A_265 : memref<1x128x16xf32, #tpu.memory_space<vmem>> -> memref<128x16xf32, #tpu.memory_space<vmem>>
      %dma_start3A_267 = tpu.memref_slice %arg5[%add3A_261] : memref<13312xi32, #tpu.memory_space<vmem>> -> memref<128xi32, #tpu.memory_space<vmem>>
      %dma_start3A_268 = arith.constant 0 : i32
      %dma_start3A_269 = arith.constant 0 : i32
      %dma_start3A_270 = tpu.memref_slice %arg2[%dma_start3A_268, %dma_start3A_269] : memref<1000000x16xf32, #tpu.memory_space<hbm>> -> memref<1000000x16xf32, #tpu.memory_space<hbm>>
      tpu.enqueue_indirect_dma source(%dma_start3A_270 : memref<1000000x16xf32, #tpu.memory_space<hbm>>) target(%dma_start3A_266 : memref<128x16xf32, #tpu.memory_space<vmem>>) offsets(%dma_start3A_267 : memref<128xi32, #tpu.memory_space<vmem>>) semaphore(%arg8 : memref<!tpu.dma_semaphore, #tpu.memory_space<semaphore_mem>>)
      %add3A_271 = arith.constant 1280 : i32
      %add3A_272 = arith.addi %multiple_of3A_160, %add3A_271 : i32
      %dma_start3A_273 = arith.constant 1 : i32
      %dma_start3A_274 = arith.constant 1280 : i32
      %dma_start3A_275 = arith.constant 0 : i32
      %dma_start3A_276 = tpu.memref_slice %arg6[%dma_start3A_273, %dma_start3A_274, %dma_start3A_275] : memref<2x1664x16xf32, #tpu.memory_space<vmem>> -> memref<1x128x16xf32, #tpu.memory_space<vmem>>
      %dma_start3A_277 = tpu.memref_squeeze %dma_start3A_276 : memref<1x128x16xf32, #tpu.memory_space<vmem>> -> memref<128x16xf32, #tpu.memory_space<vmem>>
      %dma_start3A_278 = tpu.memref_slice %arg5[%add3A_272] : memref<13312xi32, #tpu.memory_space<vmem>> -> memref<128xi32, #tpu.memory_space<vmem>>
      %dma_start3A_279 = arith.constant 0 : i32
      %dma_start3A_280 = arith.constant 0 : i32
      %dma_start3A_281 = tpu.memref_slice %arg2[%dma_start3A_279, %dma_start3A_280] : memref<1000000x16xf32, #tpu.memory_space<hbm>> -> memref<1000000x16xf32, #tpu.memory_space<hbm>>
      tpu.enqueue_indirect_dma source(%dma_start3A_281 : memref<1000000x16xf32, #tpu.memory_space<hbm>>) target(%dma_start3A_277 : memref<128x16xf32, #tpu.memory_space<vmem>>) offsets(%dma_start3A_278 : memref<128xi32, #tpu.memory_space<vmem>>) semaphore(%arg8 : memref<!tpu.dma_semaphore, #tpu.memory_space<semaphore_mem>>)
      %add3A_282 = arith.constant 1408 : i32
      %add3A_283 = arith.addi %multiple_of3A_160, %add3A_282 : i32
      %dma_start3A_284 = arith.constant 1 : i32
      %dma_start3A_285 = arith.constant 1408 : i32
      %dma_start3A_286 = arith.constant 0 : i32
      %dma_start3A_287 = tpu.memref_slice %arg6[%dma_start3A_284, %dma_start3A_285, %dma_start3A_286] : memref<2x1664x16xf32, #tpu.memory_space<vmem>> -> memref<1x128x16xf32, #tpu.memory_space<vmem>>
      %dma_start3A_288 = tpu.memref_squeeze %dma_start3A_287 : memref<1x128x16xf32, #tpu.memory_space<vmem>> -> memref<128x16xf32, #tpu.memory_space<vmem>>
      %dma_start3A_289 = tpu.memref_slice %arg5[%add3A_283] : memref<13312xi32, #tpu.memory_space<vmem>> -> memref<128xi32, #tpu.memory_space<vmem>>
      %dma_start3A_290 = arith.constant 0 : i32
      %dma_start3A_291 = arith.constant 0 : i32
      %dma_start3A_292 = tpu.memref_slice %arg2[%dma_start3A_290, %dma_start3A_291] : memref<1000000x16xf32, #tpu.memory_space<hbm>> -> memref<1000000x16xf32, #tpu.memory_space<hbm>>
      tpu.enqueue_indirect_dma source(%dma_start3A_292 : memref<1000000x16xf32, #tpu.memory_space<hbm>>) target(%dma_start3A_288 : memref<128x16xf32, #tpu.memory_space<vmem>>) offsets(%dma_start3A_289 : memref<128xi32, #tpu.memory_space<vmem>>) semaphore(%arg8 : memref<!tpu.dma_semaphore, #tpu.memory_space<semaphore_mem>>)
      %add3A_293 = arith.constant 1536 : i32
      %add3A_294 = arith.addi %multiple_of3A_160, %add3A_293 : i32
      %dma_start3A_295 = arith.constant 1 : i32
      %dma_start3A_296 = arith.constant 1536 : i32
      %dma_start3A_297 = arith.constant 0 : i32
      %dma_start3A_298 = tpu.memref_slice %arg6[%dma_start3A_295, %dma_start3A_296, %dma_start3A_297] : memref<2x1664x16xf32, #tpu.memory_space<vmem>> -> memref<1x128x16xf32, #tpu.memory_space<vmem>>
      %dma_start3A_299 = tpu.memref_squeeze %dma_start3A_298 : memref<1x128x16xf32, #tpu.memory_space<vmem>> -> memref<128x16xf32, #tpu.memory_space<vmem>>
      %dma_start3A_300 = tpu.memref_slice %arg5[%add3A_294] : memref<13312xi32, #tpu.memory_space<vmem>> -> memref<128xi32, #tpu.memory_space<vmem>>
      %dma_start3A_301 = arith.constant 0 : i32
      %dma_start3A_302 = arith.constant 0 : i32
      %dma_start3A_303 = tpu.memref_slice %arg2[%dma_start3A_301, %dma_start3A_302] : memref<1000000x16xf32, #tpu.memory_space<hbm>> -> memref<1000000x16xf32, #tpu.memory_space<hbm>>
      tpu.enqueue_indirect_dma source(%dma_start3A_303 : memref<1000000x16xf32, #tpu.memory_space<hbm>>) target(%dma_start3A_299 : memref<128x16xf32, #tpu.memory_space<vmem>>) offsets(%dma_start3A_300 : memref<128xi32, #tpu.memory_space<vmem>>) semaphore(%arg8 : memref<!tpu.dma_semaphore, #tpu.memory_space<semaphore_mem>>)
      %dma_wait3A = arith.constant 0 : i32
      %dma_wait3A_304 = arith.constant 0 : i32
      %dma_wait3A_305 = arith.constant 0 : i32
      %dma_wait3A_306 = tpu.memref_slice %arg6[%dma_wait3A, %dma_wait3A_304, %dma_wait3A_305] : memref<2x1664x16xf32, #tpu.memory_space<vmem>> -> memref<1x128x16xf32, #tpu.memory_space<vmem>>
      %dma_wait3A_307 = tpu.memref_squeeze %dma_wait3A_306 : memref<1x128x16xf32, #tpu.memory_space<vmem>> -> memref<128x16xf32, #tpu.memory_space<vmem>>
      %dma_wait3A_308 = arith.constant 0 : i32
      %dma_wait3A_309 = tpu.memref_slice %arg5[%dma_wait3A_308] : memref<13312xi32, #tpu.memory_space<vmem>> -> memref<128xi32, #tpu.memory_space<vmem>>
      %dma_wait3A_310 = arith.constant 0 : i32
      %dma_wait3A_311 = arith.constant 0 : i32
      %dma_wait3A_312 = tpu.memref_slice %arg2[%dma_wait3A_310, %dma_wait3A_311] : memref<1000000x16xf32, #tpu.memory_space<hbm>> -> memref<1000000x16xf32, #tpu.memory_space<hbm>>
      tpu.wait_indirect_dma semaphore(%arg7 : memref<!tpu.dma_semaphore, #tpu.memory_space<semaphore_mem>>) src(%dma_wait3A_312 : memref<1000000x16xf32, #tpu.memory_space<hbm>>) dst(%dma_wait3A_307 : memref<128x16xf32, #tpu.memory_space<vmem>>)
      %dma_wait3A_313 = arith.constant 0 : i32
      %dma_wait3A_314 = arith.constant 128 : i32
      %dma_wait3A_315 = arith.constant 0 : i32
      %dma_wait3A_316 = tpu.memref_slice %arg6[%dma_wait3A_313, %dma_wait3A_314, %dma_wait3A_315] : memref<2x1664x16xf32, #tpu.memory_space<vmem>> -> memref<1x128x16xf32, #tpu.memory_space<vmem>>
      %dma_wait3A_317 = tpu.memref_squeeze %dma_wait3A_316 : memref<1x128x16xf32, #tpu.memory_space<vmem>> -> memref<128x16xf32, #tpu.memory_space<vmem>>
      %dma_wait3A_318 = arith.constant 128 : i32
      %dma_wait3A_319 = tpu.memref_slice %arg5[%dma_wait3A_318] : memref<13312xi32, #tpu.memory_space<vmem>> -> memref<128xi32, #tpu.memory_space<vmem>>
      %dma_wait3A_320 = arith.constant 0 : i32
      %dma_wait3A_321 = arith.constant 0 : i32
      %dma_wait3A_322 = tpu.memref_slice %arg2[%dma_wait3A_320, %dma_wait3A_321] : memref<1000000x16xf32, #tpu.memory_space<hbm>> -> memref<1000000x16xf32, #tpu.memory_space<hbm>>
      tpu.wait_indirect_dma semaphore(%arg7 : memref<!tpu.dma_semaphore, #tpu.memory_space<semaphore_mem>>) src(%dma_wait3A_322 : memref<1000000x16xf32, #tpu.memory_space<hbm>>) dst(%dma_wait3A_317 : memref<128x16xf32, #tpu.memory_space<vmem>>)
      %dma_wait3A_323 = arith.constant 0 : i32
      %dma_wait3A_324 = arith.constant 256 : i32
      %dma_wait3A_325 = arith.constant 0 : i32
      %dma_wait3A_326 = tpu.memref_slice %arg6[%dma_wait3A_323, %dma_wait3A_324, %dma_wait3A_325] : memref<2x1664x16xf32, #tpu.memory_space<vmem>> -> memref<1x128x16xf32, #tpu.memory_space<vmem>>
      %dma_wait3A_327 = tpu.memref_squeeze %dma_wait3A_326 : memref<1x128x16xf32, #tpu.memory_space<vmem>> -> memref<128x16xf32, #tpu.memory_space<vmem>>
      %dma_wait3A_328 = arith.constant 256 : i32
      %dma_wait3A_329 = tpu.memref_slice %arg5[%dma_wait3A_328] : memref<13312xi32, #tpu.memory_space<vmem>> -> memref<128xi32, #tpu.memory_space<vmem>>
      %dma_wait3A_330 = arith.constant 0 : i32
      %dma_wait3A_331 = arith.constant 0 : i32
      %dma_wait3A_332 = tpu.memref_slice %arg2[%dma_wait3A_330, %dma_wait3A_331] : memref<1000000x16xf32, #tpu.memory_space<hbm>> -> memref<1000000x16xf32, #tpu.memory_space<hbm>>
      tpu.wait_indirect_dma semaphore(%arg7 : memref<!tpu.dma_semaphore, #tpu.memory_space<semaphore_mem>>) src(%dma_wait3A_332 : memref<1000000x16xf32, #tpu.memory_space<hbm>>) dst(%dma_wait3A_327 : memref<128x16xf32, #tpu.memory_space<vmem>>)
      %dma_wait3A_333 = arith.constant 0 : i32
      %dma_wait3A_334 = arith.constant 384 : i32
      %dma_wait3A_335 = arith.constant 0 : i32
      %dma_wait3A_336 = tpu.memref_slice %arg6[%dma_wait3A_333, %dma_wait3A_334, %dma_wait3A_335] : memref<2x1664x16xf32, #tpu.memory_space<vmem>> -> memref<1x128x16xf32, #tpu.memory_space<vmem>>
      %dma_wait3A_337 = tpu.memref_squeeze %dma_wait3A_336 : memref<1x128x16xf32, #tpu.memory_space<vmem>> -> memref<128x16xf32, #tpu.memory_space<vmem>>
      %dma_wait3A_338 = arith.constant 384 : i32
      %dma_wait3A_339 = tpu.memref_slice %arg5[%dma_wait3A_338] : memref<13312xi32, #tpu.memory_space<vmem>> -> memref<128xi32, #tpu.memory_space<vmem>>
      %dma_wait3A_340 = arith.constant 0 : i32
      %dma_wait3A_341 = arith.constant 0 : i32
      %dma_wait3A_342 = tpu.memref_slice %arg2[%dma_wait3A_340, %dma_wait3A_341] : memref<1000000x16xf32, #tpu.memory_space<hbm>> -> memref<1000000x16xf32, #tpu.memory_space<hbm>>
      tpu.wait_indirect_dma semaphore(%arg7 : memref<!tpu.dma_semaphore, #tpu.memory_space<semaphore_mem>>) src(%dma_wait3A_342 : memref<1000000x16xf32, #tpu.memory_space<hbm>>) dst(%dma_wait3A_337 : memref<128x16xf32, #tpu.memory_space<vmem>>)
      %dma_wait3A_343 = arith.constant 0 : i32
      %dma_wait3A_344 = arith.constant 512 : i32
      %dma_wait3A_345 = arith.constant 0 : i32
      %dma_wait3A_346 = tpu.memref_slice %arg6[%dma_wait3A_343, %dma_wait3A_344, %dma_wait3A_345] : memref<2x1664x16xf32, #tpu.memory_space<vmem>> -> memref<1x128x16xf32, #tpu.memory_space<vmem>>
      %dma_wait3A_347 = tpu.memref_squeeze %dma_wait3A_346 : memref<1x128x16xf32, #tpu.memory_space<vmem>> -> memref<128x16xf32, #tpu.memory_space<vmem>>
      %dma_wait3A_348 = arith.constant 512 : i32
      %dma_wait3A_349 = tpu.memref_slice %arg5[%dma_wait3A_348] : memref<13312xi32, #tpu.memory_space<vmem>> -> memref<128xi32, #tpu.memory_space<vmem>>
      %dma_wait3A_350 = arith.constant 0 : i32
      %dma_wait3A_351 = arith.constant 0 : i32
      %dma_wait3A_352 = tpu.memref_slice %arg2[%dma_wait3A_350, %dma_wait3A_351] : memref<1000000x16xf32, #tpu.memory_space<hbm>> -> memref<1000000x16xf32, #tpu.memory_space<hbm>>
      tpu.wait_indirect_dma semaphore(%arg7 : memref<!tpu.dma_semaphore, #tpu.memory_space<semaphore_mem>>) src(%dma_wait3A_352 : memref<1000000x16xf32, #tpu.memory_space<hbm>>) dst(%dma_wait3A_347 : memref<128x16xf32, #tpu.memory_space<vmem>>)
      %dma_wait3A_353 = arith.constant 0 : i32
      %dma_wait3A_354 = arith.constant 640 : i32
      %dma_wait3A_355 = arith.constant 0 : i32
      %dma_wait3A_356 = tpu.memref_slice %arg6[%dma_wait3A_353, %dma_wait3A_354, %dma_wait3A_355] : memref<2x1664x16xf32, #tpu.memory_space<vmem>> -> memref<1x128x16xf32, #tpu.memory_space<vmem>>
      %dma_wait3A_357 = tpu.memref_squeeze %dma_wait3A_356 : memref<1x128x16xf32, #tpu.memory_space<vmem>> -> memref<128x16xf32, #tpu.memory_space<vmem>>
      %dma_wait3A_358 = arith.constant 640 : i32
      %dma_wait3A_359 = tpu.memref_slice %arg5[%dma_wait3A_358] : memref<13312xi32, #tpu.memory_space<vmem>> -> memref<128xi32, #tpu.memory_space<vmem>>
      %dma_wait3A_360 = arith.constant 0 : i32
      %dma_wait3A_361 = arith.constant 0 : i32
      %dma_wait3A_362 = tpu.memref_slice %arg2[%dma_wait3A_360, %dma_wait3A_361] : memref<1000000x16xf32, #tpu.memory_space<hbm>> -> memref<1000000x16xf32, #tpu.memory_space<hbm>>
      tpu.wait_indirect_dma semaphore(%arg7 : memref<!tpu.dma_semaphore, #tpu.memory_space<semaphore_mem>>) src(%dma_wait3A_362 : memref<1000000x16xf32, #tpu.memory_space<hbm>>) dst(%dma_wait3A_357 : memref<128x16xf32, #tpu.memory_space<vmem>>)
      %dma_wait3A_363 = arith.constant 0 : i32
      %dma_wait3A_364 = arith.constant 768 : i32
      %dma_wait3A_365 = arith.constant 0 : i32
      %dma_wait3A_366 = tpu.memref_slice %arg6[%dma_wait3A_363, %dma_wait3A_364, %dma_wait3A_365] : memref<2x1664x16xf32, #tpu.memory_space<vmem>> -> memref<1x128x16xf32, #tpu.memory_space<vmem>>
      %dma_wait3A_367 = tpu.memref_squeeze %dma_wait3A_366 : memref<1x128x16xf32, #tpu.memory_space<vmem>> -> memref<128x16xf32, #tpu.memory_space<vmem>>
      %dma_wait3A_368 = arith.constant 768 : i32
      %dma_wait3A_369 = tpu.memref_slice %arg5[%dma_wait3A_368] : memref<13312xi32, #tpu.memory_space<vmem>> -> memref<128xi32, #tpu.memory_space<vmem>>
      %dma_wait3A_370 = arith.constant 0 : i32
      %dma_wait3A_371 = arith.constant 0 : i32
      %dma_wait3A_372 = tpu.memref_slice %arg2[%dma_wait3A_370, %dma_wait3A_371] : memref<1000000x16xf32, #tpu.memory_space<hbm>> -> memref<1000000x16xf32, #tpu.memory_space<hbm>>
      tpu.wait_indirect_dma semaphore(%arg7 : memref<!tpu.dma_semaphore, #tpu.memory_space<semaphore_mem>>) src(%dma_wait3A_372 : memref<1000000x16xf32, #tpu.memory_space<hbm>>) dst(%dma_wait3A_367 : memref<128x16xf32, #tpu.memory_space<vmem>>)
      %dma_wait3A_373 = arith.constant 0 : i32
      %dma_wait3A_374 = arith.constant 896 : i32
      %dma_wait3A_375 = arith.constant 0 : i32
      %dma_wait3A_376 = tpu.memref_slice %arg6[%dma_wait3A_373, %dma_wait3A_374, %dma_wait3A_375] : memref<2x1664x16xf32, #tpu.memory_space<vmem>> -> memref<1x128x16xf32, #tpu.memory_space<vmem>>
      %dma_wait3A_377 = tpu.memref_squeeze %dma_wait3A_376 : memref<1x128x16xf32, #tpu.memory_space<vmem>> -> memref<128x16xf32, #tpu.memory_space<vmem>>
      %dma_wait3A_378 = arith.constant 896 : i32
      %dma_wait3A_379 = tpu.memref_slice %arg5[%dma_wait3A_378] : memref<13312xi32, #tpu.memory_space<vmem>> -> memref<128xi32, #tpu.memory_space<vmem>>
      %dma_wait3A_380 = arith.constant 0 : i32
      %dma_wait3A_381 = arith.constant 0 : i32
      %dma_wait3A_382 = tpu.memref_slice %arg2[%dma_wait3A_380, %dma_wait3A_381] : memref<1000000x16xf32, #tpu.memory_space<hbm>> -> memref<1000000x16xf32, #tpu.memory_space<hbm>>
      tpu.wait_indirect_dma semaphore(%arg7 : memref<!tpu.dma_semaphore, #tpu.memory_space<semaphore_mem>>) src(%dma_wait3A_382 : memref<1000000x16xf32, #tpu.memory_space<hbm>>) dst(%dma_wait3A_377 : memref<128x16xf32, #tpu.memory_space<vmem>>)
      %dma_wait3A_383 = arith.constant 0 : i32
      %dma_wait3A_384 = arith.constant 1024 : i32
      %dma_wait3A_385 = arith.constant 0 : i32
      %dma_wait3A_386 = tpu.memref_slice %arg6[%dma_wait3A_383, %dma_wait3A_384, %dma_wait3A_385] : memref<2x1664x16xf32, #tpu.memory_space<vmem>> -> memref<1x128x16xf32, #tpu.memory_space<vmem>>
      %dma_wait3A_387 = tpu.memref_squeeze %dma_wait3A_386 : memref<1x128x16xf32, #tpu.memory_space<vmem>> -> memref<128x16xf32, #tpu.memory_space<vmem>>
      %dma_wait3A_388 = arith.constant 1024 : i32
      %dma_wait3A_389 = tpu.memref_slice %arg5[%dma_wait3A_388] : memref<13312xi32, #tpu.memory_space<vmem>> -> memref<128xi32, #tpu.memory_space<vmem>>
      %dma_wait3A_390 = arith.constant 0 : i32
      %dma_wait3A_391 = arith.constant 0 : i32
      %dma_wait3A_392 = tpu.memref_slice %arg2[%dma_wait3A_390, %dma_wait3A_391] : memref<1000000x16xf32, #tpu.memory_space<hbm>> -> memref<1000000x16xf32, #tpu.memory_space<hbm>>
      tpu.wait_indirect_dma semaphore(%arg7 : memref<!tpu.dma_semaphore, #tpu.memory_space<semaphore_mem>>) src(%dma_wait3A_392 : memref<1000000x16xf32, #tpu.memory_space<hbm>>) dst(%dma_wait3A_387 : memref<128x16xf32, #tpu.memory_space<vmem>>)
      %dma_wait3A_393 = arith.constant 0 : i32
      %dma_wait3A_394 = arith.constant 1152 : i32
      %dma_wait3A_395 = arith.constant 0 : i32
      %dma_wait3A_396 = tpu.memref_slice %arg6[%dma_wait3A_393, %dma_wait3A_394, %dma_wait3A_395] : memref<2x1664x16xf32, #tpu.memory_space<vmem>> -> memref<1x128x16xf32, #tpu.memory_space<vmem>>
      %dma_wait3A_397 = tpu.memref_squeeze %dma_wait3A_396 : memref<1x128x16xf32, #tpu.memory_space<vmem>> -> memref<128x16xf32, #tpu.memory_space<vmem>>
      %dma_wait3A_398 = arith.constant 1152 : i32
      %dma_wait3A_399 = tpu.memref_slice %arg5[%dma_wait3A_398] : memref<13312xi32, #tpu.memory_space<vmem>> -> memref<128xi32, #tpu.memory_space<vmem>>
      %dma_wait3A_400 = arith.constant 0 : i32
      %dma_wait3A_401 = arith.constant 0 : i32
      %dma_wait3A_402 = tpu.memref_slice %arg2[%dma_wait3A_400, %dma_wait3A_401] : memref<1000000x16xf32, #tpu.memory_space<hbm>> -> memref<1000000x16xf32, #tpu.memory_space<hbm>>
      tpu.wait_indirect_dma semaphore(%arg7 : memref<!tpu.dma_semaphore, #tpu.memory_space<semaphore_mem>>) src(%dma_wait3A_402 : memref<1000000x16xf32, #tpu.memory_space<hbm>>) dst(%dma_wait3A_397 : memref<128x16xf32, #tpu.memory_space<vmem>>)
      %dma_wait3A_403 = arith.constant 0 : i32
      %dma_wait3A_404 = arith.constant 1280 : i32
      %dma_wait3A_405 = arith.constant 0 : i32
      %dma_wait3A_406 = tpu.memref_slice %arg6[%dma_wait3A_403, %dma_wait3A_404, %dma_wait3A_405] : memref<2x1664x16xf32, #tpu.memory_space<vmem>> -> memref<1x128x16xf32, #tpu.memory_space<vmem>>
      %dma_wait3A_407 = tpu.memref_squeeze %dma_wait3A_406 : memref<1x128x16xf32, #tpu.memory_space<vmem>> -> memref<128x16xf32, #tpu.memory_space<vmem>>
      %dma_wait3A_408 = arith.constant 1280 : i32
      %dma_wait3A_409 = tpu.memref_slice %arg5[%dma_wait3A_408] : memref<13312xi32, #tpu.memory_space<vmem>> -> memref<128xi32, #tpu.memory_space<vmem>>
      %dma_wait3A_410 = arith.constant 0 : i32
      %dma_wait3A_411 = arith.constant 0 : i32
      %dma_wait3A_412 = tpu.memref_slice %arg2[%dma_wait3A_410, %dma_wait3A_411] : memref<1000000x16xf32, #tpu.memory_space<hbm>> -> memref<1000000x16xf32, #tpu.memory_space<hbm>>
      tpu.wait_indirect_dma semaphore(%arg7 : memref<!tpu.dma_semaphore, #tpu.memory_space<semaphore_mem>>) src(%dma_wait3A_412 : memref<1000000x16xf32, #tpu.memory_space<hbm>>) dst(%dma_wait3A_407 : memref<128x16xf32, #tpu.memory_space<vmem>>)
      %dma_wait3A_413 = arith.constant 0 : i32
      %dma_wait3A_414 = arith.constant 1408 : i32
      %dma_wait3A_415 = arith.constant 0 : i32
      %dma_wait3A_416 = tpu.memref_slice %arg6[%dma_wait3A_413, %dma_wait3A_414, %dma_wait3A_415] : memref<2x1664x16xf32, #tpu.memory_space<vmem>> -> memref<1x128x16xf32, #tpu.memory_space<vmem>>
      %dma_wait3A_417 = tpu.memref_squeeze %dma_wait3A_416 : memref<1x128x16xf32, #tpu.memory_space<vmem>> -> memref<128x16xf32, #tpu.memory_space<vmem>>
      %dma_wait3A_418 = arith.constant 1408 : i32
      %dma_wait3A_419 = tpu.memref_slice %arg5[%dma_wait3A_418] : memref<13312xi32, #tpu.memory_space<vmem>> -> memref<128xi32, #tpu.memory_space<vmem>>
      %dma_wait3A_420 = arith.constant 0 : i32
      %dma_wait3A_421 = arith.constant 0 : i32
      %dma_wait3A_422 = tpu.memref_slice %arg2[%dma_wait3A_420, %dma_wait3A_421] : memref<1000000x16xf32, #tpu.memory_space<hbm>> -> memref<1000000x16xf32, #tpu.memory_space<hbm>>
      tpu.wait_indirect_dma semaphore(%arg7 : memref<!tpu.dma_semaphore, #tpu.memory_space<semaphore_mem>>) src(%dma_wait3A_422 : memref<1000000x16xf32, #tpu.memory_space<hbm>>) dst(%dma_wait3A_417 : memref<128x16xf32, #tpu.memory_space<vmem>>)
      %dma_wait3A_423 = arith.constant 0 : i32
      %dma_wait3A_424 = arith.constant 1536 : i32
      %dma_wait3A_425 = arith.constant 0 : i32
      %dma_wait3A_426 = tpu.memref_slice %arg6[%dma_wait3A_423, %dma_wait3A_424, %dma_wait3A_425] : memref<2x1664x16xf32, #tpu.memory_space<vmem>> -> memref<1x128x16xf32, #tpu.memory_space<vmem>>
      %dma_wait3A_427 = tpu.memref_squeeze %dma_wait3A_426 : memref<1x128x16xf32, #tpu.memory_space<vmem>> -> memref<128x16xf32, #tpu.memory_space<vmem>>
      %dma_wait3A_428 = arith.constant 1536 : i32
      %dma_wait3A_429 = tpu.memref_slice %arg5[%dma_wait3A_428] : memref<13312xi32, #tpu.memory_space<vmem>> -> memref<128xi32, #tpu.memory_space<vmem>>
      %dma_wait3A_430 = arith.constant 0 : i32
      %dma_wait3A_431 = arith.constant 0 : i32
      %dma_wait3A_432 = tpu.memref_slice %arg2[%dma_wait3A_430, %dma_wait3A_431] : memref<1000000x16xf32, #tpu.memory_space<hbm>> -> memref<1000000x16xf32, #tpu.memory_space<hbm>>
      tpu.wait_indirect_dma semaphore(%arg7 : memref<!tpu.dma_semaphore, #tpu.memory_space<semaphore_mem>>) src(%dma_wait3A_432 : memref<1000000x16xf32, #tpu.memory_space<hbm>>) dst(%dma_wait3A_427 : memref<128x16xf32, #tpu.memory_space<vmem>>)
      %mul3A_433 = arith.constant 1664 : i32
      %mul3A_434 = arith.muli %mul3A_155, %mul3A_433 : i32
      %add3A_435 = arith.addi %mul3A_2, %mul3A_434 : i32
      %multiple_of3A_436 = tpu.assume_multiple %add3A_435, 8 : i32
      %run_scoped3A = arith.constant 0 : i32
      "tpu.region"() ({
        %run_scoped3A_579 = tpu.sem_alloc : memref<!tpu.dma_semaphore, #tpu.memory_space<semaphore_mem>>
        %dma_start3A_580 = arith.constant 0 : i32
        %dma_start3A_581 = arith.constant 0 : i32
        %dma_start3A_582 = tpu.memref_slice %arg6[%run_scoped3A, %dma_start3A_580, %dma_start3A_581] : memref<2x1664x16xf32, #tpu.memory_space<vmem>> -> memref<1x1664x16xf32, #tpu.memory_space<vmem>>
        %dma_start3A_583 = tpu.memref_squeeze %dma_start3A_582 : memref<1x1664x16xf32, #tpu.memory_space<vmem>> -> memref<1664x16xf32, #tpu.memory_space<vmem>>
        %dma_start3A_584 = arith.constant 0 : i32
        %dma_start3A_585 = tpu.memref_slice %arg4[%multiple_of3A_436, %dma_start3A_584] : memref<425984x16xf32, #tpu.memory_space<hbm>> -> memref<1664x16xf32, #tpu.memory_space<hbm>>
        %dma_start3A_586 = arith.constant 0 : i32
        %dma_start3A_587 = tpu.memref_slice %arg4[%multiple_of3A_436, %dma_start3A_586] : memref<425984x16xf32, #tpu.memory_space<hbm>> -> memref<1664x16xf32, #tpu.memory_space<hbm>>
        %dma_start3A_588 = arith.constant 0 : i32
        %dma_start3A_589 = arith.constant 0 : i32
        %dma_start3A_590 = tpu.memref_slice %arg6[%run_scoped3A, %dma_start3A_588, %dma_start3A_589] : memref<2x1664x16xf32, #tpu.memory_space<vmem>> -> memref<1x1664x16xf32, #tpu.memory_space<vmem>>
        %dma_start3A_591 = tpu.memref_squeeze %dma_start3A_590 : memref<1x1664x16xf32, #tpu.memory_space<vmem>> -> memref<1664x16xf32, #tpu.memory_space<vmem>>
        tpu.enqueue_dma source(%dma_start3A_591 : memref<1664x16xf32, #tpu.memory_space<vmem>>) target(%dma_start3A_587 : memref<1664x16xf32, #tpu.memory_space<hbm>>) target_semaphore(%run_scoped3A_579 : memref<!tpu.dma_semaphore, #tpu.memory_space<semaphore_mem>>)
        %dma_wait3A_592 = arith.constant 0 : i32
        %dma_wait3A_593 = arith.constant 0 : i32
        %dma_wait3A_594 = tpu.memref_slice %arg6[%run_scoped3A, %dma_wait3A_592, %dma_wait3A_593] : memref<2x1664x16xf32, #tpu.memory_space<vmem>> -> memref<1x1664x16xf32, #tpu.memory_space<vmem>>
        %dma_wait3A_595 = tpu.memref_squeeze %dma_wait3A_594 : memref<1x1664x16xf32, #tpu.memory_space<vmem>> -> memref<1664x16xf32, #tpu.memory_space<vmem>>
        %dma_wait3A_596 = arith.constant 0 : i32
        %dma_wait3A_597 = tpu.memref_slice %arg4[%multiple_of3A_436, %dma_wait3A_596] : memref<425984x16xf32, #tpu.memory_space<hbm>> -> memref<1664x16xf32, #tpu.memory_space<hbm>>
        %dma_wait3A_598 = arith.constant 0 : i32
        %dma_wait3A_599 = tpu.memref_slice %arg4[%multiple_of3A_436, %dma_wait3A_598] : memref<425984x16xf32, #tpu.memory_space<hbm>> -> memref<1664x16xf32, #tpu.memory_space<hbm>>
        %dma_wait3A_600 = arith.constant 0 : i32
        %dma_wait3A_601 = arith.constant 0 : i32
        %dma_wait3A_602 = tpu.memref_slice %arg6[%run_scoped3A, %dma_wait3A_600, %dma_wait3A_601] : memref<2x1664x16xf32, #tpu.memory_space<vmem>> -> memref<1x1664x16xf32, #tpu.memory_space<vmem>>
        %dma_wait3A_603 = tpu.memref_squeeze %dma_wait3A_602 : memref<1x1664x16xf32, #tpu.memory_space<vmem>> -> memref<1664x16xf32, #tpu.memory_space<vmem>>
        tpu.wait_dma2 semaphore(%run_scoped3A_579 : memref<!tpu.dma_semaphore, #tpu.memory_space<semaphore_mem>>) src(%dma_wait3A_603 : memref<1664x16xf32, #tpu.memory_space<vmem>>) dst(%dma_wait3A_599 : memref<1664x16xf32, #tpu.memory_space<hbm>>)
        tpu.yield
      }) : () -> ()
      %add3A_437 = arith.constant 2 : i32
      %add3A_438 = arith.addi %mul3A_155, %add3A_437 : i32
      %lt3A = arith.constant 8 : i32
      %lt3A_439 = arith.cmpi slt, %add3A_438, %lt3A : i32
      %convert_element_type3A = arith.extui %lt3A_439 : i1 to i32
      %cond3A = arith.constant 0 : i32
      %cond3A_440 = arith.cmpi ne, %convert_element_type3A, %cond3A : i32
      scf.if %cond3A_440 {
        %add3A_579 = arith.constant 2 : i32
        %add3A_580 = arith.addi %mul3A_155, %add3A_579 : i32
        %mul3A_581 = arith.constant 1664 : i32
        %mul3A_582 = arith.muli %add3A_580, %mul3A_581 : i32
        %multiple_of3A_583 = tpu.assume_multiple %mul3A_582, 8 : i32
        %add3A_584 = arith.constant 0 : i32
        %add3A_585 = arith.addi %multiple_of3A_583, %add3A_584 : i32
        %dma_start3A_586 = arith.constant 0 : i32
        %dma_start3A_587 = arith.constant 0 : i32
        %dma_start3A_588 = arith.constant 0 : i32
        %dma_start3A_589 = tpu.memref_slice %arg6[%dma_start3A_586, %dma_start3A_587, %dma_start3A_588] : memref<2x1664x16xf32, #tpu.memory_space<vmem>> -> memref<1x128x16xf32, #tpu.memory_space<vmem>>
        %dma_start3A_590 = tpu.memref_squeeze %dma_start3A_589 : memref<1x128x16xf32, #tpu.memory_space<vmem>> -> memref<128x16xf32, #tpu.memory_space<vmem>>
        %dma_start3A_591 = tpu.memref_slice %arg5[%add3A_585] : memref<13312xi32, #tpu.memory_space<vmem>> -> memref<128xi32, #tpu.memory_space<vmem>>
        %dma_start3A_592 = arith.constant 0 : i32
        %dma_start3A_593 = arith.constant 0 : i32
        %dma_start3A_594 = tpu.memref_slice %arg2[%dma_start3A_592, %dma_start3A_593] : memref<1000000x16xf32, #tpu.memory_space<hbm>> -> memref<1000000x16xf32, #tpu.memory_space<hbm>>
        tpu.enqueue_indirect_dma source(%dma_start3A_594 : memref<1000000x16xf32, #tpu.memory_space<hbm>>) target(%dma_start3A_590 : memref<128x16xf32, #tpu.memory_space<vmem>>) offsets(%dma_start3A_591 : memref<128xi32, #tpu.memory_space<vmem>>) semaphore(%arg7 : memref<!tpu.dma_semaphore, #tpu.memory_space<semaphore_mem>>)
        %add3A_595 = arith.constant 128 : i32
        %add3A_596 = arith.addi %multiple_of3A_583, %add3A_595 : i32
        %dma_start3A_597 = arith.constant 0 : i32
        %dma_start3A_598 = arith.constant 128 : i32
        %dma_start3A_599 = arith.constant 0 : i32
        %dma_start3A_600 = tpu.memref_slice %arg6[%dma_start3A_597, %dma_start3A_598, %dma_start3A_599] : memref<2x1664x16xf32, #tpu.memory_space<vmem>> -> memref<1x128x16xf32, #tpu.memory_space<vmem>>
        %dma_start3A_601 = tpu.memref_squeeze %dma_start3A_600 : memref<1x128x16xf32, #tpu.memory_space<vmem>> -> memref<128x16xf32, #tpu.memory_space<vmem>>
        %dma_start3A_602 = tpu.memref_slice %arg5[%add3A_596] : memref<13312xi32, #tpu.memory_space<vmem>> -> memref<128xi32, #tpu.memory_space<vmem>>
        %dma_start3A_603 = arith.constant 0 : i32
        %dma_start3A_604 = arith.constant 0 : i32
        %dma_start3A_605 = tpu.memref_slice %arg2[%dma_start3A_603, %dma_start3A_604] : memref<1000000x16xf32, #tpu.memory_space<hbm>> -> memref<1000000x16xf32, #tpu.memory_space<hbm>>
        tpu.enqueue_indirect_dma source(%dma_start3A_605 : memref<1000000x16xf32, #tpu.memory_space<hbm>>) target(%dma_start3A_601 : memref<128x16xf32, #tpu.memory_space<vmem>>) offsets(%dma_start3A_602 : memref<128xi32, #tpu.memory_space<vmem>>) semaphore(%arg7 : memref<!tpu.dma_semaphore, #tpu.memory_space<semaphore_mem>>)
        %add3A_606 = arith.constant 256 : i32
        %add3A_607 = arith.addi %multiple_of3A_583, %add3A_606 : i32
        %dma_start3A_608 = arith.constant 0 : i32
        %dma_start3A_609 = arith.constant 256 : i32
        %dma_start3A_610 = arith.constant 0 : i32
        %dma_start3A_611 = tpu.memref_slice %arg6[%dma_start3A_608, %dma_start3A_609, %dma_start3A_610] : memref<2x1664x16xf32, #tpu.memory_space<vmem>> -> memref<1x128x16xf32, #tpu.memory_space<vmem>>
        %dma_start3A_612 = tpu.memref_squeeze %dma_start3A_611 : memref<1x128x16xf32, #tpu.memory_space<vmem>> -> memref<128x16xf32, #tpu.memory_space<vmem>>
        %dma_start3A_613 = tpu.memref_slice %arg5[%add3A_607] : memref<13312xi32, #tpu.memory_space<vmem>> -> memref<128xi32, #tpu.memory_space<vmem>>
        %dma_start3A_614 = arith.constant 0 : i32
        %dma_start3A_615 = arith.constant 0 : i32
        %dma_start3A_616 = tpu.memref_slice %arg2[%dma_start3A_614, %dma_start3A_615] : memref<1000000x16xf32, #tpu.memory_space<hbm>> -> memref<1000000x16xf32, #tpu.memory_space<hbm>>
        tpu.enqueue_indirect_dma source(%dma_start3A_616 : memref<1000000x16xf32, #tpu.memory_space<hbm>>) target(%dma_start3A_612 : memref<128x16xf32, #tpu.memory_space<vmem>>) offsets(%dma_start3A_613 : memref<128xi32, #tpu.memory_space<vmem>>) semaphore(%arg7 : memref<!tpu.dma_semaphore, #tpu.memory_space<semaphore_mem>>)
        %add3A_617 = arith.constant 384 : i32
        %add3A_618 = arith.addi %multiple_of3A_583, %add3A_617 : i32
        %dma_start3A_619 = arith.constant 0 : i32
        %dma_start3A_620 = arith.constant 384 : i32
        %dma_start3A_621 = arith.constant 0 : i32
        %dma_start3A_622 = tpu.memref_slice %arg6[%dma_start3A_619, %dma_start3A_620, %dma_start3A_621] : memref<2x1664x16xf32, #tpu.memory_space<vmem>> -> memref<1x128x16xf32, #tpu.memory_space<vmem>>
        %dma_start3A_623 = tpu.memref_squeeze %dma_start3A_622 : memref<1x128x16xf32, #tpu.memory_space<vmem>> -> memref<128x16xf32, #tpu.memory_space<vmem>>
        %dma_start3A_624 = tpu.memref_slice %arg5[%add3A_618] : memref<13312xi32, #tpu.memory_space<vmem>> -> memref<128xi32, #tpu.memory_space<vmem>>
        %dma_start3A_625 = arith.constant 0 : i32
        %dma_start3A_626 = arith.constant 0 : i32
        %dma_start3A_627 = tpu.memref_slice %arg2[%dma_start3A_625, %dma_start3A_626] : memref<1000000x16xf32, #tpu.memory_space<hbm>> -> memref<1000000x16xf32, #tpu.memory_space<hbm>>
        tpu.enqueue_indirect_dma source(%dma_start3A_627 : memref<1000000x16xf32, #tpu.memory_space<hbm>>) target(%dma_start3A_623 : memref<128x16xf32, #tpu.memory_space<vmem>>) offsets(%dma_start3A_624 : memref<128xi32, #tpu.memory_space<vmem>>) semaphore(%arg7 : memref<!tpu.dma_semaphore, #tpu.memory_space<semaphore_mem>>)
        %add3A_628 = arith.constant 512 : i32
        %add3A_629 = arith.addi %multiple_of3A_583, %add3A_628 : i32
        %dma_start3A_630 = arith.constant 0 : i32
        %dma_start3A_631 = arith.constant 512 : i32
        %dma_start3A_632 = arith.constant 0 : i32
        %dma_start3A_633 = tpu.memref_slice %arg6[%dma_start3A_630, %dma_start3A_631, %dma_start3A_632] : memref<2x1664x16xf32, #tpu.memory_space<vmem>> -> memref<1x128x16xf32, #tpu.memory_space<vmem>>
        %dma_start3A_634 = tpu.memref_squeeze %dma_start3A_633 : memref<1x128x16xf32, #tpu.memory_space<vmem>> -> memref<128x16xf32, #tpu.memory_space<vmem>>
        %dma_start3A_635 = tpu.memref_slice %arg5[%add3A_629] : memref<13312xi32, #tpu.memory_space<vmem>> -> memref<128xi32, #tpu.memory_space<vmem>>
        %dma_start3A_636 = arith.constant 0 : i32
        %dma_start3A_637 = arith.constant 0 : i32
        %dma_start3A_638 = tpu.memref_slice %arg2[%dma_start3A_636, %dma_start3A_637] : memref<1000000x16xf32, #tpu.memory_space<hbm>> -> memref<1000000x16xf32, #tpu.memory_space<hbm>>
        tpu.enqueue_indirect_dma source(%dma_start3A_638 : memref<1000000x16xf32, #tpu.memory_space<hbm>>) target(%dma_start3A_634 : memref<128x16xf32, #tpu.memory_space<vmem>>) offsets(%dma_start3A_635 : memref<128xi32, #tpu.memory_space<vmem>>) semaphore(%arg7 : memref<!tpu.dma_semaphore, #tpu.memory_space<semaphore_mem>>)
        %add3A_639 = arith.constant 640 : i32
        %add3A_640 = arith.addi %multiple_of3A_583, %add3A_639 : i32
        %dma_start3A_641 = arith.constant 0 : i32
        %dma_start3A_642 = arith.constant 640 : i32
        %dma_start3A_643 = arith.constant 0 : i32
        %dma_start3A_644 = tpu.memref_slice %arg6[%dma_start3A_641, %dma_start3A_642, %dma_start3A_643] : memref<2x1664x16xf32, #tpu.memory_space<vmem>> -> memref<1x128x16xf32, #tpu.memory_space<vmem>>
        %dma_start3A_645 = tpu.memref_squeeze %dma_start3A_644 : memref<1x128x16xf32, #tpu.memory_space<vmem>> -> memref<128x16xf32, #tpu.memory_space<vmem>>
        %dma_start3A_646 = tpu.memref_slice %arg5[%add3A_640] : memref<13312xi32, #tpu.memory_space<vmem>> -> memref<128xi32, #tpu.memory_space<vmem>>
        %dma_start3A_647 = arith.constant 0 : i32
        %dma_start3A_648 = arith.constant 0 : i32
        %dma_start3A_649 = tpu.memref_slice %arg2[%dma_start3A_647, %dma_start3A_648] : memref<1000000x16xf32, #tpu.memory_space<hbm>> -> memref<1000000x16xf32, #tpu.memory_space<hbm>>
        tpu.enqueue_indirect_dma source(%dma_start3A_649 : memref<1000000x16xf32, #tpu.memory_space<hbm>>) target(%dma_start3A_645 : memref<128x16xf32, #tpu.memory_space<vmem>>) offsets(%dma_start3A_646 : memref<128xi32, #tpu.memory_space<vmem>>) semaphore(%arg7 : memref<!tpu.dma_semaphore, #tpu.memory_space<semaphore_mem>>)
        %add3A_650 = arith.constant 768 : i32
        %add3A_651 = arith.addi %multiple_of3A_583, %add3A_650 : i32
        %dma_start3A_652 = arith.constant 0 : i32
        %dma_start3A_653 = arith.constant 768 : i32
        %dma_start3A_654 = arith.constant 0 : i32
        %dma_start3A_655 = tpu.memref_slice %arg6[%dma_start3A_652, %dma_start3A_653, %dma_start3A_654] : memref<2x1664x16xf32, #tpu.memory_space<vmem>> -> memref<1x128x16xf32, #tpu.memory_space<vmem>>
        %dma_start3A_656 = tpu.memref_squeeze %dma_start3A_655 : memref<1x128x16xf32, #tpu.memory_space<vmem>> -> memref<128x16xf32, #tpu.memory_space<vmem>>
        %dma_start3A_657 = tpu.memref_slice %arg5[%add3A_651] : memref<13312xi32, #tpu.memory_space<vmem>> -> memref<128xi32, #tpu.memory_space<vmem>>
        %dma_start3A_658 = arith.constant 0 : i32
        %dma_start3A_659 = arith.constant 0 : i32
        %dma_start3A_660 = tpu.memref_slice %arg2[%dma_start3A_658, %dma_start3A_659] : memref<1000000x16xf32, #tpu.memory_space<hbm>> -> memref<1000000x16xf32, #tpu.memory_space<hbm>>
        tpu.enqueue_indirect_dma source(%dma_start3A_660 : memref<1000000x16xf32, #tpu.memory_space<hbm>>) target(%dma_start3A_656 : memref<128x16xf32, #tpu.memory_space<vmem>>) offsets(%dma_start3A_657 : memref<128xi32, #tpu.memory_space<vmem>>) semaphore(%arg7 : memref<!tpu.dma_semaphore, #tpu.memory_space<semaphore_mem>>)
        %add3A_661 = arith.constant 896 : i32
        %add3A_662 = arith.addi %multiple_of3A_583, %add3A_661 : i32
        %dma_start3A_663 = arith.constant 0 : i32
        %dma_start3A_664 = arith.constant 896 : i32
        %dma_start3A_665 = arith.constant 0 : i32
        %dma_start3A_666 = tpu.memref_slice %arg6[%dma_start3A_663, %dma_start3A_664, %dma_start3A_665] : memref<2x1664x16xf32, #tpu.memory_space<vmem>> -> memref<1x128x16xf32, #tpu.memory_space<vmem>>
        %dma_start3A_667 = tpu.memref_squeeze %dma_start3A_666 : memref<1x128x16xf32, #tpu.memory_space<vmem>> -> memref<128x16xf32, #tpu.memory_space<vmem>>
        %dma_start3A_668 = tpu.memref_slice %arg5[%add3A_662] : memref<13312xi32, #tpu.memory_space<vmem>> -> memref<128xi32, #tpu.memory_space<vmem>>
        %dma_start3A_669 = arith.constant 0 : i32
        %dma_start3A_670 = arith.constant 0 : i32
        %dma_start3A_671 = tpu.memref_slice %arg2[%dma_start3A_669, %dma_start3A_670] : memref<1000000x16xf32, #tpu.memory_space<hbm>> -> memref<1000000x16xf32, #tpu.memory_space<hbm>>
        tpu.enqueue_indirect_dma source(%dma_start3A_671 : memref<1000000x16xf32, #tpu.memory_space<hbm>>) target(%dma_start3A_667 : memref<128x16xf32, #tpu.memory_space<vmem>>) offsets(%dma_start3A_668 : memref<128xi32, #tpu.memory_space<vmem>>) semaphore(%arg7 : memref<!tpu.dma_semaphore, #tpu.memory_space<semaphore_mem>>)
        %add3A_672 = arith.constant 1024 : i32
        %add3A_673 = arith.addi %multiple_of3A_583, %add3A_672 : i32
        %dma_start3A_674 = arith.constant 0 : i32
        %dma_start3A_675 = arith.constant 1024 : i32
        %dma_start3A_676 = arith.constant 0 : i32
        %dma_start3A_677 = tpu.memref_slice %arg6[%dma_start3A_674, %dma_start3A_675, %dma_start3A_676] : memref<2x1664x16xf32, #tpu.memory_space<vmem>> -> memref<1x128x16xf32, #tpu.memory_space<vmem>>
        %dma_start3A_678 = tpu.memref_squeeze %dma_start3A_677 : memref<1x128x16xf32, #tpu.memory_space<vmem>> -> memref<128x16xf32, #tpu.memory_space<vmem>>
        %dma_start3A_679 = tpu.memref_slice %arg5[%add3A_673] : memref<13312xi32, #tpu.memory_space<vmem>> -> memref<128xi32, #tpu.memory_space<vmem>>
        %dma_start3A_680 = arith.constant 0 : i32
        %dma_start3A_681 = arith.constant 0 : i32
        %dma_start3A_682 = tpu.memref_slice %arg2[%dma_start3A_680, %dma_start3A_681] : memref<1000000x16xf32, #tpu.memory_space<hbm>> -> memref<1000000x16xf32, #tpu.memory_space<hbm>>
        tpu.enqueue_indirect_dma source(%dma_start3A_682 : memref<1000000x16xf32, #tpu.memory_space<hbm>>) target(%dma_start3A_678 : memref<128x16xf32, #tpu.memory_space<vmem>>) offsets(%dma_start3A_679 : memref<128xi32, #tpu.memory_space<vmem>>) semaphore(%arg7 : memref<!tpu.dma_semaphore, #tpu.memory_space<semaphore_mem>>)
        %add3A_683 = arith.constant 1152 : i32
        %add3A_684 = arith.addi %multiple_of3A_583, %add3A_683 : i32
        %dma_start3A_685 = arith.constant 0 : i32
        %dma_start3A_686 = arith.constant 1152 : i32
        %dma_start3A_687 = arith.constant 0 : i32
        %dma_start3A_688 = tpu.memref_slice %arg6[%dma_start3A_685, %dma_start3A_686, %dma_start3A_687] : memref<2x1664x16xf32, #tpu.memory_space<vmem>> -> memref<1x128x16xf32, #tpu.memory_space<vmem>>
        %dma_start3A_689 = tpu.memref_squeeze %dma_start3A_688 : memref<1x128x16xf32, #tpu.memory_space<vmem>> -> memref<128x16xf32, #tpu.memory_space<vmem>>
        %dma_start3A_690 = tpu.memref_slice %arg5[%add3A_684] : memref<13312xi32, #tpu.memory_space<vmem>> -> memref<128xi32, #tpu.memory_space<vmem>>
        %dma_start3A_691 = arith.constant 0 : i32
        %dma_start3A_692 = arith.constant 0 : i32
        %dma_start3A_693 = tpu.memref_slice %arg2[%dma_start3A_691, %dma_start3A_692] : memref<1000000x16xf32, #tpu.memory_space<hbm>> -> memref<1000000x16xf32, #tpu.memory_space<hbm>>
        tpu.enqueue_indirect_dma source(%dma_start3A_693 : memref<1000000x16xf32, #tpu.memory_space<hbm>>) target(%dma_start3A_689 : memref<128x16xf32, #tpu.memory_space<vmem>>) offsets(%dma_start3A_690 : memref<128xi32, #tpu.memory_space<vmem>>) semaphore(%arg7 : memref<!tpu.dma_semaphore, #tpu.memory_space<semaphore_mem>>)
        %add3A_694 = arith.constant 1280 : i32
        %add3A_695 = arith.addi %multiple_of3A_583, %add3A_694 : i32
        %dma_start3A_696 = arith.constant 0 : i32
        %dma_start3A_697 = arith.constant 1280 : i32
        %dma_start3A_698 = arith.constant 0 : i32
        %dma_start3A_699 = tpu.memref_slice %arg6[%dma_start3A_696, %dma_start3A_697, %dma_start3A_698] : memref<2x1664x16xf32, #tpu.memory_space<vmem>> -> memref<1x128x16xf32, #tpu.memory_space<vmem>>
        %dma_start3A_700 = tpu.memref_squeeze %dma_start3A_699 : memref<1x128x16xf32, #tpu.memory_space<vmem>> -> memref<128x16xf32, #tpu.memory_space<vmem>>
        %dma_start3A_701 = tpu.memref_slice %arg5[%add3A_695] : memref<13312xi32, #tpu.memory_space<vmem>> -> memref<128xi32, #tpu.memory_space<vmem>>
        %dma_start3A_702 = arith.constant 0 : i32
        %dma_start3A_703 = arith.constant 0 : i32
        %dma_start3A_704 = tpu.memref_slice %arg2[%dma_start3A_702, %dma_start3A_703] : memref<1000000x16xf32, #tpu.memory_space<hbm>> -> memref<1000000x16xf32, #tpu.memory_space<hbm>>
        tpu.enqueue_indirect_dma source(%dma_start3A_704 : memref<1000000x16xf32, #tpu.memory_space<hbm>>) target(%dma_start3A_700 : memref<128x16xf32, #tpu.memory_space<vmem>>) offsets(%dma_start3A_701 : memref<128xi32, #tpu.memory_space<vmem>>) semaphore(%arg7 : memref<!tpu.dma_semaphore, #tpu.memory_space<semaphore_mem>>)
        %add3A_705 = arith.constant 1408 : i32
        %add3A_706 = arith.addi %multiple_of3A_583, %add3A_705 : i32
        %dma_start3A_707 = arith.constant 0 : i32
        %dma_start3A_708 = arith.constant 1408 : i32
        %dma_start3A_709 = arith.constant 0 : i32
        %dma_start3A_710 = tpu.memref_slice %arg6[%dma_start3A_707, %dma_start3A_708, %dma_start3A_709] : memref<2x1664x16xf32, #tpu.memory_space<vmem>> -> memref<1x128x16xf32, #tpu.memory_space<vmem>>
        %dma_start3A_711 = tpu.memref_squeeze %dma_start3A_710 : memref<1x128x16xf32, #tpu.memory_space<vmem>> -> memref<128x16xf32, #tpu.memory_space<vmem>>
        %dma_start3A_712 = tpu.memref_slice %arg5[%add3A_706] : memref<13312xi32, #tpu.memory_space<vmem>> -> memref<128xi32, #tpu.memory_space<vmem>>
        %dma_start3A_713 = arith.constant 0 : i32
        %dma_start3A_714 = arith.constant 0 : i32
        %dma_start3A_715 = tpu.memref_slice %arg2[%dma_start3A_713, %dma_start3A_714] : memref<1000000x16xf32, #tpu.memory_space<hbm>> -> memref<1000000x16xf32, #tpu.memory_space<hbm>>
        tpu.enqueue_indirect_dma source(%dma_start3A_715 : memref<1000000x16xf32, #tpu.memory_space<hbm>>) target(%dma_start3A_711 : memref<128x16xf32, #tpu.memory_space<vmem>>) offsets(%dma_start3A_712 : memref<128xi32, #tpu.memory_space<vmem>>) semaphore(%arg7 : memref<!tpu.dma_semaphore, #tpu.memory_space<semaphore_mem>>)
        %add3A_716 = arith.constant 1536 : i32
        %add3A_717 = arith.addi %multiple_of3A_583, %add3A_716 : i32
        %dma_start3A_718 = arith.constant 0 : i32
        %dma_start3A_719 = arith.constant 1536 : i32
        %dma_start3A_720 = arith.constant 0 : i32
        %dma_start3A_721 = tpu.memref_slice %arg6[%dma_start3A_718, %dma_start3A_719, %dma_start3A_720] : memref<2x1664x16xf32, #tpu.memory_space<vmem>> -> memref<1x128x16xf32, #tpu.memory_space<vmem>>
        %dma_start3A_722 = tpu.memref_squeeze %dma_start3A_721 : memref<1x128x16xf32, #tpu.memory_space<vmem>> -> memref<128x16xf32, #tpu.memory_space<vmem>>
        %dma_start3A_723 = tpu.memref_slice %arg5[%add3A_717] : memref<13312xi32, #tpu.memory_space<vmem>> -> memref<128xi32, #tpu.memory_space<vmem>>
        %dma_start3A_724 = arith.constant 0 : i32
        %dma_start3A_725 = arith.constant 0 : i32
        %dma_start3A_726 = tpu.memref_slice %arg2[%dma_start3A_724, %dma_start3A_725] : memref<1000000x16xf32, #tpu.memory_space<hbm>> -> memref<1000000x16xf32, #tpu.memory_space<hbm>>
        tpu.enqueue_indirect_dma source(%dma_start3A_726 : memref<1000000x16xf32, #tpu.memory_space<hbm>>) target(%dma_start3A_722 : memref<128x16xf32, #tpu.memory_space<vmem>>) offsets(%dma_start3A_723 : memref<128xi32, #tpu.memory_space<vmem>>) semaphore(%arg7 : memref<!tpu.dma_semaphore, #tpu.memory_space<semaphore_mem>>)
      } else {
      }
      %dma_wait3A_441 = arith.constant 1 : i32
      %dma_wait3A_442 = arith.constant 0 : i32
      %dma_wait3A_443 = arith.constant 0 : i32
      %dma_wait3A_444 = tpu.memref_slice %arg6[%dma_wait3A_441, %dma_wait3A_442, %dma_wait3A_443] : memref<2x1664x16xf32, #tpu.memory_space<vmem>> -> memref<1x128x16xf32, #tpu.memory_space<vmem>>
      %dma_wait3A_445 = tpu.memref_squeeze %dma_wait3A_444 : memref<1x128x16xf32, #tpu.memory_space<vmem>> -> memref<128x16xf32, #tpu.memory_space<vmem>>
      %dma_wait3A_446 = arith.constant 0 : i32
      %dma_wait3A_447 = tpu.memref_slice %arg5[%dma_wait3A_446] : memref<13312xi32, #tpu.memory_space<vmem>> -> memref<128xi32, #tpu.memory_space<vmem>>
      %dma_wait3A_448 = arith.constant 0 : i32
      %dma_wait3A_449 = arith.constant 0 : i32
      %dma_wait3A_450 = tpu.memref_slice %arg2[%dma_wait3A_448, %dma_wait3A_449] : memref<1000000x16xf32, #tpu.memory_space<hbm>> -> memref<1000000x16xf32, #tpu.memory_space<hbm>>
      tpu.wait_indirect_dma semaphore(%arg8 : memref<!tpu.dma_semaphore, #tpu.memory_space<semaphore_mem>>) src(%dma_wait3A_450 : memref<1000000x16xf32, #tpu.memory_space<hbm>>) dst(%dma_wait3A_445 : memref<128x16xf32, #tpu.memory_space<vmem>>)
      %dma_wait3A_451 = arith.constant 1 : i32
      %dma_wait3A_452 = arith.constant 128 : i32
      %dma_wait3A_453 = arith.constant 0 : i32
      %dma_wait3A_454 = tpu.memref_slice %arg6[%dma_wait3A_451, %dma_wait3A_452, %dma_wait3A_453] : memref<2x1664x16xf32, #tpu.memory_space<vmem>> -> memref<1x128x16xf32, #tpu.memory_space<vmem>>
      %dma_wait3A_455 = tpu.memref_squeeze %dma_wait3A_454 : memref<1x128x16xf32, #tpu.memory_space<vmem>> -> memref<128x16xf32, #tpu.memory_space<vmem>>
      %dma_wait3A_456 = arith.constant 128 : i32
      %dma_wait3A_457 = tpu.memref_slice %arg5[%dma_wait3A_456] : memref<13312xi32, #tpu.memory_space<vmem>> -> memref<128xi32, #tpu.memory_space<vmem>>
      %dma_wait3A_458 = arith.constant 0 : i32
      %dma_wait3A_459 = arith.constant 0 : i32
      %dma_wait3A_460 = tpu.memref_slice %arg2[%dma_wait3A_458, %dma_wait3A_459] : memref<1000000x16xf32, #tpu.memory_space<hbm>> -> memref<1000000x16xf32, #tpu.memory_space<hbm>>
      tpu.wait_indirect_dma semaphore(%arg8 : memref<!tpu.dma_semaphore, #tpu.memory_space<semaphore_mem>>) src(%dma_wait3A_460 : memref<1000000x16xf32, #tpu.memory_space<hbm>>) dst(%dma_wait3A_455 : memref<128x16xf32, #tpu.memory_space<vmem>>)
      %dma_wait3A_461 = arith.constant 1 : i32
      %dma_wait3A_462 = arith.constant 256 : i32
      %dma_wait3A_463 = arith.constant 0 : i32
      %dma_wait3A_464 = tpu.memref_slice %arg6[%dma_wait3A_461, %dma_wait3A_462, %dma_wait3A_463] : memref<2x1664x16xf32, #tpu.memory_space<vmem>> -> memref<1x128x16xf32, #tpu.memory_space<vmem>>
      %dma_wait3A_465 = tpu.memref_squeeze %dma_wait3A_464 : memref<1x128x16xf32, #tpu.memory_space<vmem>> -> memref<128x16xf32, #tpu.memory_space<vmem>>
      %dma_wait3A_466 = arith.constant 256 : i32
      %dma_wait3A_467 = tpu.memref_slice %arg5[%dma_wait3A_466] : memref<13312xi32, #tpu.memory_space<vmem>> -> memref<128xi32, #tpu.memory_space<vmem>>
      %dma_wait3A_468 = arith.constant 0 : i32
      %dma_wait3A_469 = arith.constant 0 : i32
      %dma_wait3A_470 = tpu.memref_slice %arg2[%dma_wait3A_468, %dma_wait3A_469] : memref<1000000x16xf32, #tpu.memory_space<hbm>> -> memref<1000000x16xf32, #tpu.memory_space<hbm>>
      tpu.wait_indirect_dma semaphore(%arg8 : memref<!tpu.dma_semaphore, #tpu.memory_space<semaphore_mem>>) src(%dma_wait3A_470 : memref<1000000x16xf32, #tpu.memory_space<hbm>>) dst(%dma_wait3A_465 : memref<128x16xf32, #tpu.memory_space<vmem>>)
      %dma_wait3A_471 = arith.constant 1 : i32
      %dma_wait3A_472 = arith.constant 384 : i32
      %dma_wait3A_473 = arith.constant 0 : i32
      %dma_wait3A_474 = tpu.memref_slice %arg6[%dma_wait3A_471, %dma_wait3A_472, %dma_wait3A_473] : memref<2x1664x16xf32, #tpu.memory_space<vmem>> -> memref<1x128x16xf32, #tpu.memory_space<vmem>>
      %dma_wait3A_475 = tpu.memref_squeeze %dma_wait3A_474 : memref<1x128x16xf32, #tpu.memory_space<vmem>> -> memref<128x16xf32, #tpu.memory_space<vmem>>
      %dma_wait3A_476 = arith.constant 384 : i32
      %dma_wait3A_477 = tpu.memref_slice %arg5[%dma_wait3A_476] : memref<13312xi32, #tpu.memory_space<vmem>> -> memref<128xi32, #tpu.memory_space<vmem>>
      %dma_wait3A_478 = arith.constant 0 : i32
      %dma_wait3A_479 = arith.constant 0 : i32
      %dma_wait3A_480 = tpu.memref_slice %arg2[%dma_wait3A_478, %dma_wait3A_479] : memref<1000000x16xf32, #tpu.memory_space<hbm>> -> memref<1000000x16xf32, #tpu.memory_space<hbm>>
      tpu.wait_indirect_dma semaphore(%arg8 : memref<!tpu.dma_semaphore, #tpu.memory_space<semaphore_mem>>) src(%dma_wait3A_480 : memref<1000000x16xf32, #tpu.memory_space<hbm>>) dst(%dma_wait3A_475 : memref<128x16xf32, #tpu.memory_space<vmem>>)
      %dma_wait3A_481 = arith.constant 1 : i32
      %dma_wait3A_482 = arith.constant 512 : i32
      %dma_wait3A_483 = arith.constant 0 : i32
      %dma_wait3A_484 = tpu.memref_slice %arg6[%dma_wait3A_481, %dma_wait3A_482, %dma_wait3A_483] : memref<2x1664x16xf32, #tpu.memory_space<vmem>> -> memref<1x128x16xf32, #tpu.memory_space<vmem>>
      %dma_wait3A_485 = tpu.memref_squeeze %dma_wait3A_484 : memref<1x128x16xf32, #tpu.memory_space<vmem>> -> memref<128x16xf32, #tpu.memory_space<vmem>>
      %dma_wait3A_486 = arith.constant 512 : i32
      %dma_wait3A_487 = tpu.memref_slice %arg5[%dma_wait3A_486] : memref<13312xi32, #tpu.memory_space<vmem>> -> memref<128xi32, #tpu.memory_space<vmem>>
      %dma_wait3A_488 = arith.constant 0 : i32
      %dma_wait3A_489 = arith.constant 0 : i32
      %dma_wait3A_490 = tpu.memref_slice %arg2[%dma_wait3A_488, %dma_wait3A_489] : memref<1000000x16xf32, #tpu.memory_space<hbm>> -> memref<1000000x16xf32, #tpu.memory_space<hbm>>
      tpu.wait_indirect_dma semaphore(%arg8 : memref<!tpu.dma_semaphore, #tpu.memory_space<semaphore_mem>>) src(%dma_wait3A_490 : memref<1000000x16xf32, #tpu.memory_space<hbm>>) dst(%dma_wait3A_485 : memref<128x16xf32, #tpu.memory_space<vmem>>)
      %dma_wait3A_491 = arith.constant 1 : i32
      %dma_wait3A_492 = arith.constant 640 : i32
      %dma_wait3A_493 = arith.constant 0 : i32
      %dma_wait3A_494 = tpu.memref_slice %arg6[%dma_wait3A_491, %dma_wait3A_492, %dma_wait3A_493] : memref<2x1664x16xf32, #tpu.memory_space<vmem>> -> memref<1x128x16xf32, #tpu.memory_space<vmem>>
      %dma_wait3A_495 = tpu.memref_squeeze %dma_wait3A_494 : memref<1x128x16xf32, #tpu.memory_space<vmem>> -> memref<128x16xf32, #tpu.memory_space<vmem>>
      %dma_wait3A_496 = arith.constant 640 : i32
      %dma_wait3A_497 = tpu.memref_slice %arg5[%dma_wait3A_496] : memref<13312xi32, #tpu.memory_space<vmem>> -> memref<128xi32, #tpu.memory_space<vmem>>
      %dma_wait3A_498 = arith.constant 0 : i32
      %dma_wait3A_499 = arith.constant 0 : i32
      %dma_wait3A_500 = tpu.memref_slice %arg2[%dma_wait3A_498, %dma_wait3A_499] : memref<1000000x16xf32, #tpu.memory_space<hbm>> -> memref<1000000x16xf32, #tpu.memory_space<hbm>>
      tpu.wait_indirect_dma semaphore(%arg8 : memref<!tpu.dma_semaphore, #tpu.memory_space<semaphore_mem>>) src(%dma_wait3A_500 : memref<1000000x16xf32, #tpu.memory_space<hbm>>) dst(%dma_wait3A_495 : memref<128x16xf32, #tpu.memory_space<vmem>>)
      %dma_wait3A_501 = arith.constant 1 : i32
      %dma_wait3A_502 = arith.constant 768 : i32
      %dma_wait3A_503 = arith.constant 0 : i32
      %dma_wait3A_504 = tpu.memref_slice %arg6[%dma_wait3A_501, %dma_wait3A_502, %dma_wait3A_503] : memref<2x1664x16xf32, #tpu.memory_space<vmem>> -> memref<1x128x16xf32, #tpu.memory_space<vmem>>
      %dma_wait3A_505 = tpu.memref_squeeze %dma_wait3A_504 : memref<1x128x16xf32, #tpu.memory_space<vmem>> -> memref<128x16xf32, #tpu.memory_space<vmem>>
      %dma_wait3A_506 = arith.constant 768 : i32
      %dma_wait3A_507 = tpu.memref_slice %arg5[%dma_wait3A_506] : memref<13312xi32, #tpu.memory_space<vmem>> -> memref<128xi32, #tpu.memory_space<vmem>>
      %dma_wait3A_508 = arith.constant 0 : i32
      %dma_wait3A_509 = arith.constant 0 : i32
      %dma_wait3A_510 = tpu.memref_slice %arg2[%dma_wait3A_508, %dma_wait3A_509] : memref<1000000x16xf32, #tpu.memory_space<hbm>> -> memref<1000000x16xf32, #tpu.memory_space<hbm>>
      tpu.wait_indirect_dma semaphore(%arg8 : memref<!tpu.dma_semaphore, #tpu.memory_space<semaphore_mem>>) src(%dma_wait3A_510 : memref<1000000x16xf32, #tpu.memory_space<hbm>>) dst(%dma_wait3A_505 : memref<128x16xf32, #tpu.memory_space<vmem>>)
      %dma_wait3A_511 = arith.constant 1 : i32
      %dma_wait3A_512 = arith.constant 896 : i32
      %dma_wait3A_513 = arith.constant 0 : i32
      %dma_wait3A_514 = tpu.memref_slice %arg6[%dma_wait3A_511, %dma_wait3A_512, %dma_wait3A_513] : memref<2x1664x16xf32, #tpu.memory_space<vmem>> -> memref<1x128x16xf32, #tpu.memory_space<vmem>>
      %dma_wait3A_515 = tpu.memref_squeeze %dma_wait3A_514 : memref<1x128x16xf32, #tpu.memory_space<vmem>> -> memref<128x16xf32, #tpu.memory_space<vmem>>
      %dma_wait3A_516 = arith.constant 896 : i32
      %dma_wait3A_517 = tpu.memref_slice %arg5[%dma_wait3A_516] : memref<13312xi32, #tpu.memory_space<vmem>> -> memref<128xi32, #tpu.memory_space<vmem>>
      %dma_wait3A_518 = arith.constant 0 : i32
      %dma_wait3A_519 = arith.constant 0 : i32
      %dma_wait3A_520 = tpu.memref_slice %arg2[%dma_wait3A_518, %dma_wait3A_519] : memref<1000000x16xf32, #tpu.memory_space<hbm>> -> memref<1000000x16xf32, #tpu.memory_space<hbm>>
      tpu.wait_indirect_dma semaphore(%arg8 : memref<!tpu.dma_semaphore, #tpu.memory_space<semaphore_mem>>) src(%dma_wait3A_520 : memref<1000000x16xf32, #tpu.memory_space<hbm>>) dst(%dma_wait3A_515 : memref<128x16xf32, #tpu.memory_space<vmem>>)
      %dma_wait3A_521 = arith.constant 1 : i32
      %dma_wait3A_522 = arith.constant 1024 : i32
      %dma_wait3A_523 = arith.constant 0 : i32
      %dma_wait3A_524 = tpu.memref_slice %arg6[%dma_wait3A_521, %dma_wait3A_522, %dma_wait3A_523] : memref<2x1664x16xf32, #tpu.memory_space<vmem>> -> memref<1x128x16xf32, #tpu.memory_space<vmem>>
      %dma_wait3A_525 = tpu.memref_squeeze %dma_wait3A_524 : memref<1x128x16xf32, #tpu.memory_space<vmem>> -> memref<128x16xf32, #tpu.memory_space<vmem>>
      %dma_wait3A_526 = arith.constant 1024 : i32
      %dma_wait3A_527 = tpu.memref_slice %arg5[%dma_wait3A_526] : memref<13312xi32, #tpu.memory_space<vmem>> -> memref<128xi32, #tpu.memory_space<vmem>>
      %dma_wait3A_528 = arith.constant 0 : i32
      %dma_wait3A_529 = arith.constant 0 : i32
      %dma_wait3A_530 = tpu.memref_slice %arg2[%dma_wait3A_528, %dma_wait3A_529] : memref<1000000x16xf32, #tpu.memory_space<hbm>> -> memref<1000000x16xf32, #tpu.memory_space<hbm>>
      tpu.wait_indirect_dma semaphore(%arg8 : memref<!tpu.dma_semaphore, #tpu.memory_space<semaphore_mem>>) src(%dma_wait3A_530 : memref<1000000x16xf32, #tpu.memory_space<hbm>>) dst(%dma_wait3A_525 : memref<128x16xf32, #tpu.memory_space<vmem>>)
      %dma_wait3A_531 = arith.constant 1 : i32
      %dma_wait3A_532 = arith.constant 1152 : i32
      %dma_wait3A_533 = arith.constant 0 : i32
      %dma_wait3A_534 = tpu.memref_slice %arg6[%dma_wait3A_531, %dma_wait3A_532, %dma_wait3A_533] : memref<2x1664x16xf32, #tpu.memory_space<vmem>> -> memref<1x128x16xf32, #tpu.memory_space<vmem>>
      %dma_wait3A_535 = tpu.memref_squeeze %dma_wait3A_534 : memref<1x128x16xf32, #tpu.memory_space<vmem>> -> memref<128x16xf32, #tpu.memory_space<vmem>>
      %dma_wait3A_536 = arith.constant 1152 : i32
      %dma_wait3A_537 = tpu.memref_slice %arg5[%dma_wait3A_536] : memref<13312xi32, #tpu.memory_space<vmem>> -> memref<128xi32, #tpu.memory_space<vmem>>
      %dma_wait3A_538 = arith.constant 0 : i32
      %dma_wait3A_539 = arith.constant 0 : i32
      %dma_wait3A_540 = tpu.memref_slice %arg2[%dma_wait3A_538, %dma_wait3A_539] : memref<1000000x16xf32, #tpu.memory_space<hbm>> -> memref<1000000x16xf32, #tpu.memory_space<hbm>>
      tpu.wait_indirect_dma semaphore(%arg8 : memref<!tpu.dma_semaphore, #tpu.memory_space<semaphore_mem>>) src(%dma_wait3A_540 : memref<1000000x16xf32, #tpu.memory_space<hbm>>) dst(%dma_wait3A_535 : memref<128x16xf32, #tpu.memory_space<vmem>>)
      %dma_wait3A_541 = arith.constant 1 : i32
      %dma_wait3A_542 = arith.constant 1280 : i32
      %dma_wait3A_543 = arith.constant 0 : i32
      %dma_wait3A_544 = tpu.memref_slice %arg6[%dma_wait3A_541, %dma_wait3A_542, %dma_wait3A_543] : memref<2x1664x16xf32, #tpu.memory_space<vmem>> -> memref<1x128x16xf32, #tpu.memory_space<vmem>>
      %dma_wait3A_545 = tpu.memref_squeeze %dma_wait3A_544 : memref<1x128x16xf32, #tpu.memory_space<vmem>> -> memref<128x16xf32, #tpu.memory_space<vmem>>
      %dma_wait3A_546 = arith.constant 1280 : i32
      %dma_wait3A_547 = tpu.memref_slice %arg5[%dma_wait3A_546] : memref<13312xi32, #tpu.memory_space<vmem>> -> memref<128xi32, #tpu.memory_space<vmem>>
      %dma_wait3A_548 = arith.constant 0 : i32
      %dma_wait3A_549 = arith.constant 0 : i32
      %dma_wait3A_550 = tpu.memref_slice %arg2[%dma_wait3A_548, %dma_wait3A_549] : memref<1000000x16xf32, #tpu.memory_space<hbm>> -> memref<1000000x16xf32, #tpu.memory_space<hbm>>
      tpu.wait_indirect_dma semaphore(%arg8 : memref<!tpu.dma_semaphore, #tpu.memory_space<semaphore_mem>>) src(%dma_wait3A_550 : memref<1000000x16xf32, #tpu.memory_space<hbm>>) dst(%dma_wait3A_545 : memref<128x16xf32, #tpu.memory_space<vmem>>)
      %dma_wait3A_551 = arith.constant 1 : i32
      %dma_wait3A_552 = arith.constant 1408 : i32
      %dma_wait3A_553 = arith.constant 0 : i32
      %dma_wait3A_554 = tpu.memref_slice %arg6[%dma_wait3A_551, %dma_wait3A_552, %dma_wait3A_553] : memref<2x1664x16xf32, #tpu.memory_space<vmem>> -> memref<1x128x16xf32, #tpu.memory_space<vmem>>
      %dma_wait3A_555 = tpu.memref_squeeze %dma_wait3A_554 : memref<1x128x16xf32, #tpu.memory_space<vmem>> -> memref<128x16xf32, #tpu.memory_space<vmem>>
      %dma_wait3A_556 = arith.constant 1408 : i32
      %dma_wait3A_557 = tpu.memref_slice %arg5[%dma_wait3A_556] : memref<13312xi32, #tpu.memory_space<vmem>> -> memref<128xi32, #tpu.memory_space<vmem>>
      %dma_wait3A_558 = arith.constant 0 : i32
      %dma_wait3A_559 = arith.constant 0 : i32
      %dma_wait3A_560 = tpu.memref_slice %arg2[%dma_wait3A_558, %dma_wait3A_559] : memref<1000000x16xf32, #tpu.memory_space<hbm>> -> memref<1000000x16xf32, #tpu.memory_space<hbm>>
      tpu.wait_indirect_dma semaphore(%arg8 : memref<!tpu.dma_semaphore, #tpu.memory_space<semaphore_mem>>) src(%dma_wait3A_560 : memref<1000000x16xf32, #tpu.memory_space<hbm>>) dst(%dma_wait3A_555 : memref<128x16xf32, #tpu.memory_space<vmem>>)
      %dma_wait3A_561 = arith.constant 1 : i32
      %dma_wait3A_562 = arith.constant 1536 : i32
      %dma_wait3A_563 = arith.constant 0 : i32
      %dma_wait3A_564 = tpu.memref_slice %arg6[%dma_wait3A_561, %dma_wait3A_562, %dma_wait3A_563] : memref<2x1664x16xf32, #tpu.memory_space<vmem>> -> memref<1x128x16xf32, #tpu.memory_space<vmem>>
      %dma_wait3A_565 = tpu.memref_squeeze %dma_wait3A_564 : memref<1x128x16xf32, #tpu.memory_space<vmem>> -> memref<128x16xf32, #tpu.memory_space<vmem>>
      %dma_wait3A_566 = arith.constant 1536 : i32
      %dma_wait3A_567 = tpu.memref_slice %arg5[%dma_wait3A_566] : memref<13312xi32, #tpu.memory_space<vmem>> -> memref<128xi32, #tpu.memory_space<vmem>>
      %dma_wait3A_568 = arith.constant 0 : i32
      %dma_wait3A_569 = arith.constant 0 : i32
      %dma_wait3A_570 = tpu.memref_slice %arg2[%dma_wait3A_568, %dma_wait3A_569] : memref<1000000x16xf32, #tpu.memory_space<hbm>> -> memref<1000000x16xf32, #tpu.memory_space<hbm>>
      tpu.wait_indirect_dma semaphore(%arg8 : memref<!tpu.dma_semaphore, #tpu.memory_space<semaphore_mem>>) src(%dma_wait3A_570 : memref<1000000x16xf32, #tpu.memory_space<hbm>>) dst(%dma_wait3A_565 : memref<128x16xf32, #tpu.memory_space<vmem>>)
      %add3A_571 = arith.constant 1 : i32
      %add3A_572 = arith.addi %mul3A_155, %add3A_571 : i32
      %mul3A_573 = arith.constant 1664 : i32
      %mul3A_574 = arith.muli %add3A_572, %mul3A_573 : i32
      %add3A_575 = arith.addi %mul3A_2, %mul3A_574 : i32
      %multiple_of3A_576 = tpu.assume_multiple %add3A_575, 8 : i32
      %run_scoped3A_577 = arith.constant 1 : i32
      "tpu.region"() ({
        %run_scoped3A_579 = tpu.sem_alloc : memref<!tpu.dma_semaphore, #tpu.memory_space<semaphore_mem>>
        %dma_start3A_580 = arith.constant 0 : i32
        %dma_start3A_581 = arith.constant 0 : i32
        %dma_start3A_582 = tpu.memref_slice %arg6[%run_scoped3A_577, %dma_start3A_580, %dma_start3A_581] : memref<2x1664x16xf32, #tpu.memory_space<vmem>> -> memref<1x1664x16xf32, #tpu.memory_space<vmem>>
        %dma_start3A_583 = tpu.memref_squeeze %dma_start3A_582 : memref<1x1664x16xf32, #tpu.memory_space<vmem>> -> memref<1664x16xf32, #tpu.memory_space<vmem>>
        %dma_start3A_584 = arith.constant 0 : i32
        %dma_start3A_585 = tpu.memref_slice %arg4[%multiple_of3A_576, %dma_start3A_584] : memref<425984x16xf32, #tpu.memory_space<hbm>> -> memref<1664x16xf32, #tpu.memory_space<hbm>>
        %dma_start3A_586 = arith.constant 0 : i32
        %dma_start3A_587 = tpu.memref_slice %arg4[%multiple_of3A_576, %dma_start3A_586] : memref<425984x16xf32, #tpu.memory_space<hbm>> -> memref<1664x16xf32, #tpu.memory_space<hbm>>
        %dma_start3A_588 = arith.constant 0 : i32
        %dma_start3A_589 = arith.constant 0 : i32
        %dma_start3A_590 = tpu.memref_slice %arg6[%run_scoped3A_577, %dma_start3A_588, %dma_start3A_589] : memref<2x1664x16xf32, #tpu.memory_space<vmem>> -> memref<1x1664x16xf32, #tpu.memory_space<vmem>>
        %dma_start3A_591 = tpu.memref_squeeze %dma_start3A_590 : memref<1x1664x16xf32, #tpu.memory_space<vmem>> -> memref<1664x16xf32, #tpu.memory_space<vmem>>
        tpu.enqueue_dma source(%dma_start3A_591 : memref<1664x16xf32, #tpu.memory_space<vmem>>) target(%dma_start3A_587 : memref<1664x16xf32, #tpu.memory_space<hbm>>) target_semaphore(%run_scoped3A_579 : memref<!tpu.dma_semaphore, #tpu.memory_space<semaphore_mem>>)
        %dma_wait3A_592 = arith.constant 0 : i32
        %dma_wait3A_593 = arith.constant 0 : i32
        %dma_wait3A_594 = tpu.memref_slice %arg6[%run_scoped3A_577, %dma_wait3A_592, %dma_wait3A_593] : memref<2x1664x16xf32, #tpu.memory_space<vmem>> -> memref<1x1664x16xf32, #tpu.memory_space<vmem>>
        %dma_wait3A_595 = tpu.memref_squeeze %dma_wait3A_594 : memref<1x1664x16xf32, #tpu.memory_space<vmem>> -> memref<1664x16xf32, #tpu.memory_space<vmem>>
        %dma_wait3A_596 = arith.constant 0 : i32
        %dma_wait3A_597 = tpu.memref_slice %arg4[%multiple_of3A_576, %dma_wait3A_596] : memref<425984x16xf32, #tpu.memory_space<hbm>> -> memref<1664x16xf32, #tpu.memory_space<hbm>>
        %dma_wait3A_598 = arith.constant 0 : i32
        %dma_wait3A_599 = tpu.memref_slice %arg4[%multiple_of3A_576, %dma_wait3A_598] : memref<425984x16xf32, #tpu.memory_space<hbm>> -> memref<1664x16xf32, #tpu.memory_space<hbm>>
        %dma_wait3A_600 = arith.constant 0 : i32
        %dma_wait3A_601 = arith.constant 0 : i32
        %dma_wait3A_602 = tpu.memref_slice %arg6[%run_scoped3A_577, %dma_wait3A_600, %dma_wait3A_601] : memref<2x1664x16xf32, #tpu.memory_space<vmem>> -> memref<1x1664x16xf32, #tpu.memory_space<vmem>>
        %dma_wait3A_603 = tpu.memref_squeeze %dma_wait3A_602 : memref<1x1664x16xf32, #tpu.memory_space<vmem>> -> memref<1664x16xf32, #tpu.memory_space<vmem>>
        tpu.wait_dma2 semaphore(%run_scoped3A_579 : memref<!tpu.dma_semaphore, #tpu.memory_space<semaphore_mem>>) src(%dma_wait3A_603 : memref<1664x16xf32, #tpu.memory_space<vmem>>) dst(%dma_wait3A_599 : memref<1664x16xf32, #tpu.memory_space<hbm>>)
        tpu.yield
      }) : () -> ()
      %scan3A_578 = arith.constant 0 : i32
      scf.yield %scan3A_578 : i32
    }
    %scan3A_151 = arith.constant 4 : i32
    return
  }
}

</mosaic_0001>

<sc_bundles>
// kernel: _encode.4.cloned.1.call-start
scs
__scs_entry_jumppad:
0x0: {  	(pc) =	sbr.rel $0x88, $3  }
0x1: {  	(tag) =	ssettag $0x0;
	lr =	simm.s32 $0x1  }
0x2: {  	[smem:$0x3F9F] =	sst lr;
	_ =	strace $0xD0000000  }
0x3: {  	_ = 	snop  }
0x4: {  	_ = 	snop  }
0x5: {  	_ = 	snop  }
0x6: {  	_ = 	snop  }
0x7: {  	_ = 	snop  }
__scs_overlays_trampoline_lowered:
0x8: {  	[smem:$0x3FAE] =	sst s0  }
0x9: {  	[smem:$0x3FAF] =	sst s1  }
0xa: {  	[smem:$0x3FB0] =	sst s2  }
0xb: {  	[smem:$0x3FB1] =	sst s3  }
0xc: {  	[smem:$0x3FB2] =	sst s4  }
0xd: {  	[smem:$0x3FB3] =	sst s5  }
0xe: {  	[smem:$0x3FB4] =	sst s6  }
0xf: {  	[smem:$0x3FB5] =	sst s7  }
0x10: {  	[smem:$0x3FB6] =	sst s8  }
0x11: {  	[smem:$0x3FB7] =	sst s9;
	s0 =	simm.s32 @!p0 $0x0  }
0x12: {  	s1 =	sld [smem:$0x3F9D];
	s0 =	simm.s32 @p0 $0x1  }
0x13: {  	[smem:$0x3FB8] =	sst s0;
	s0 =	simm.s32 @!p1 $0x0  }
0x14: {  	s2 =	sld [smem:$0x3F9C];
	s0 =	simm.s32 @p1 $0x1  }
0x15: {  	[smem:$0x3FB9] =	sst s0;
	s0 =	simm.s32 @!p2 $0x0  }
0x16: {  	s3 =	sld [smem:$0x3FDB];
	s0 =	simm.s32 @p2 $0x1  }
0x17: {  	s4 =	simm.s32 $0x1BF5;
	[smem:$0x3FBB] =	sst s0  }
0x18: {  	s0 =	sld [smem:$0x3F9E];
	_ =	swait.ge [sflag:s4], $0x0  }
0x19: {  	s7 =	sld [smem:$0x3F9F]  }
0x1a: {  	s8 =	sadd.s32 $0xFFFFE003, lr  }
0x1b: {  	s9 =	sadd.s32 $0xFFFFFEF7, lr;
	s5 =	simm.s32 $0xFFFFFFFF;
	p2 =	slt.u32 s8, $0xFFFFF086  }
0x1c: {  	p1 =	slt.u32 s9, $0xF7A;
	s5 =	simm.s32 @!p2 $0x0  }
0x1d: {  	s5 =	simm.s32 @p1 $0x1;
	p0 =	seq.s32 s7, s2  }
0x1e: {  	s7 =	smul.u32 @!p0 $0xF7A, s2;
	p2 =	seq.s32 @!p0 s5, $0x0  }
0x1f: {  	s9 =	smul.u32 $0xF7A, s1;
	s8 =	simm.s32 @!p0 $0x1BF5;
	p2 =	por !p2, p0  }
0x20: {  	[sflag:s8] =	ssyncset.s32 @!p0 $0xFFFFF086;
	s6 =	sadd.s32 @!p0 s3, s7;
	s7 =	simm.s32 @!p0 $0x108  }
0x21: {  	s3 =	sadd.s32 s3, s9;
	s6 =	sadd.s32 @!p0 $0x88, s6;
	s7 =	simm.s32 @p2 $0x1082  }
0x22: {  	[simem:s7], [sflag:s8] =	dma.local @!p0 [hbm:s6], $0xF7A  }
0x23: {  	s9 =	sor.u32 $0xD0000000, s2;
	s6 =	simm.s32 $0x108;
	_ =	swait.ge @!p0 [sflag:s8], $0x0  }
0x24: {  	s3 =	sadd.s32 $0x88, s3;
	s6 =	simm.s32 @!p1 $0x1082;
	[sflag:s4] =	ssyncset.s32 $0xFFFFF086  }
0x25: {  	[simem:s6], [sflag:s4] =	dma.local [hbm:s3], $0xF7A  }
0x26: {  	[smem:$0x3F9F] =	sst s1;
	(tag) =	ssettag s2;
	_ =	strace s9  }
0x27: {  	s1 =	sld [smem:$0x3FAF]  }
0x28: {  	s2 =	sld [smem:$0x3FB0]  }
0x29: {  	s4 =	sld [smem:$0x3FB2]  }
0x2a: {  	p0 =	seq.s32 s5, $0x0;
	s5 =	sld [smem:$0x3FB3]  }
0x2b: {  	s6 =	sld [smem:$0x3FB4]  }
0x2c: {  	s7 =	sld [smem:$0x3FB5]  }
0x2d: {  	s3 =	simm.s32 $0x108;
	s8 =	sld [smem:$0x3FB6]  }
0x2e: {  	s3 =	simm.s32 @!p0 $0x1082;
	s9 =	sld [smem:$0x3FB7]  }
0x2f: {  	lr =	sadd.s32 s0, s3;
	s0 =	sld [smem:$0x3FAE]  }
0x30: {  	s3 =	sld [smem:$0x3FB1]  }
0x31: {  	[smem:$0x3FBA] =	sst s10  }
0x32: {  	s10 =	sld [smem:$0x3FB8];
	_ =	sdelay $0x3  }
0x33: {  	p0 =	seq.s32 s10, $0x1;
	s10 =	sld [smem:$0x3FBA];
	_ =	sdelay $0x3  }
0x34: {  	[smem:$0x3FBA] =	sst s10  }
0x35: {  	s10 =	sld [smem:$0x3FB9];
	_ =	sdelay $0x3  }
0x36: {  	p1 =	seq.s32 s10, $0x1;
	s10 =	sld [smem:$0x3FBA];
	_ =	sdelay $0x3  }
0x37: {  	[smem:$0x3FBA] =	sst s10  }
0x38: {  	s10 =	sld [smem:$0x3FBB]  }
0x39: {  	_ = 	snop;
	(pc) =	sbr.ind lr, $3  }
0x3a: {  	_ = 	snop  }
0x3b: {  	_ = 	snop  }
0x3c: {  	p2 =	seq.s32 s10, $0x1;
	s10 =	sld [smem:$0x3FBA]  }
0x3d: {  	_ =	shalt  }
0x3e: {  	_ =	shalt  }
0x3f: {  	_ =	shalt  }
0x40: {  	_ =	shalt  }
0x41: {  	_ =	shalt  }
0x42: {  	_ =	shalt  }
0x43: {  	_ =	shalt  }
0x44: {  	_ =	shalt  }
0x45: {  	_ =	shalt  }
0x46: {  	_ =	shalt  }
0x47: {  	_ =	shalt  }
0x48: {  	_ =	shalt  }
0x49: {  	_ =	shalt  }
0x4a: {  	_ =	shalt  }
0x4b: {  	_ =	shalt  }
0x4c: {  	_ =	shalt  }
0x4d: {  	_ =	shalt  }
0x4e: {  	_ =	shalt  }
0x4f: {  	_ =	shalt  }
0x50: {  	_ =	shalt  }
0x51: {  	_ =	shalt  }
0x52: {  	_ =	shalt  }
0x53: {  	_ =	shalt  }
0x54: {  	_ =	shalt  }
0x55: {  	_ =	shalt  }
0x56: {  	_ =	shalt  }
0x57: {  	_ =	shalt  }
0x58: {  	_ =	shalt  }
0x59: {  	_ =	shalt  }
0x5a: {  	_ =	shalt  }
0x5b: {  	_ =	shalt  }
0x5c: {  	_ =	shalt  }
0x5d: {  	_ =	shalt  }
0x5e: {  	_ =	shalt  }
0x5f: {  	_ =	shalt  }
0x60: {  	_ =	shalt  }
0x61: {  	_ =	shalt  }
0x62: {  	_ =	shalt  }
0x63: {  	_ =	shalt  }
0x64: {  	_ =	shalt  }
0x65: {  	_ =	shalt  }
0x66: {  	_ =	shalt  }
0x67: {  	_ =	shalt  }
0x68: {  	_ =	shalt  }
0x69: {  	_ =	shalt  }
0x6a: {  	_ =	shalt  }
0x6b: {  	_ =	shalt  }
0x6c: {  	_ =	shalt  }
0x6d: {  	_ =	shalt  }
0x6e: {  	_ =	shalt  }
0x6f: {  	_ =	shalt  }
0x70: {  	_ =	shalt  }
0x71: {  	_ =	shalt  }
0x72: {  	_ =	shalt  }
0x73: {  	_ =	shalt  }
0x74: {  	_ =	shalt  }
0x75: {  	_ =	shalt  }
0x76: {  	_ =	shalt  }
0x77: {  	_ =	shalt  }
0x78: {  	_ =	shalt  }
0x79: {  	_ =	shalt  }
0x7a: {  	_ =	shalt  }
0x7b: {  	_ =	shalt  }
0x7c: {  	_ =	shalt  }
0x7d: {  	_ =	shalt  }
0x7e: {  	_ =	shalt  }
0x7f: {  	_ =	shalt  }
0x80: {  	_ =	shalt  }
0x81: {  	_ =	shalt  }
0x82: {  	_ =	shalt  }
0x83: {  	_ =	shalt  }
0x84: {  	_ =	shalt  }
0x85: {  	_ =	shalt  }
0x86: {  	_ =	shalt  }
0x87: {  	_ =	shalt  }
.Lfunc_end0:
.L_simem_size_0:
called_computation_lowered:
.L_overlay_start_0:
0x88: {  	s2 =	sld [smem:$0x3FD9]  }
0x89: {  	s3 =	sld [smem:$0x3FFE];
	_ =	sdelay $0x1  }
0x8a: {  	s1 =	srdreg.scid  }
0x8b: {  	s0 =	sand.u32 $0x1, s1  }
0x8c: {  	s17 =	sshll.u32 s0, $0xA;
	s2 =	sadd.s32 s3, s2  }
0x8d: {  	s2 =	sadd.s32 s2, s17  }
0x8e: {  	[smem:$0x3FC6] =	sst s2  }
0x8f: {  	_ = 	snop  }
0x90: {  	s2 =	sld [smem:$0x3FC9]  }
0x91: {  	s18 =	sld [smem:$0x3FD0];
	(tm) =	ssettm $0x1  }
0x92: {  	s4 =	sld [smem:$0x3FFB];
	_ =	sdelay $0x3  }
0x93: {  	_ =	strace s4  }
0x94: {  	s4 =	sld [smem:$0x3FFC];
	_ =	sdelay $0x3  }
0x95: {  	_ =	strace s4  }
0x96: {  	s4 =	sld [smem:$0x3FFD];
	_ =	sdelay $0x3  }
0x97: {  	_ =	strace s4  }
0x98: {  	_ =	strace $0x8FFFFFFF  }
0x99: {  	s19 =	sld [smem:$0x3FDB];
	_ =	sdelay $0x1  }
0x9a: {  	s5 =	simm.s32 $_scs_section_size  }
0x9b: {  	s6 =	simm.s32 $_size__tile_overlayer_lowered;
	s7 =	simm.s32 $_tile_overlayer_lowered  }
0x9c: {  	s22 =	simm.s32 $0x1BFF;
	s21 =	sshll.u32 s7, $0x1;
	s4 =	sadd.s32 s5, s19  }
0x9d: {  	s8 =	simm.s32 $0x0;
	s20 =	sshll.u32 s6, $0x1;
	s6 =	sadd.s32 s21, s4  }
0x9e: {  	[timem:s8], [sflag:s22] =	dma.local [hbm:s6], s20  }
0x9f: {  	_ =	swait.ge [sflag:s22], s20  }
0xa0: {  	s5 =	ssub.s32 $0x0, s20;
	[sflag:s22] =	ssyncset.done $0x0  }
0xa1: {  	[sflag:s22] =	ssyncadd.s32 s5;
	_ =	sdelay $0x1  }
0xa2: {  	s23 =	simm.s32 $0x1B8B  }
0xa3: {  	_ =	swait.ge [sflag:s23], $0x1  }
0xa4: {  	[sflag:s23] =	ssyncset.done $0x0  }
0xa5: {  	s25 =	simm.s32 $0x1B8E;
	s24 =	sld [smem:$0x3FFE];
	[sflag:s23] =	ssyncadd.s32 $0xFFFFFFFF  }
0xa6: {  	s26 =	simm.s32 $execute0_lowered;
	[smem:$0x3FD2] =	sst s25  }
0xa7: {  	s6 =	sshll.u32 s26, $0x1;
	_ =	strace $0x80000046;
	[dreg:$0x1] =	wrdreg $0xFFFFFFFF  }
0xa8: {  	s28 =	simm.s32 $_size_execute0_lowered;
	s4 =	sadd.s32 s4, s6;
	[dreg:$0x0] =	wrdreg $0x0  }
0xa9: {  	s6 =	sshll.u32 s28, $0x1;
	[dreg:$0x2] =	wrdreg s4  }
0xaa: {  	[dreg:$0x3] =	wrdreg s6  }
0xab: {  	[dreg:$0x4] =	wrdreg $0xC0  }
0xac: {  	_ =	task [dreg:s8], $0x5FFFF  }
0xad: {  	[dreg:$0x1] =	wrdreg $0xFFFFFFFF  }
0xae: {  	[dreg:$0x0] =	wrdreg $0x60  }
0xaf: {  	[dreg:$0x2] =	wrdreg s2  }
0xb0: {  	[dreg:$0x3] =	wrdreg s18  }
0xb1: {  	[dreg:$0x4] =	wrdreg s24  }
0xb2: {  	[dreg:$0x5] =	wrdreg $0x9  }
0xb3: {  	_ =	task.clear_ibuf [dreg:s8], $0x6FFFF;
	_ =	strace $0x90000046  }
0xb4: {  	s29 =	simm.s32 $0x9;
	_ =	strace $0x80000048  }
0xb5: {  	_ =	swait.ge [sflag:s29], $0x1  }
0xb6: {  	[sflag:s29] =	ssyncadd.s32 $0xFFFFFFFF  }
0xb7: {  	_ =	strace $0x90000048  }
0xb8: {  	_ =	sfence  }
0xb9: {  	s30 =	sld [smem:$0x0];
	_ =	sdelay $0x2  }
0xba: {  	s31 =	sshll.u32 s1, $0xD;
	s1 =	sshrl.u32 s1, $0x2  }
0xbb: {  	s3 =	sand.u32 $0x4000, s31;
	s1 =	sadd.s32 s1, s30  }
0xbc: {  	s0 =	sor.u32 s3, s0;
	s1 =	sshll.u32 s1, $0x11  }
0xbd: {  	s0 =	sor.u32 s1, s0  }
0xbe: {  	s0 =	sadd.s32 $0x8F2B, s0  }
0xbf: {  	[sflag:s0] =	ssyncadd.remote.s32 $0x1  }
0xc0: {  	_ =	sfence.sel $0xFFFF  }
0xc1: {  	[dreg:$0x0] =	wrdreg $0xFFFFFFFF;
	(pc) =	sbr.abs _section_cstart, $3  }
0xc2: {  	[dreg:$0x1] =	wrdreg $0xFFFFFFFF  }
0xc3: {  	_ =	task.clear_ibuf [dreg:s8], $0x2FFFF;
	_ =	strace $0x9FFFFFFF  }
0xc4: {  	(tm) =	ssettm $0x7FFFFFFF  }
0xc5: {  	_ =	shalt  }
tec
execute0_lowered:
.L_overlay_start_1:
0x0: {  	(tag) =	ssettag $0x1  }
0x1: {  	v0 =	vimm.s32 $0x1780;
	vm0 =	vcmask $0x300;
	v1 =	vimm.s32 $0x1783  }
0x2: {  	vm1 =	vcmask $0x704;
	v0 =	vsel vm0, $0x0, v0;
	v1 =	vsel vm0, $0x3, v1  }
0x3: {  	s0 =	rddreg [dreg:$0x0];
	vm15 =	vcmask $0xB08;
	v0 =	vsel vm1, $0x80, v0;
	v1 =	vsel vm1, $0x83, v1  }
0x4: {  	s1 =	rddreg [dreg:$0x1];
	vm4 =	vcmask $0xF0C;
	v0 =	vsel vm15, $0x100, v0;
	v1 =	vsel vm15, $0x103, v1  }
0x5: {  	s10 =	rddreg [dreg:$0x2];
	vm5 =	vcmask $0x1310;
	v0 =	vsel vm4, $0x180, v0;
	v1 =	vsel vm4, $0x183, v1  }
0x6: {  	s2 =	rddreg [dreg:$0x3];
	vm6 =	vcmask $0x1714;
	v0 =	vsel vm5, $0x200, v0;
	v1 =	vsel vm5, $0x203, v1  }
0x7: {  	s5 =	srdreg.scid;
	s3 =	stileid.u32;
	vm7 =	vcmask $0x1B18;
	s4 =	simm.s32 $0x0;
	v0 =	vsel vm6, $0x280, v0;
	v1 =	vsel vm6, $0x283, v1  }
0x8: {  	vm8 =	vcmask $0x1F1C;
	s13 =	simm.s32 $0x1400;
	s14 =	simm.s32 $0x1;
	s15 =	simm.s32 $0x5000;
	v0 =	vsel vm7, $0x300, v0;
	v1 =	vsel vm7, $0x303, v1  }
0x9: {  	vm9 =	vcmask $0x2320;
	s16 =	simm.s32 $0x2;
	s17 =	simm.s32 $0x2800;
	s18 =	simm.s32 $0x7000;
	v0 =	vsel vm8, $0x380, v0;
	v1 =	vsel vm8, $0x383, v1  }
0xa: {  	vm10 =	vcmask $0x2724;
	s19 =	simm.s32 $0x3;
	s20 =	simm.s32 $0x4;
	s21 =	simm.s32 $0x0;
	v0 =	vsel vm9, $0x1400, v0;
	v1 =	vsel vm9, $0x1403, v1  }
0xb: {  	vm11 =	vcmask $0x2B28;
	s5 =	sand.u32 $0x1, s5;
	s6 =	sshll.u32 s3, $0x1;
	[smem:$0x7FF] =	sst s4;
	v0 =	vsel vm10, $0x1480, v0;
	v1 =	vsel vm10, $0x1483, v1  }
.Ltmp0:
0xc: {  	vm12 =	vcmask $0x2F2C;
	s7 =	ssub.s32 $0x2, s5;
	_ =	strace $0x80000047;
	v0 =	vsel vm11, $0x1500, v0;
	v1 =	vsel vm11, $0x1503, v1;
	(pc) =	sbr.rel .LBB2_1-.Ltmp0, $4  }
0xd: {  	vm13 =	vcmask $0x3330;
	s5 =	sor.u32 s5, s6;
	s6 =	sadd.s32 $0x800, s10;
	s10 =	sadd.s32 $0x1E8C00, s10;
	v0 =	vsel vm12, $0x1580, v0;
	v1 =	vsel vm12, $0x1583, v1  }
0xe: {  	vm14 =	vcmask $0x3734;
	s8 =	sshrl.u32 s7, $0x1;
	s9 =	sshll.u32 s5, $0x9;
	p0 =	sne.s32 s5, $0x4;
	v0 =	vsel vm13, $0x1600, v0;
	v1 =	vsel vm13, $0x1603, v1  }
0xf: {  	vm15 =	vcmask $0x3B38;
	s11 =	ssub.s32 s7, s8;
	s7 =	sadd.s32 s0, s9;
	s8 =	sor.u32 $0x40, s5;
	v0 =	vsel vm14, $0x1680, v0;
	v1 =	vsel vm14, $0x1683, v1  }
0x10: {  	s9 =	sadd.s32 $0x4000, s7;
	s11 =	smax.u32 s11, $0x1;
	s12 =	sadd.s32 $0xF4280, s7;
	v0 =	vsel vm15, $0x1700, v0;
	v1 =	vsel vm15, $0x1703, v1  }
.LBB2_9:
0x11: {  	_ =	swait.ge [sflag:s19], $0x2000  }
0x12: {  	[sflag:s19] =	ssyncset.done $0x0  }
0x13: {  	[sflag:s19] =	ssyncadd.s32 $0xFFFFE000  }
0x14: {  	_ =	swait.ge [sflag:s20], $0x2000  }
0x15: {  	s22 =	simm.s32 @!p0 $0x0;
	[sflag:s20] =	ssyncset.done $0x0  }
0x16: {  	s23 =	simm.s32 @!p0 $0x5000;
	s24 =	simm.s32 @!p0 $0x5;
	[sflag:s20] =	ssyncadd.s32 $0xFFFFE000  }
0x17: {  	[tilespmem:s23], [sflag:$0x5] =	stream.linear.gather @!p0 [hbm4b:s1+s22], $0x400, $0x38;
	[tilespmem:$0x9000] =	vst v63  }
0x18: {  	s21 =	sadd.s32 $0x1, s21;
	_ =	swait.ge @!p0 [sflag:s24], $0x400  }
0x19: {  	p1 =	sne.s32 s21, s11;
	[sflag:s24] =	ssyncset.done @!p0 $0x0  }
.Ltmp1:
0x1a: {  	[sflag:s24] =	ssyncadd.s32 @!p0 $0xFFFFFC00;
	(pc) =	sbr.rel @!p1 .LBB2_10-.Ltmp1, $4  }
0x1b: {  	[hbm4b:s10+s22] =	stream.linear.scatter @!p0 [tilespmem:s23], [sflag:$0x5], $0x400, $0x38;
	[tilespmem:$0x9000] =	vst v63  }
0x1c: {  	_ =	swait.ge @!p0 [sflag:s24], $0x400  }
0x1d: {  	[sflag:s24] =	ssyncset.done @!p0 $0x0  }
0x1e: {  	[sflag:s24] =	ssyncadd.s32 @!p0 $0xFFFFFC00  }
.LBB2_1:
.Ltmp2:
0x1f: {  	(pc) =	sbr.rel .LBB2_2-.Ltmp2, $4  }
0x20: {  	_ = 	snop  }
0x21: {  	[tilespmem:s4], [sflag:$0x1] =	stream.linear.gather [hbm4b:s7+s4], $0x1000, $0x38;
	[tilespmem:$0x9000] =	vst v63  }
0x22: {  	s22 =	simm.s32 $0x0  }
0x23: {  	[tilespmem:s13], [sflag:$0x1] =	stream.linear.gather [hbm4b:s12+s4], $0x1000, $0x38;
	[tilespmem:$0x9000] =	vst v63  }
.LBB2_8:
0x24: {  	s22 =	sadd.s32 $0x1, s22  }
0x25: {  	p1 =	sne.s32 s22, $0x1F  }
.Ltmp3:
0x26: {  	_ = 	snop;
	(pc) =	sbr.rel @!p1 .LBB2_9-.Ltmp3, $1  }
0x27: {  	_ =	sdelay $0x3  }
.LBB2_2:
0x28: {  	s23 =	sshll.u32 s22, $0x6  }
0x29: {  	s24 =	sor.u32 s5, s23  }
0x2a: {  	p1 =	sgt.u32 s24, $0x780  }
0x2b: {  	s25 =	sshll.u32 @!p1 s22, $0xF  }
0x2c: {  	s26 =	simm.s32 @!p1 $0x0;
	s28 =	simm.s32 @!p1 $0x2800;
	s25 =	sadd.s32 @!p1 s25, s9  }
0x2d: {  	v4 =	vimm.s32 $0x0;
	[tilespmem:s28], [sflag:$0x2] =	stream.linear.gather @!p1 [hbm4b:s25+s26], $0x1000, $0x38;
	[tilespmem:$0x9000] =	vst v63  }
0x2e: {  	v2 =	vshll.u32 v4, $0x3;
	s25 =	sadd.s32 @!p1 $0xF4280, s25;
	s28 =	simm.s32 @!p1 $0x3C00  }
0x2f: {  	v3 =	vand.u32 $0x60, v4;
	v2 =	vand.u32 $0xFFFFFC00, v2;
	[tilespmem:s28], [sflag:$0x2] =	stream.linear.gather @!p1 [hbm4b:s25+s26], $0x1000, $0x38;
	[tilespmem:$0x9000] =	vst v63  }
0x30: {  	v3 =	vor.u32 v3, v2;
	_ =	swait.ge [sflag:s14], $0x2000  }
0x31: {  	v5 =	vadd.s32 v0, v3;
	p1 =	seq.s32 s22, $0x0;
	[sflag:s14] =	ssyncset.done $0x0  }
0x32: {  	v6 =	vor.u32 $0x1F, v5;
	s25 =	simm.s32 @!p1 $0x3;
	[sflag:s14] =	ssyncadd.s32 $0xFFFFE000  }
0x33: {  	v7 =	vor.u32 $0x1, v5;
	_ =	swait.ge @!p1 [sflag:s25], $0x2000  }
0x34: {  	v8 =	vor.u32 $0x2, v5;
	[sflag:s25] =	ssyncset.done @!p1 $0x0  }
0x35: {  	v9 =	vor.u32 $0x4, v5;
	[sflag:s25] =	ssyncadd.s32 @!p1 $0xFFFFE000  }
0x36: {  	v10 =	vor.u32 $0x5, v5;
	v2 =	vld.idx.msk [tilespmem:v5+s4+$0x0], $0xffff  }
0x37: {  	v11 =	vor.u32 $0x6, v5;
	v6 =	vld.idx.msk [tilespmem:v6+s4+$0x0], $0xffff  }
0x38: {  	v12 =	vor.u32 $0x7, v5;
	v7 =	vld.idx.msk [tilespmem:v7+s4+$0x0], $0xffff  }
0x39: {  	v13 =	vor.u32 $0x8, v5;
	v8 =	vld.idx.msk [tilespmem:v8+s4+$0x0], $0xffff  }
0x3a: {  	v14 =	vor.u32 $0x9, v5;
	v9 =	vld.idx.msk [tilespmem:v9+s4+$0x0], $0xffff  }
0x3b: {  	v15 =	vor.u32 $0xA, v5;
	v10 =	vld.idx.msk [tilespmem:v10+s4+$0x0], $0xffff  }
0x3c: {  	v16 =	vor.u32 $0xB, v5;
	s25 =	simm.s32 $0x5100;
	v11 =	vld.idx.msk [tilespmem:v11+s4+$0x0], $0xffff  }
0x3d: {  	v17 =	vor.u32 $0xC, v5;
	v12 =	vld.idx.msk [tilespmem:v12+s4+$0x0], $0xffff;
	[tilespmem:s25+$0xF0] =	vst v6  }
0x3e: {  	v6 =	vor.u32 $0xD, v5;
	[tilespmem:s25+$0xFFFFFF10] =	vst v7;
	v7 =	vld.idx.msk [tilespmem:v13+s4+$0x0], $0xffff  }
0x3f: {  	v13 =	vor.u32 $0xE, v5;
	[tilespmem:s25+$0xFFFFFF20] =	vst v8;
	v8 =	vld.idx.msk [tilespmem:v14+s4+$0x0], $0xffff  }
0x40: {  	v14 =	vor.u32 $0xF, v5;
	[tilespmem:s25+$0xFFFFFF40] =	vst v9;
	v9 =	vld.idx.msk [tilespmem:v15+s4+$0x0], $0xffff  }
0x41: {  	v15 =	vor.u32 $0x10, v5;
	[tilespmem:s25+$0xFFFFFF50] =	vst v10;
	v10 =	vld.idx.msk [tilespmem:v16+s4+$0x0], $0xffff  }
0x42: {  	v16 =	vor.u32 $0x11, v5;
	[tilespmem:s25+$0xFFFFFF60] =	vst v11;
	v11 =	vld.idx.msk [tilespmem:v17+s4+$0x0], $0xffff  }
0x43: {  	v17 =	vor.u32 $0x12, v5;
	[tilespmem:s25+$0xFFFFFF70] =	vst v12;
	v6 =	vld.idx.msk [tilespmem:v6+s4+$0x0], $0xffff  }
0x44: {  	v12 =	vor.u32 $0x13, v5;
	[tilespmem:s25+$0xFFFFFF80] =	vst v7;
	v7 =	vld.idx.msk [tilespmem:v13+s4+$0x0], $0xffff  }
0x45: {  	v18 =	vor.u32 $0x14, v5;
	[tilespmem:s25+$0xFFFFFF90] =	vst v8;
	v8 =	vld.idx.msk [tilespmem:v14+s4+$0x0], $0xffff  }
0x46: {  	v14 =	vor.u32 $0x15, v5;
	[tilespmem:s25+$0xFFFFFFA0] =	vst v9;
	v15 =	vld.idx.msk [tilespmem:v15+s4+$0x0], $0xffff  }
0x47: {  	v19 =	vor.u32 $0x16, v5;
	[tilespmem:s25+$0xFFFFFFB0] =	vst v10;
	v16 =	vld.idx.msk [tilespmem:v16+s4+$0x0], $0xffff  }
0x48: {  	v20 =	vor.u32 $0x17, v5;
	[tilespmem:s25+$0xFFFFFFC0] =	vst v11;
	v17 =	vld.idx.msk [tilespmem:v17+s4+$0x0], $0xffff  }
0x49: {  	v13 =	vld.idx.msk [tilespmem:v12+s4+$0x0], $0xffff;
	v11 =	vor.u32 $0x18, v5;
	[tilespmem:s25+$0xFFFFFFD0] =	vst v6  }
0x4a: {  	v12 =	vld.idx.msk [tilespmem:v18+s4+$0x0], $0xffff;
	v10 =	vor.u32 $0x19, v5;
	[tilespmem:s25+$0xFFFFFFE0] =	vst v7  }
0x4b: {  	v9 =	vor.u32 $0x1A, v5;
	[tilespmem:s25+$0xFFFFFFF0] =	vst v8;
	v14 =	vld.idx.msk [tilespmem:v14+s4+$0x0], $0xffff  }
0x4c: {  	v4 =	vadd.s32 $0x20, v4;
	v3 =	vadd.s32 v1, v3;
	v8 =	vor.u32 $0x1B, v5;
	[tilespmem:s25+$0x0] =	vst v15;
	v15 =	vld.idx.msk [tilespmem:v19+s4+$0x0], $0xffff  }
0x4d: {  	s26 =	simm.s32 $0x0;
	v7 =	vor.u32 $0x1C, v5;
	v6 =	vor.u32 $0x1D, v5;
	v5 =	vor.u32 $0x1E, v5;
	[tilespmem:s25+$0x10] =	vst v16;
	v16 =	vld.idx.msk [tilespmem:v20+s4+$0x0], $0xffff  }
.LBB2_3:
0x4e: {  	v18 =	vshll.u32 v4, $0x3;
	s26 =	sadd.s32 $0x20, s26;
	[tilespmem:s25+$0x20] =	vst v17;
	v11 =	vld.idx.msk [tilespmem:v11+s4+$0x0], $0xffff  }
0x4f: {  	v17 =	vand.u32 $0x60, v4;
	v18 =	vand.u32 $0xFFFFFC00, v18;
	p2 =	slt.u32 s26, $0x1E0;
	[tilespmem:s25+$0x30] =	vst v13;
	v10 =	vld.idx.msk [tilespmem:v10+s4+$0x0], $0xffff  }
0x50: {  	v13 =	vor.u32 v17, v18;
	[tilespmem:s25+$0x40] =	vst v12;
	v9 =	vld.idx.msk [tilespmem:v9+s4+$0x0], $0xffff  }
0x51: {  	v12 =	vadd.s32 v0, v13;
	v13 =	vadd.s32 v1, v13;
	[tilespmem:s25+$0x50] =	vst v14;
	v8 =	vld.idx.msk [tilespmem:v8+s4+$0x0], $0xffff  }
0x52: {  	v14 =	vor.u32 $0x1, v12;
	v17 =	vor.u32 $0x2, v12;
	v18 =	vor.u32 $0x1F, v12;
	[tilespmem:s25+$0x60] =	vst v15;
	v7 =	vld.idx.msk [tilespmem:v7+s4+$0x0], $0xffff  }
0x53: {  	v15 =	vor.u32 $0x4, v12;
	v19 =	vor.u32 $0x5, v12;
	v20 =	vor.u32 $0x6, v12;
	[tilespmem:s25+$0x70] =	vst v16;
	v6 =	vld.idx.msk [tilespmem:v6+s4+$0x0], $0xffff  }
0x54: {  	v21 =	vor.u32 $0x8, v12;
	v22 =	vor.u32 $0x9, v12;
	v16 =	vor.u32 $0x7, v12;
	[tilespmem:s25+$0x80] =	vst v11;
	v5 =	vld.idx.msk [tilespmem:v5+s4+$0x0], $0xffff  }
0x55: {  	v23 =	vor.u32 $0xA, v12;
	v24 =	vor.u32 $0xB, v12;
	v25 =	vor.u32 $0xC, v12;
	v26 =	vld.idx.msk [tilespmem:v3+s4+$0x0], $0xffff;
	[tilespmem:s25+$0x90] =	vst v10;
	v3 =	vmovc v13  }
0x56: {  	v27 =	vor.u32 $0xD, v12;
	v28 =	vor.u32 $0xE, v12;
	v29 =	vor.u32 $0xF, v12;
	v13 =	vld.idx.msk [tilespmem:v12+s4+$0x0], $0xffff;
	[tilespmem:s25+$0xA0] =	vst v9  }
0x57: {  	v30 =	vor.u32 $0x10, v12;
	v31 =	vor.u32 $0x11, v12;
	v32 =	vor.u32 $0x12, v12;
	v18 =	vld.idx.msk [tilespmem:v18+s4+$0x0], $0xffff;
	[tilespmem:s25+$0xB0] =	vst v8  }
0x58: {  	v33 =	vor.u32 $0x13, v12;
	v34 =	vor.u32 $0x14, v12;
	v35 =	vor.u32 $0x15, v12;
	v14 =	vld.idx.msk [tilespmem:v14+s4+$0x0], $0xffff;
	[tilespmem:s25+$0xC0] =	vst v7  }
0x59: {  	v36 =	vor.u32 $0x16, v12;
	v37 =	vor.u32 $0x17, v12;
	v11 =	vor.u32 $0x18, v12;
	v17 =	vld.idx.msk [tilespmem:v17+s4+$0x0], $0xffff;
	[tilespmem:s25+$0xD0] =	vst v6  }
0x5a: {  	v10 =	vor.u32 $0x19, v12;
	v9 =	vor.u32 $0x1A, v12;
	v8 =	vor.u32 $0x1B, v12;
	v15 =	vld.idx.msk [tilespmem:v15+s4+$0x0], $0xffff;
	[tilespmem:s25+$0xE0] =	vst v5  }
0x5b: {  	v7 =	vor.u32 $0x1C, v12;
	v6 =	vor.u32 $0x1D, v12;
	v5 =	vor.u32 $0x1E, v12;
	v19 =	vld.idx.msk [tilespmem:v19+s4+$0x0], $0xffff;
	[tilespmem:s25+$0xFFFFFF00] =	vst v2  }
0x5c: {  	v2 =	vmov v13;
	v12 =	vld.idx.msk [tilespmem:v20+s4+$0x0], $0xffff;
	[tilespmem:s25+$0xFFFFFF30] =	vst v26;
	s25 =	sadd.s32 $0x200, s25  }
0x5d: {  	v13 =	vld.idx.msk [tilespmem:v16+s4+$0x0], $0xffff;
	[tilespmem:s25+$0xF0] =	vst v18  }
0x5e: {  	[tilespmem:s25+$0xFFFFFF10] =	vst v14;
	v14 =	vld.idx.msk [tilespmem:v21+s4+$0x0], $0xffff  }
0x5f: {  	[tilespmem:s25+$0xFFFFFF20] =	vst v17;
	v16 =	vld.idx.msk [tilespmem:v22+s4+$0x0], $0xffff  }
0x60: {  	[tilespmem:s25+$0xFFFFFF40] =	vst v15;
	v15 =	vld.idx.msk [tilespmem:v23+s4+$0x0], $0xffff  }
0x61: {  	[tilespmem:s25+$0xFFFFFF50] =	vst v19;
	v17 =	vld.idx.msk [tilespmem:v24+s4+$0x0], $0xffff  }
0x62: {  	[tilespmem:s25+$0xFFFFFF60] =	vst v12;
	v12 =	vld.idx.msk [tilespmem:v25+s4+$0x0], $0xffff  }
0x63: {  	[tilespmem:s25+$0xFFFFFF70] =	vst v13;
	v13 =	vld.idx.msk [tilespmem:v27+s4+$0x0], $0xffff  }
0x64: {  	[tilespmem:s25+$0xFFFFFF80] =	vst v14;
	v14 =	vld.idx.msk [tilespmem:v28+s4+$0x0], $0xffff  }
0x65: {  	[tilespmem:s25+$0xFFFFFF90] =	vst v16;
	v16 =	vld.idx.msk [tilespmem:v29+s4+$0x0], $0xffff  }
0x66: {  	[tilespmem:s25+$0xFFFFFFA0] =	vst v15;
	v15 =	vld.idx.msk [tilespmem:v30+s4+$0x0], $0xffff  }
0x67: {  	[tilespmem:s25+$0xFFFFFFB0] =	vst v17;
	v18 =	vld.idx.msk [tilespmem:v31+s4+$0x0], $0xffff  }
0x68: {  	[tilespmem:s25+$0xFFFFFFC0] =	vst v12;
	v17 =	vld.idx.msk [tilespmem:v32+s4+$0x0], $0xffff  }
.Ltmp4:
0x69: {  	[tilespmem:s25+$0xFFFFFFD0] =	vst v13;
	v13 =	vld.idx.msk [tilespmem:v33+s4+$0x0], $0xffff;
	(pc) =	sbr.rel @p2 .LBB2_3-.Ltmp4, $4  }
0x6a: {  	[tilespmem:s25+$0xFFFFFFE0] =	vst v14;
	v12 =	vld.idx.msk [tilespmem:v34+s4+$0x0], $0xffff  }
0x6b: {  	[tilespmem:s25+$0xFFFFFFF0] =	vst v16;
	v14 =	vld.idx.msk [tilespmem:v35+s4+$0x0], $0xffff  }
0x6c: {  	[tilespmem:s25+$0x0] =	vst v15;
	v15 =	vld.idx.msk [tilespmem:v36+s4+$0x0], $0xffff  }
0x6d: {  	v4 =	vadd.s32 $0x20, v4;
	[tilespmem:s25+$0x10] =	vst v18;
	v16 =	vld.idx.msk [tilespmem:v37+s4+$0x0], $0xffff  }
0x6e: {  	_ =	sdelay $0x1  }
0x6f: {  	[tilespmem:s25+$0x20] =	vst v17  }
0x70: {  	[tilespmem:s25+$0x30] =	vst v13  }
0x71: {  	v4 =	vld.idx.msk [tilespmem:v11+s4+$0x0], $0xffff;
	[tilespmem:s25+$0xFFFFFF00] =	vst v2  }
0x72: {  	v10 =	vld.idx.msk [tilespmem:v10+s4+$0x0], $0xffff;
	[tilespmem:s25+$0x40] =	vst v12  }
0x73: {  	v9 =	vld.idx.msk [tilespmem:v9+s4+$0x0], $0xffff;
	[tilespmem:s25+$0x50] =	vst v14  }
0x74: {  	v8 =	vld.idx.msk [tilespmem:v8+s4+$0x0], $0xffff;
	[tilespmem:s25+$0x60] =	vst v15  }
0x75: {  	v7 =	vld.idx.msk [tilespmem:v7+s4+$0x0], $0xffff;
	[tilespmem:s25+$0x70] =	vst v16  }
0x76: {  	v6 =	vld.idx.msk [tilespmem:v6+s4+$0x0], $0xffff;
	[tilespmem:s25+$0x80] =	vst v4  }
0x77: {  	v63 =	vld.idx.msk [tilespmem:v5+s4+$0x0], $0xffff;
	[tilespmem:s25+$0x90] =	vst v10  }
0x78: {  	v3 =	vld.idx.msk [tilespmem:v3+s4+$0x0], $0xffff;
	[tilespmem:s25+$0xA0] =	vst v9  }
0x79: {  	[tilespmem:s25+$0xB0] =	vst v8  }
0x7a: {  	[tilespmem:s25+$0xC0] =	vst v7  }
0x7b: {  	[tilespmem:s25+$0xD0] =	vst v6  }
0x7c: {  	[tilespmem:s25+$0xE0] =	vst v63  }
0x7d: {  	[tilespmem:s25+$0xFFFFFF30] =	vst v3;
	s25 =	sor.u32 $0x20, s24  }
0x7e: {  	p2 =	sgt.u32 s25, $0x7A0  }
.Ltmp5:
0x7f: {  	_ = 	snop;
	(pc) =	sbr.rel @p2 .LBB2_8-.Ltmp5, $4  }
0x80: {  	_ = 	snop  }
0x81: {  	s26 =	sshll.u32 s24, $0xA  }
0x82: {  	s31 =	sadd.s32 s6, s26  }
0x83: {  	[hbm4b:s31+s4] =	stream.linear.scatter [tilespmem:s15], [sflag:$0x3], $0x2000, $0x38;
	[tilespmem:$0x9000] =	vst v63  }
0x84: {  	p2 =	sgt.u32 s24, $0x760  }
0x85: {  	s23 =	sadd.s32 @!p2 s8, s23  }
0x86: {  	s23 =	sshll.u32 @!p2 s23, $0x9  }
0x87: {  	s24 =	simm.s32 @!p2 $0x0;
	s23 =	sadd.s32 @!p2 s0, s23  }
0x88: {  	v4 =	vimm.s32 $0x0;
	[tilespmem:s24], [sflag:$0x1] =	stream.linear.gather @!p2 [hbm4b:s23+s24], $0x1000, $0x38;
	[tilespmem:$0x9000] =	vst v63  }
0x89: {  	s26 =	simm.s32 @!p2 $0x1400;
	v2 =	vshll.u32 v4, $0x3;
	s23 =	sadd.s32 @!p2 $0xF4280, s23  }
0x8a: {  	v3 =	vand.u32 $0x60, v4;
	v2 =	vand.u32 $0xFFFFFC00, v2;
	[tilespmem:s26], [sflag:$0x1] =	stream.linear.gather @!p2 [hbm4b:s23+s24], $0x1000, $0x38;
	[tilespmem:$0x9000] =	vst v63  }
0x8b: {  	v3 =	vor.u32 v3, v2;
	_ =	swait.ge [sflag:s16], $0x2000  }
0x8c: {  	v5 =	vadd.s32 v0, v3;
	[sflag:s16] =	ssyncset.done $0x0  }
0x8d: {  	v6 =	vor.u32 $0x1F, v5;
	s23 =	simm.s32 @!p1 $0x4;
	[sflag:s16] =	ssyncadd.s32 $0xFFFFE000  }
0x8e: {  	v7 =	vor.u32 $0x1, v5;
	_ =	swait.ge @!p1 [sflag:s23], $0x2000  }
0x8f: {  	v8 =	vor.u32 $0x2, v5;
	[sflag:s23] =	ssyncset.done @!p1 $0x0  }
0x90: {  	v9 =	vor.u32 $0x4, v5;
	[sflag:s23] =	ssyncadd.s32 @!p1 $0xFFFFE000  }
0x91: {  	v10 =	vor.u32 $0x5, v5;
	v2 =	vld.idx.msk [tilespmem:v5+s17+$0x0], $0xffff  }
0x92: {  	v11 =	vor.u32 $0x6, v5;
	v6 =	vld.idx.msk [tilespmem:v6+s17+$0x0], $0xffff  }
0x93: {  	v12 =	vor.u32 $0x7, v5;
	v7 =	vld.idx.msk [tilespmem:v7+s17+$0x0], $0xffff  }
0x94: {  	v13 =	vor.u32 $0x8, v5;
	v8 =	vld.idx.msk [tilespmem:v8+s17+$0x0], $0xffff  }
0x95: {  	v14 =	vor.u32 $0x9, v5;
	v9 =	vld.idx.msk [tilespmem:v9+s17+$0x0], $0xffff  }
0x96: {  	v15 =	vor.u32 $0xA, v5;
	v10 =	vld.idx.msk [tilespmem:v10+s17+$0x0], $0xffff  }
0x97: {  	v16 =	vor.u32 $0xB, v5;
	s23 =	simm.s32 $0x7100;
	v11 =	vld.idx.msk [tilespmem:v11+s17+$0x0], $0xffff  }
0x98: {  	v17 =	vor.u32 $0xC, v5;
	v12 =	vld.idx.msk [tilespmem:v12+s17+$0x0], $0xffff;
	[tilespmem:s23+$0xF0] =	vst v6  }
0x99: {  	v6 =	vor.u32 $0xD, v5;
	[tilespmem:s23+$0xFFFFFF10] =	vst v7;
	v7 =	vld.idx.msk [tilespmem:v13+s17+$0x0], $0xffff  }
0x9a: {  	v13 =	vor.u32 $0xE, v5;
	[tilespmem:s23+$0xFFFFFF20] =	vst v8;
	v8 =	vld.idx.msk [tilespmem:v14+s17+$0x0], $0xffff  }
0x9b: {  	v14 =	vor.u32 $0xF, v5;
	[tilespmem:s23+$0xFFFFFF40] =	vst v9;
	v9 =	vld.idx.msk [tilespmem:v15+s17+$0x0], $0xffff  }
0x9c: {  	v15 =	vor.u32 $0x10, v5;
	[tilespmem:s23+$0xFFFFFF50] =	vst v10;
	v10 =	vld.idx.msk [tilespmem:v16+s17+$0x0], $0xffff  }
0x9d: {  	v16 =	vor.u32 $0x11, v5;
	[tilespmem:s23+$0xFFFFFF60] =	vst v11;
	v11 =	vld.idx.msk [tilespmem:v17+s17+$0x0], $0xffff  }
0x9e: {  	v17 =	vor.u32 $0x12, v5;
	[tilespmem:s23+$0xFFFFFF70] =	vst v12;
	v6 =	vld.idx.msk [tilespmem:v6+s17+$0x0], $0xffff  }
0x9f: {  	v12 =	vor.u32 $0x13, v5;
	[tilespmem:s23+$0xFFFFFF80] =	vst v7;
	v7 =	vld.idx.msk [tilespmem:v13+s17+$0x0], $0xffff  }
0xa0: {  	v18 =	vor.u32 $0x14, v5;
	[tilespmem:s23+$0xFFFFFF90] =	vst v8;
	v8 =	vld.idx.msk [tilespmem:v14+s17+$0x0], $0xffff  }
0xa1: {  	v14 =	vor.u32 $0x15, v5;
	[tilespmem:s23+$0xFFFFFFA0] =	vst v9;
	v15 =	vld.idx.msk [tilespmem:v15+s17+$0x0], $0xffff  }
0xa2: {  	v19 =	vor.u32 $0x16, v5;
	[tilespmem:s23+$0xFFFFFFB0] =	vst v10;
	v16 =	vld.idx.msk [tilespmem:v16+s17+$0x0], $0xffff  }
0xa3: {  	v20 =	vor.u32 $0x17, v5;
	[tilespmem:s23+$0xFFFFFFC0] =	vst v11;
	v17 =	vld.idx.msk [tilespmem:v17+s17+$0x0], $0xffff  }
0xa4: {  	v13 =	vld.idx.msk [tilespmem:v12+s17+$0x0], $0xffff;
	v11 =	vor.u32 $0x18, v5;
	[tilespmem:s23+$0xFFFFFFD0] =	vst v6  }
0xa5: {  	v12 =	vld.idx.msk [tilespmem:v18+s17+$0x0], $0xffff;
	v10 =	vor.u32 $0x19, v5;
	[tilespmem:s23+$0xFFFFFFE0] =	vst v7  }
0xa6: {  	v9 =	vor.u32 $0x1A, v5;
	[tilespmem:s23+$0xFFFFFFF0] =	vst v8;
	v14 =	vld.idx.msk [tilespmem:v14+s17+$0x0], $0xffff  }
0xa7: {  	v4 =	vadd.s32 $0x20, v4;
	v3 =	vadd.s32 v1, v3;
	v8 =	vor.u32 $0x1B, v5;
	[tilespmem:s23+$0x0] =	vst v15;
	v15 =	vld.idx.msk [tilespmem:v19+s17+$0x0], $0xffff  }
0xa8: {  	s24 =	simm.s32 $0x0;
	v7 =	vor.u32 $0x1C, v5;
	v6 =	vor.u32 $0x1D, v5;
	v5 =	vor.u32 $0x1E, v5;
	[tilespmem:s23+$0x10] =	vst v16;
	v16 =	vld.idx.msk [tilespmem:v20+s17+$0x0], $0xffff  }
.LBB2_6:
0xa9: {  	v18 =	vshll.u32 v4, $0x3;
	s24 =	sadd.s32 $0x20, s24;
	[tilespmem:s23+$0x20] =	vst v17;
	v11 =	vld.idx.msk [tilespmem:v11+s17+$0x0], $0xffff  }
0xaa: {  	v17 =	vand.u32 $0x60, v4;
	v18 =	vand.u32 $0xFFFFFC00, v18;
	p1 =	slt.u32 s24, $0x1E0;
	[tilespmem:s23+$0x30] =	vst v13;
	v10 =	vld.idx.msk [tilespmem:v10+s17+$0x0], $0xffff  }
0xab: {  	v13 =	vor.u32 v17, v18;
	[tilespmem:s23+$0x40] =	vst v12;
	v9 =	vld.idx.msk [tilespmem:v9+s17+$0x0], $0xffff  }
0xac: {  	v12 =	vadd.s32 v0, v13;
	v13 =	vadd.s32 v1, v13;
	[tilespmem:s23+$0x50] =	vst v14;
	v8 =	vld.idx.msk [tilespmem:v8+s17+$0x0], $0xffff  }
0xad: {  	v14 =	vor.u32 $0x1, v12;
	v17 =	vor.u32 $0x2, v12;
	v18 =	vor.u32 $0x1F, v12;
	[tilespmem:s23+$0x60] =	vst v15;
	v7 =	vld.idx.msk [tilespmem:v7+s17+$0x0], $0xffff  }
0xae: {  	v15 =	vor.u32 $0x4, v12;
	v19 =	vor.u32 $0x5, v12;
	v20 =	vor.u32 $0x6, v12;
	[tilespmem:s23+$0x70] =	vst v16;
	v6 =	vld.idx.msk [tilespmem:v6+s17+$0x0], $0xffff  }
0xaf: {  	v21 =	vor.u32 $0x8, v12;
	v22 =	vor.u32 $0x9, v12;
	v16 =	vor.u32 $0x7, v12;
	[tilespmem:s23+$0x80] =	vst v11;
	v5 =	vld.idx.msk [tilespmem:v5+s17+$0x0], $0xffff  }
0xb0: {  	v23 =	vor.u32 $0xA, v12;
	v24 =	vor.u32 $0xB, v12;
	v25 =	vor.u32 $0xC, v12;
	v26 =	vld.idx.msk [tilespmem:v3+s17+$0x0], $0xffff;
	[tilespmem:s23+$0x90] =	vst v10;
	v3 =	vmovc v13  }
0xb1: {  	v27 =	vor.u32 $0xD, v12;
	v28 =	vor.u32 $0xE, v12;
	v29 =	vor.u32 $0xF, v12;
	v13 =	vld.idx.msk [tilespmem:v12+s17+$0x0], $0xffff;
	[tilespmem:s23+$0xA0] =	vst v9  }
0xb2: {  	v30 =	vor.u32 $0x10, v12;
	v31 =	vor.u32 $0x11, v12;
	v32 =	vor.u32 $0x12, v12;
	v18 =	vld.idx.msk [tilespmem:v18+s17+$0x0], $0xffff;
	[tilespmem:s23+$0xB0] =	vst v8  }
0xb3: {  	v33 =	vor.u32 $0x13, v12;
	v34 =	vor.u32 $0x14, v12;
	v35 =	vor.u32 $0x15, v12;
	v14 =	vld.idx.msk [tilespmem:v14+s17+$0x0], $0xffff;
	[tilespmem:s23+$0xC0] =	vst v7  }
0xb4: {  	v36 =	vor.u32 $0x16, v12;
	v37 =	vor.u32 $0x17, v12;
	v11 =	vor.u32 $0x18, v12;
	v17 =	vld.idx.msk [tilespmem:v17+s17+$0x0], $0xffff;
	[tilespmem:s23+$0xD0] =	vst v6  }
0xb5: {  	v10 =	vor.u32 $0x19, v12;
	v9 =	vor.u32 $0x1A, v12;
	v8 =	vor.u32 $0x1B, v12;
	v15 =	vld.idx.msk [tilespmem:v15+s17+$0x0], $0xffff;
	[tilespmem:s23+$0xE0] =	vst v5  }
0xb6: {  	v7 =	vor.u32 $0x1C, v12;
	v6 =	vor.u32 $0x1D, v12;
	v5 =	vor.u32 $0x1E, v12;
	v19 =	vld.idx.msk [tilespmem:v19+s17+$0x0], $0xffff;
	[tilespmem:s23+$0xFFFFFF00] =	vst v2  }
0xb7: {  	v2 =	vmov v13;
	v12 =	vld.idx.msk [tilespmem:v20+s17+$0x0], $0xffff;
	[tilespmem:s23+$0xFFFFFF30] =	vst v26;
	s23 =	sadd.s32 $0x200, s23  }
0xb8: {  	v13 =	vld.idx.msk [tilespmem:v16+s17+$0x0], $0xffff;
	[tilespmem:s23+$0xF0] =	vst v18  }
0xb9: {  	[tilespmem:s23+$0xFFFFFF10] =	vst v14;
	v14 =	vld.idx.msk [tilespmem:v21+s17+$0x0], $0xffff  }
0xba: {  	[tilespmem:s23+$0xFFFFFF20] =	vst v17;
	v16 =	vld.idx.msk [tilespmem:v22+s17+$0x0], $0xffff  }
0xbb: {  	[tilespmem:s23+$0xFFFFFF40] =	vst v15;
	v15 =	vld.idx.msk [tilespmem:v23+s17+$0x0], $0xffff  }
0xbc: {  	[tilespmem:s23+$0xFFFFFF50] =	vst v19;
	v17 =	vld.idx.msk [tilespmem:v24+s17+$0x0], $0xffff  }
0xbd: {  	[tilespmem:s23+$0xFFFFFF60] =	vst v12;
	v12 =	vld.idx.msk [tilespmem:v25+s17+$0x0], $0xffff  }
0xbe: {  	[tilespmem:s23+$0xFFFFFF70] =	vst v13;
	v13 =	vld.idx.msk [tilespmem:v27+s17+$0x0], $0xffff  }
0xbf: {  	[tilespmem:s23+$0xFFFFFF80] =	vst v14;
	v14 =	vld.idx.msk [tilespmem:v28+s17+$0x0], $0xffff  }
0xc0: {  	[tilespmem:s23+$0xFFFFFF90] =	vst v16;
	v16 =	vld.idx.msk [tilespmem:v29+s17+$0x0], $0xffff  }
0xc1: {  	[tilespmem:s23+$0xFFFFFFA0] =	vst v15;
	v15 =	vld.idx.msk [tilespmem:v30+s17+$0x0], $0xffff  }
0xc2: {  	[tilespmem:s23+$0xFFFFFFB0] =	vst v17;
	v18 =	vld.idx.msk [tilespmem:v31+s17+$0x0], $0xffff  }
0xc3: {  	[tilespmem:s23+$0xFFFFFFC0] =	vst v12;
	v17 =	vld.idx.msk [tilespmem:v32+s17+$0x0], $0xffff  }
.Ltmp6:
0xc4: {  	[tilespmem:s23+$0xFFFFFFD0] =	vst v13;
	v13 =	vld.idx.msk [tilespmem:v33+s17+$0x0], $0xffff;
	(pc) =	sbr.rel @p1 .LBB2_6-.Ltmp6, $4  }
0xc5: {  	[tilespmem:s23+$0xFFFFFFE0] =	vst v14;
	v12 =	vld.idx.msk [tilespmem:v34+s17+$0x0], $0xffff  }
0xc6: {  	[tilespmem:s23+$0xFFFFFFF0] =	vst v16;
	v14 =	vld.idx.msk [tilespmem:v35+s17+$0x0], $0xffff  }
0xc7: {  	[tilespmem:s23+$0x0] =	vst v15;
	v15 =	vld.idx.msk [tilespmem:v36+s17+$0x0], $0xffff  }
0xc8: {  	v4 =	vadd.s32 $0x20, v4;
	[tilespmem:s23+$0x10] =	vst v18;
	v16 =	vld.idx.msk [tilespmem:v37+s17+$0x0], $0xffff  }
0xc9: {  	_ =	sdelay $0x1  }
0xca: {  	[tilespmem:s23+$0x20] =	vst v17  }
0xcb: {  	[tilespmem:s23+$0x30] =	vst v13  }
0xcc: {  	v4 =	vld.idx.msk [tilespmem:v11+s17+$0x0], $0xffff;
	[tilespmem:s23+$0xFFFFFF00] =	vst v2  }
0xcd: {  	v10 =	vld.idx.msk [tilespmem:v10+s17+$0x0], $0xffff;
	[tilespmem:s23+$0x40] =	vst v12  }
0xce: {  	v9 =	vld.idx.msk [tilespmem:v9+s17+$0x0], $0xffff;
	[tilespmem:s23+$0x50] =	vst v14  }
0xcf: {  	v8 =	vld.idx.msk [tilespmem:v8+s17+$0x0], $0xffff;
	[tilespmem:s23+$0x60] =	vst v15  }
0xd0: {  	v7 =	vld.idx.msk [tilespmem:v7+s17+$0x0], $0xffff;
	[tilespmem:s23+$0x70] =	vst v16  }
0xd1: {  	v6 =	vld.idx.msk [tilespmem:v6+s17+$0x0], $0xffff;
	[tilespmem:s23+$0x80] =	vst v4  }
0xd2: {  	v63 =	vld.idx.msk [tilespmem:v5+s17+$0x0], $0xffff;
	[tilespmem:s23+$0x90] =	vst v10  }
0xd3: {  	v3 =	vld.idx.msk [tilespmem:v3+s17+$0x0], $0xffff;
	[tilespmem:s23+$0xA0] =	vst v9  }
0xd4: {  	[tilespmem:s23+$0xB0] =	vst v8  }
.Ltmp7:
0xd5: {  	[tilespmem:s23+$0xC0] =	vst v7;
	(pc) =	sbr.rel .LBB2_8-.Ltmp7, $4  }
0xd6: {  	[tilespmem:s23+$0xD0] =	vst v6  }
0xd7: {  	s24 =	sshll.u32 s25, $0xA;
	[tilespmem:s23+$0xE0] =	vst v63  }
0xd8: {  	s31 =	sadd.s32 s6, s24;
	[tilespmem:s23+$0xFFFFFF30] =	vst v3  }
0xd9: {  	[hbm4b:s31+s4] =	stream.linear.scatter [tilespmem:s18], [sflag:$0x4], $0x2000, $0x38;
	[tilespmem:$0x9000] =	vst v63  }
.LBB2_10:
0xda: {  	_ =	sfence.sel $0x180000  }
0xdb: {  	[bflag:$0x0] =	sbarrier.arrive $0xFFFF  }
0xdc: {  	p0 =	sne.s32 s3, $0x0;
	_ =	strace $0x90000047  }
0xdd: {  	s0 =	sadd.s32 @!p0 $0x100000, s2;
	[bflag:$0x2] =	sbarrier.arrive $0xFFFF  }
0xde: {  	[sflag:s0] =	ssyncadd.tile.s32 @!p0 $0x1;
	_ =	shalt  }
.Lfunc_end2:
_tile_overlayer_lowered:
.L_overlay_start_2:
0xdf: {  	(tag) =	ssettag $0x2  }
0xe0: {  	s0 =	rddreg [dreg:$0x0];
	s2 =	stileid.u32  }
0xe1: {  	s1 =	rddreg [dreg:$0x1];
	p0 =	sne.s32 s2, $0x0  }
0xe2: {  	s3 =	rddreg [dreg:$0x2];
	[bflag:$0x3] =	sbarrier.arrive $0xFFFF;
	s2 =	simm.s32 @!p0 $0x1C05  }
0xe3: {  	[timem:s3], [sflag:s2] =	dma.local @!p0 [hbm:s0], s1  }
0xe4: {  	s0 =	simm.s32 @!p0 $0x5  }
0xe5: {  	_ =	swait.ge @!p0 [sflag:s0], s1  }
0xe6: {  	s1 =	ssub.s32 @!p0 $0x0, s1;
	[sflag:s0] =	ssyncset.done @!p0 $0x0  }
0xe7: {  	[sflag:s0] =	ssyncadd.s32 @!p0 s1  }
0xe8: {  	[bflag:$0x3] =	sbarrier.arrive $0xFFFF  }
0xe9: {  	_ =	shalt  }

// kernel: _encode.7.cloned.1.call-start
scs
__scs_entry_jumppad:
0x0: {  	(pc) =	sbr.rel $0x88, $3  }
0x1: {  	(tag) =	ssettag $0x0;
	lr =	simm.s32 $0x1  }
0x2: {  	[smem:$0x3F9F] =	sst lr;
	_ =	strace $0xD0000000  }
0x3: {  	_ = 	snop  }
0x4: {  	_ = 	snop  }
0x5: {  	_ = 	snop  }
0x6: {  	_ = 	snop  }
0x7: {  	_ = 	snop  }
__scs_overlays_trampoline_lowered:
0x8: {  	[smem:$0x3FAE] =	sst s0  }
0x9: {  	[smem:$0x3FAF] =	sst s1  }
0xa: {  	[smem:$0x3FB0] =	sst s2  }
0xb: {  	[smem:$0x3FB1] =	sst s3  }
0xc: {  	[smem:$0x3FB2] =	sst s4  }
0xd: {  	[smem:$0x3FB3] =	sst s5  }
0xe: {  	[smem:$0x3FB4] =	sst s6  }
0xf: {  	[smem:$0x3FB5] =	sst s7  }
0x10: {  	[smem:$0x3FB6] =	sst s8  }
0x11: {  	[smem:$0x3FB7] =	sst s9;
	s0 =	simm.s32 @!p0 $0x0  }
0x12: {  	s1 =	sld [smem:$0x3F9D];
	s0 =	simm.s32 @p0 $0x1  }
0x13: {  	[smem:$0x3FB8] =	sst s0;
	s0 =	simm.s32 @!p1 $0x0  }
0x14: {  	s2 =	sld [smem:$0x3F9C];
	s0 =	simm.s32 @p1 $0x1  }
0x15: {  	[smem:$0x3FB9] =	sst s0;
	s0 =	simm.s32 @!p2 $0x0  }
0x16: {  	s3 =	sld [smem:$0x3FDB];
	s0 =	simm.s32 @p2 $0x1  }
0x17: {  	s4 =	simm.s32 $0x1BF5;
	[smem:$0x3FBB] =	sst s0  }
0x18: {  	s0 =	sld [smem:$0x3F9E];
	_ =	swait.ge [sflag:s4], $0x0  }
0x19: {  	s7 =	sld [smem:$0x3F9F]  }
0x1a: {  	s8 =	sadd.s32 $0xFFFFE003, lr  }
0x1b: {  	s9 =	sadd.s32 $0xFFFFFEF7, lr;
	s5 =	simm.s32 $0xFFFFFFFF;
	p2 =	slt.u32 s8, $0xFFFFF086  }
0x1c: {  	p1 =	slt.u32 s9, $0xF7A;
	s5 =	simm.s32 @!p2 $0x0  }
0x1d: {  	s5 =	simm.s32 @p1 $0x1;
	p0 =	seq.s32 s7, s2  }
0x1e: {  	s7 =	smul.u32 @!p0 $0xF7A, s2;
	p2 =	seq.s32 @!p0 s5, $0x0  }
0x1f: {  	s9 =	smul.u32 $0xF7A, s1;
	s8 =	simm.s32 @!p0 $0x1BF5;
	p2 =	por !p2, p0  }
0x20: {  	[sflag:s8] =	ssyncset.s32 @!p0 $0xFFFFF086;
	s6 =	sadd.s32 @!p0 s3, s7;
	s7 =	simm.s32 @!p0 $0x108  }
0x21: {  	s3 =	sadd.s32 s3, s9;
	s6 =	sadd.s32 @!p0 $0x88, s6;
	s7 =	simm.s32 @p2 $0x1082  }
0x22: {  	[simem:s7], [sflag:s8] =	dma.local @!p0 [hbm:s6], $0xF7A  }
0x23: {  	s9 =	sor.u32 $0xD0000000, s2;
	s6 =	simm.s32 $0x108;
	_ =	swait.ge @!p0 [sflag:s8], $0x0  }
0x24: {  	s3 =	sadd.s32 $0x88, s3;
	s6 =	simm.s32 @!p1 $0x1082;
	[sflag:s4] =	ssyncset.s32 $0xFFFFF086  }
0x25: {  	[simem:s6], [sflag:s4] =	dma.local [hbm:s3], $0xF7A  }
0x26: {  	[smem:$0x3F9F] =	sst s1;
	(tag) =	ssettag s2;
	_ =	strace s9  }
0x27: {  	s1 =	sld [smem:$0x3FAF]  }
0x28: {  	s2 =	sld [smem:$0x3FB0]  }
0x29: {  	s4 =	sld [smem:$0x3FB2]  }
0x2a: {  	p0 =	seq.s32 s5, $0x0;
	s5 =	sld [smem:$0x3FB3]  }
0x2b: {  	s6 =	sld [smem:$0x3FB4]  }
0x2c: {  	s7 =	sld [smem:$0x3FB5]  }
0x2d: {  	s3 =	simm.s32 $0x108;
	s8 =	sld [smem:$0x3FB6]  }
0x2e: {  	s3 =	simm.s32 @!p0 $0x1082;
	s9 =	sld [smem:$0x3FB7]  }
0x2f: {  	lr =	sadd.s32 s0, s3;
	s0 =	sld [smem:$0x3FAE]  }
0x30: {  	s3 =	sld [smem:$0x3FB1]  }
0x31: {  	[smem:$0x3FBA] =	sst s10  }
0x32: {  	s10 =	sld [smem:$0x3FB8];
	_ =	sdelay $0x3  }
0x33: {  	p0 =	seq.s32 s10, $0x1;
	s10 =	sld [smem:$0x3FBA];
	_ =	sdelay $0x3  }
0x34: {  	[smem:$0x3FBA] =	sst s10  }
0x35: {  	s10 =	sld [smem:$0x3FB9];
	_ =	sdelay $0x3  }
0x36: {  	p1 =	seq.s32 s10, $0x1;
	s10 =	sld [smem:$0x3FBA];
	_ =	sdelay $0x3  }
0x37: {  	[smem:$0x3FBA] =	sst s10  }
0x38: {  	s10 =	sld [smem:$0x3FBB]  }
0x39: {  	_ = 	snop;
	(pc) =	sbr.ind lr, $3  }
0x3a: {  	_ = 	snop  }
0x3b: {  	_ = 	snop  }
0x3c: {  	p2 =	seq.s32 s10, $0x1;
	s10 =	sld [smem:$0x3FBA]  }
0x3d: {  	_ =	shalt  }
0x3e: {  	_ =	shalt  }
0x3f: {  	_ =	shalt  }
0x40: {  	_ =	shalt  }
0x41: {  	_ =	shalt  }
0x42: {  	_ =	shalt  }
0x43: {  	_ =	shalt  }
0x44: {  	_ =	shalt  }
0x45: {  	_ =	shalt  }
0x46: {  	_ =	shalt  }
0x47: {  	_ =	shalt  }
0x48: {  	_ =	shalt  }
0x49: {  	_ =	shalt  }
0x4a: {  	_ =	shalt  }
0x4b: {  	_ =	shalt  }
0x4c: {  	_ =	shalt  }
0x4d: {  	_ =	shalt  }
0x4e: {  	_ =	shalt  }
0x4f: {  	_ =	shalt  }
0x50: {  	_ =	shalt  }
0x51: {  	_ =	shalt  }
0x52: {  	_ =	shalt  }
0x53: {  	_ =	shalt  }
0x54: {  	_ =	shalt  }
0x55: {  	_ =	shalt  }
0x56: {  	_ =	shalt  }
0x57: {  	_ =	shalt  }
0x58: {  	_ =	shalt  }
0x59: {  	_ =	shalt  }
0x5a: {  	_ =	shalt  }
0x5b: {  	_ =	shalt  }
0x5c: {  	_ =	shalt  }
0x5d: {  	_ =	shalt  }
0x5e: {  	_ =	shalt  }
0x5f: {  	_ =	shalt  }
0x60: {  	_ =	shalt  }
0x61: {  	_ =	shalt  }
0x62: {  	_ =	shalt  }
0x63: {  	_ =	shalt  }
0x64: {  	_ =	shalt  }
0x65: {  	_ =	shalt  }
0x66: {  	_ =	shalt  }
0x67: {  	_ =	shalt  }
0x68: {  	_ =	shalt  }
0x69: {  	_ =	shalt  }
0x6a: {  	_ =	shalt  }
0x6b: {  	_ =	shalt  }
0x6c: {  	_ =	shalt  }
0x6d: {  	_ =	shalt  }
0x6e: {  	_ =	shalt  }
0x6f: {  	_ =	shalt  }
0x70: {  	_ =	shalt  }
0x71: {  	_ =	shalt  }
0x72: {  	_ =	shalt  }
0x73: {  	_ =	shalt  }
0x74: {  	_ =	shalt  }
0x75: {  	_ =	shalt  }
0x76: {  	_ =	shalt  }
0x77: {  	_ =	shalt  }
0x78: {  	_ =	shalt  }
0x79: {  	_ =	shalt  }
0x7a: {  	_ =	shalt  }
0x7b: {  	_ =	shalt  }
0x7c: {  	_ =	shalt  }
0x7d: {  	_ =	shalt  }
0x7e: {  	_ =	shalt  }
0x7f: {  	_ =	shalt  }
0x80: {  	_ =	shalt  }
0x81: {  	_ =	shalt  }
0x82: {  	_ =	shalt  }
0x83: {  	_ =	shalt  }
0x84: {  	_ =	shalt  }
0x85: {  	_ =	shalt  }
0x86: {  	_ =	shalt  }
0x87: {  	_ =	shalt  }
.Lfunc_end0:
.L_simem_size_0:
called_computation.1_lowered:
.L_overlay_start_0:
0x88: {  	s2 =	sld [smem:$0x3FD9]  }
0x89: {  	s3 =	sld [smem:$0x3FFE];
	_ =	sdelay $0x1  }
0x8a: {  	s1 =	srdreg.scid  }
0x8b: {  	s0 =	sand.u32 $0x1, s1  }
0x8c: {  	s17 =	sshll.u32 s0, $0xA;
	s2 =	sadd.s32 s3, s2  }
0x8d: {  	s2 =	sadd.s32 s2, s17  }
0x8e: {  	[smem:$0x3FC6] =	sst s2  }
0x8f: {  	_ = 	snop  }
0x90: {  	s2 =	sld [smem:$0x3FC8]  }
0x91: {  	s18 =	sld [smem:$0x3FD0];
	(tm) =	ssettm $0x1  }
0x92: {  	s4 =	sld [smem:$0x3FFB];
	_ =	sdelay $0x3  }
0x93: {  	_ =	strace s4  }
0x94: {  	s4 =	sld [smem:$0x3FFC];
	_ =	sdelay $0x3  }
0x95: {  	_ =	strace s4  }
0x96: {  	s4 =	sld [smem:$0x3FFD];
	_ =	sdelay $0x3  }
0x97: {  	_ =	strace s4  }
0x98: {  	_ =	strace $0x8FFFFFFF  }
0x99: {  	s19 =	sld [smem:$0x3FDB];
	_ =	sdelay $0x1  }
0x9a: {  	s5 =	simm.s32 $_scs_section_size  }
0x9b: {  	s6 =	simm.s32 $_size__tile_overlayer_lowered;
	s7 =	simm.s32 $_tile_overlayer_lowered  }
0x9c: {  	s22 =	simm.s32 $0x1BFF;
	s21 =	sshll.u32 s7, $0x1;
	s4 =	sadd.s32 s5, s19  }
0x9d: {  	s8 =	simm.s32 $0x0;
	s20 =	sshll.u32 s6, $0x1;
	s6 =	sadd.s32 s21, s4  }
0x9e: {  	[timem:s8], [sflag:s22] =	dma.local [hbm:s6], s20  }
0x9f: {  	_ =	swait.ge [sflag:s22], s20  }
0xa0: {  	s5 =	ssub.s32 $0x0, s20;
	[sflag:s22] =	ssyncset.done $0x0  }
0xa1: {  	[sflag:s22] =	ssyncadd.s32 s5;
	_ =	sdelay $0x1  }
0xa2: {  	s23 =	simm.s32 $0x1B8B  }
0xa3: {  	_ =	swait.ge [sflag:s23], $0x1  }
0xa4: {  	[sflag:s23] =	ssyncset.done $0x0  }
0xa5: {  	s25 =	simm.s32 $0x1B8E;
	s24 =	sld [smem:$0x3FFE];
	[sflag:s23] =	ssyncadd.s32 $0xFFFFFFFF  }
0xa6: {  	s26 =	simm.s32 $execute0_lowered;
	[smem:$0x3FD2] =	sst s25  }
0xa7: {  	s6 =	sshll.u32 s26, $0x1;
	_ =	strace $0x80000049;
	[dreg:$0x1] =	wrdreg $0xFFFFFFFF  }
0xa8: {  	s28 =	simm.s32 $_size_execute0_lowered;
	s4 =	sadd.s32 s4, s6;
	[dreg:$0x0] =	wrdreg $0x0  }
0xa9: {  	s6 =	sshll.u32 s28, $0x1;
	[dreg:$0x2] =	wrdreg s4  }
0xaa: {  	[dreg:$0x3] =	wrdreg s6  }
0xab: {  	[dreg:$0x4] =	wrdreg $0xC0  }
0xac: {  	_ =	task [dreg:s8], $0x5FFFF  }
0xad: {  	[dreg:$0x1] =	wrdreg $0xFFFFFFFF  }
0xae: {  	[dreg:$0x0] =	wrdreg $0x60  }
0xaf: {  	[dreg:$0x2] =	wrdreg s24  }
0xb0: {  	[dreg:$0x3] =	wrdreg s2  }
0xb1: {  	[dreg:$0x4] =	wrdreg s18  }
0xb2: {  	[dreg:$0x5] =	wrdreg $0x9  }
0xb3: {  	_ =	task.clear_ibuf [dreg:s8], $0x6FFFF;
	_ =	strace $0x90000049  }
0xb4: {  	s29 =	simm.s32 $0x9;
	_ =	strace $0x8000004B  }
0xb5: {  	_ =	swait.ge [sflag:s29], $0x1  }
0xb6: {  	[sflag:s29] =	ssyncadd.s32 $0xFFFFFFFF  }
0xb7: {  	_ =	strace $0x9000004B  }
0xb8: {  	_ =	sfence  }
0xb9: {  	s30 =	sld [smem:$0x0];
	_ =	sdelay $0x2  }
0xba: {  	s31 =	sshll.u32 s1, $0xD;
	s1 =	sshrl.u32 s1, $0x2  }
0xbb: {  	s3 =	sand.u32 $0x4000, s31;
	s1 =	sadd.s32 s1, s30  }
0xbc: {  	s0 =	sor.u32 s3, s0;
	s1 =	sshll.u32 s1, $0x11  }
0xbd: {  	s0 =	sor.u32 s1, s0  }
0xbe: {  	s0 =	sadd.s32 $0x8F2B, s0  }
0xbf: {  	[sflag:s0] =	ssyncadd.remote.s32 $0x1  }
0xc0: {  	_ =	sfence.sel $0xFFFF  }
0xc1: {  	[dreg:$0x0] =	wrdreg $0xFFFFFFFF;
	(pc) =	sbr.abs _section_cstart, $3  }
0xc2: {  	[dreg:$0x1] =	wrdreg $0xFFFFFFFF  }
0xc3: {  	_ =	task.clear_ibuf [dreg:s8], $0x2FFFF;
	_ =	strace $0x9FFFFFFF  }
0xc4: {  	(tm) =	ssettm $0x7FFFFFFF  }
0xc5: {  	_ =	shalt  }
tec
execute0_lowered:
.L_overlay_start_1:
0x0: {  	(tag) =	ssettag $0x1  }
0x1: {  	s0 =	rddreg [dreg:$0x0]  }
0x2: {  	s1 =	rddreg [dreg:$0x1]  }
0x3: {  	s5 =	rddreg [dreg:$0x2];
	s2 =	simm.s32 $0x0  }
0x4: {  	s3 =	srdreg.scid;
	s10 =	stileid.u32;
	s18 =	simm.s32 $0xA400  }
0x5: {  	s19 =	simm.s32 $0xAC00;
	s20 =	simm.s32 $0xB400;
	[smem:$0x7FF] =	sst s2  }
0x6: {  	s21 =	simm.s32 $0xBC00;
	_ =	strace $0x8000004A;
	[dreg:$0x4] =	wrdreg s18  }
0x7: {  	s22 =	simm.s32 $0xC400;
	s23 =	simm.s32 $0xCC00;
	[dreg:$0x5] =	wrdreg s19  }
0x8: {  	s24 =	simm.s32 $0xD400;
	s25 =	simm.s32 $0xDC00;
	[dreg:$0x6] =	wrdreg s20  }
0x9: {  	s26 =	simm.s32 $0xE400;
	s28 =	simm.s32 $0xEC00;
	[dreg:$0x7] =	wrdreg s21  }
0xa: {  	s29 =	simm.s32 $0xF400;
	s30 =	simm.s32 $0xFC00;
	[dreg:$0x8] =	wrdreg s22  }
0xb: {  	s31 =	simm.s32 $0x580;
	s11 =	simm.s32 $0x9400;
	[dreg:$0x9] =	wrdreg s23  }
0xc: {  	s4 =	sand.u32 $0x1, s3;
	s12 =	sshll.u32 s10, $0x1;
	[dreg:$0xa] =	wrdreg s24  }
0xd: {  	s6 =	smul.u32 $0x6800, s10;
	s3 =	sadd.s32 $0x800, s0;
	[dreg:$0xb] =	wrdreg s25  }
0xe: {  	s14 =	smul.u32 $0xD000, s10;
	s10 =	simm.s32 $0x3400;
	[dreg:$0xc] =	wrdreg s26  }
0xf: {  	s7 =	ssub.s32 $0x2, s4;
	s9 =	smul.u32 $0x3400, s4;
	[dreg:$0xd] =	wrdreg s28  }
0x10: {  	s8 =	sor.u32 s4, s12;
	s15 =	smul.u32 $0x6800, s4;
	[dreg:$0xe] =	wrdreg s29  }
0x11: {  	[dreg:$0xf] =	wrdreg s30;
	s12 =	simm.s32 $0x9C00;
	s13 =	sshrl.u32 s7, $0x1  }
0x12: {  	s8 =	smul.u32 $0x3400, s8;
	s16 =	sadd.s32 s14, s5;
	s14 =	simm.s32 $0x2  }
0x13: {  	s0 =	ssub.s32 s7, s13;
	s6 =	sadd.s32 s9, s6;
	s9 =	simm.s32 $0x80  }
0x14: {  	s13 =	simm.s32 $0x1;
	s8 =	sshrl.u32 s8, $0x3;
	s6 =	sshll.u32 s6, $0x1  }
0x15: {  	s4 =	sadd.s32 s1, s8;
	s17 =	sadd.s32 s5, s6;
	s5 =	smax.u32 s0, $0x1  }
0x16: {  	s6 =	sadd.s32 s15, s16;
	s8 =	simm.s32 $0x3;
	s0 =	simm.s32 $0x8C00  }
0x17: {  	s1 =	simm.s32 $0x600;
	s15 =	simm.s32 $0x0;
	s7 =	sadd.s32 $0xD00, s17  }
.LBB2_1:
0x18: {  	[tilespmem:s2], [sflag:$0x3] =	stream.linear.gather [hbm4b:s4+s2], $0x3400, $0x38;
	[tilespmem:$0x10400] =	vst v63  }
0x19: {  	_ =	swait.ge [sflag:s8], $0x3400  }
0x1a: {  	[sflag:s8] =	ssyncset.done $0x0  }
0x1b: {  	[sflag:s8] =	ssyncadd.s32 $0xFFFFCC00  }
0x1c: {  	[tilespmem:s10], [sflag:$0x1] =	stream.indirect.gather [hbm4b:s3+s9], $0x10, s2, s9, $0xb8;
	[tilespmem:$0x10400] =	vst v63  }
0x1d: {  	s16 =	simm.s32 $0x3C00  }
0x1e: {  	[tilespmem:s16], [sflag:$0x1] =	stream.indirect.gather [hbm4b:s3+s9], $0x10, s9, s9, $0xb8;
	[tilespmem:$0x10400] =	vst v63  }
0x1f: {  	s25 =	simm.s32 $0x100;
	s17 =	simm.s32 $0x4400  }
0x20: {  	[tilespmem:s17], [sflag:$0x1] =	stream.indirect.gather [hbm4b:s3+s9], $0x10, s25, s9, $0xb8;
	[tilespmem:$0x10400] =	vst v63  }
0x21: {  	s26 =	simm.s32 $0x180;
	s28 =	simm.s32 $0x4C00  }
0x22: {  	[tilespmem:s28], [sflag:$0x1] =	stream.indirect.gather [hbm4b:s3+s9], $0x10, s26, s9, $0xb8;
	[tilespmem:$0x10400] =	vst v63  }
0x23: {  	s29 =	simm.s32 $0x200;
	s30 =	simm.s32 $0x5400  }
0x24: {  	[tilespmem:s30], [sflag:$0x1] =	stream.indirect.gather [hbm4b:s3+s9], $0x10, s29, s9, $0xb8;
	[tilespmem:$0x10400] =	vst v63  }
0x25: {  	s18 =	simm.s32 $0x5C00;
	s17 =	simm.s32 $0x280  }
0x26: {  	[tilespmem:s18], [sflag:$0x1] =	stream.indirect.gather [hbm4b:s3+s9], $0x10, s17, s9, $0xb8;
	[tilespmem:$0x10400] =	vst v63  }
0x27: {  	s19 =	simm.s32 $0x300;
	s20 =	simm.s32 $0x6400  }
0x28: {  	[tilespmem:s20], [sflag:$0x1] =	stream.indirect.gather [hbm4b:s3+s9], $0x10, s19, s9, $0xb8;
	[tilespmem:$0x10400] =	vst v63  }
0x29: {  	s21 =	simm.s32 $0x380;
	s22 =	simm.s32 $0x6C00  }
0x2a: {  	[tilespmem:s22], [sflag:$0x1] =	stream.indirect.gather [hbm4b:s3+s9], $0x10, s21, s9, $0xb8;
	[tilespmem:$0x10400] =	vst v63  }
0x2b: {  	s23 =	simm.s32 $0x400;
	s24 =	simm.s32 $0x7400  }
0x2c: {  	[tilespmem:s24], [sflag:$0x1] =	stream.indirect.gather [hbm4b:s3+s9], $0x10, s23, s9, $0xb8;
	[tilespmem:$0x10400] =	vst v63  }
0x2d: {  	s25 =	simm.s32 $0x480;
	s26 =	simm.s32 $0x7C00  }
0x2e: {  	[tilespmem:s26], [sflag:$0x1] =	stream.indirect.gather [hbm4b:s3+s9], $0x10, s25, s9, $0xb8;
	[tilespmem:$0x10400] =	vst v63  }
0x2f: {  	s28 =	simm.s32 $0x500;
	s29 =	simm.s32 $0x8400  }
0x30: {  	[tilespmem:s29], [sflag:$0x1] =	stream.indirect.gather [hbm4b:s3+s9], $0x10, s28, s9, $0xb8;
	[tilespmem:$0x10400] =	vst v63  }
0x31: {  	_ = 	snop  }
0x32: {  	[tilespmem:s0], [sflag:$0x1] =	stream.indirect.gather [hbm4b:s3+s9], $0x10, s31, s9, $0xb8;
	[tilespmem:$0x10400] =	vst v63  }
0x33: {  	_ = 	snop  }
0x34: {  	[tilespmem:s11], [sflag:$0x1] =	stream.indirect.gather [hbm4b:s3+s9], $0x10, s1, s9, $0xb8;
	[tilespmem:$0x10400] =	vst v63  }
0x35: {  	s18 =	simm.s32 $0x680  }
0x36: {  	[tilespmem:s12], [sflag:$0x2] =	stream.indirect.gather [hbm4b:s3+s9], $0x10, s18, s9, $0xb8;
	[tilespmem:$0x10400] =	vst v63  }
0x37: {  	s30 =	rddreg [dreg:$0x4];
	s19 =	simm.s32 $0x700  }
0x38: {  	[tilespmem:s30], [sflag:$0x2] =	stream.indirect.gather [hbm4b:s3+s9], $0x10, s19, s9, $0xb8;
	[tilespmem:$0x10400] =	vst v63  }
0x39: {  	s20 =	simm.s32 $0x780;
	s18 =	rddreg [dreg:$0x5]  }
0x3a: {  	[tilespmem:s18], [sflag:$0x2] =	stream.indirect.gather [hbm4b:s3+s9], $0x10, s20, s9, $0xb8;
	[tilespmem:$0x10400] =	vst v63  }
0x3b: {  	s21 =	rddreg [dreg:$0x6];
	s22 =	simm.s32 $0x800  }
0x3c: {  	[tilespmem:s21], [sflag:$0x2] =	stream.indirect.gather [hbm4b:s3+s9], $0x10, s22, s9, $0xb8;
	[tilespmem:$0x10400] =	vst v63  }
0x3d: {  	s23 =	rddreg [dreg:$0x7];
	s24 =	simm.s32 $0x880  }
0x3e: {  	[tilespmem:s23], [sflag:$0x2] =	stream.indirect.gather [hbm4b:s3+s9], $0x10, s24, s9, $0xb8;
	[tilespmem:$0x10400] =	vst v63  }
0x3f: {  	s25 =	rddreg [dreg:$0x8];
	s26 =	simm.s32 $0x900  }
0x40: {  	[tilespmem:s25], [sflag:$0x2] =	stream.indirect.gather [hbm4b:s3+s9], $0x10, s26, s9, $0xb8;
	[tilespmem:$0x10400] =	vst v63  }
0x41: {  	s28 =	rddreg [dreg:$0x9];
	s29 =	simm.s32 $0x980  }
0x42: {  	[tilespmem:s28], [sflag:$0x2] =	stream.indirect.gather [hbm4b:s3+s9], $0x10, s29, s9, $0xb8;
	[tilespmem:$0x10400] =	vst v63  }
0x43: {  	s30 =	rddreg [dreg:$0xa];
	s19 =	simm.s32 $0xA00  }
0x44: {  	[tilespmem:s30], [sflag:$0x2] =	stream.indirect.gather [hbm4b:s3+s9], $0x10, s19, s9, $0xb8;
	[tilespmem:$0x10400] =	vst v63  }
0x45: {  	s20 =	rddreg [dreg:$0xb];
	s21 =	simm.s32 $0xA80  }
0x46: {  	[tilespmem:s20], [sflag:$0x2] =	stream.indirect.gather [hbm4b:s3+s9], $0x10, s21, s9, $0xb8;
	[tilespmem:$0x10400] =	vst v63  }
0x47: {  	s22 =	rddreg [dreg:$0xc];
	s23 =	simm.s32 $0xB00  }
0x48: {  	[tilespmem:s22], [sflag:$0x2] =	stream.indirect.gather [hbm4b:s3+s9], $0x10, s23, s9, $0xb8;
	[tilespmem:$0x10400] =	vst v63  }
0x49: {  	s24 =	rddreg [dreg:$0xd];
	s25 =	simm.s32 $0xB80  }
0x4a: {  	[tilespmem:s24], [sflag:$0x2] =	stream.indirect.gather [hbm4b:s3+s9], $0x10, s25, s9, $0xb8;
	[tilespmem:$0x10400] =	vst v63  }
0x4b: {  	s26 =	rddreg [dreg:$0xe];
	s28 =	simm.s32 $0xC00  }
0x4c: {  	[tilespmem:s26], [sflag:$0x2] =	stream.indirect.gather [hbm4b:s3+s9], $0x10, s28, s9, $0xb8;
	[tilespmem:$0x10400] =	vst v63  }
0x4d: {  	s29 =	rddreg [dreg:$0xf];
	s30 =	simm.s32 $0xC80  }
0x4e: {  	[tilespmem:s29], [sflag:$0x2] =	stream.indirect.gather [hbm4b:s3+s9], $0x10, s30, s9, $0xb8;
	[tilespmem:$0x10400] =	vst v63  }
0x4f: {  	_ =	swait.ge [sflag:s13], $0x800  }
0x50: {  	[sflag:s13] =	ssyncset.done $0x0  }
0x51: {  	[sflag:s13] =	ssyncadd.s32 $0xFFFFF800  }
0x52: {  	_ =	swait.ge [sflag:s13], $0x800  }
0x53: {  	[sflag:s13] =	ssyncset.done $0x0  }
0x54: {  	[sflag:s13] =	ssyncadd.s32 $0xFFFFF800  }
0x55: {  	_ =	swait.ge [sflag:s13], $0x800  }
0x56: {  	[sflag:s13] =	ssyncset.done $0x0  }
0x57: {  	[sflag:s13] =	ssyncadd.s32 $0xFFFFF800  }
0x58: {  	_ =	swait.ge [sflag:s13], $0x800  }
0x59: {  	[sflag:s13] =	ssyncset.done $0x0  }
0x5a: {  	[sflag:s13] =	ssyncadd.s32 $0xFFFFF800  }
0x5b: {  	_ =	swait.ge [sflag:s13], $0x800  }
0x5c: {  	[sflag:s13] =	ssyncset.done $0x0  }
0x5d: {  	[sflag:s13] =	ssyncadd.s32 $0xFFFFF800  }
0x5e: {  	_ =	swait.ge [sflag:s13], $0x800  }
0x5f: {  	[sflag:s13] =	ssyncset.done $0x0  }
0x60: {  	[sflag:s13] =	ssyncadd.s32 $0xFFFFF800  }
0x61: {  	_ =	swait.ge [sflag:s13], $0x800  }
0x62: {  	[sflag:s13] =	ssyncset.done $0x0  }
0x63: {  	[sflag:s13] =	ssyncadd.s32 $0xFFFFF800  }
0x64: {  	_ =	swait.ge [sflag:s13], $0x800  }
0x65: {  	[sflag:s13] =	ssyncset.done $0x0  }
0x66: {  	[sflag:s13] =	ssyncadd.s32 $0xFFFFF800  }
0x67: {  	_ =	swait.ge [sflag:s13], $0x800  }
0x68: {  	[sflag:s13] =	ssyncset.done $0x0  }
0x69: {  	[sflag:s13] =	ssyncadd.s32 $0xFFFFF800  }
0x6a: {  	_ =	swait.ge [sflag:s13], $0x800  }
0x6b: {  	[sflag:s13] =	ssyncset.done $0x0  }
0x6c: {  	[sflag:s13] =	ssyncadd.s32 $0xFFFFF800  }
0x6d: {  	_ =	swait.ge [sflag:s13], $0x800  }
0x6e: {  	[sflag:s13] =	ssyncset.done $0x0  }
0x6f: {  	[sflag:s13] =	ssyncadd.s32 $0xFFFFF800  }
0x70: {  	_ =	swait.ge [sflag:s13], $0x800  }
0x71: {  	[sflag:s13] =	ssyncset.done $0x0  }
0x72: {  	[sflag:s13] =	ssyncadd.s32 $0xFFFFF800  }
0x73: {  	_ =	swait.ge [sflag:s13], $0x800  }
0x74: {  	[sflag:s13] =	ssyncset.done $0x0  }
0x75: {  	[sflag:s13] =	ssyncadd.s32 $0xFFFFF800  }
0x76: {  	[hbm4b:s6+s2] =	stream.linear.scatter [tilespmem:s10], [sflag:$0x3], $0x6800, $0x38;
	[tilespmem:$0x10400] =	vst v63  }
0x77: {  	p0 =	por $0x0, $0x0;
	_ =	swait.ge [sflag:s8], $0x6800  }
0x78: {  	s16 =	simm.s32 @!p0 $0x3400;
	[sflag:s8] =	ssyncset.done $0x0  }
0x79: {  	s17 =	simm.s32 @!p0 $0xD00;
	s18 =	simm.s32 @!p0 $0x80;
	[sflag:s8] =	ssyncadd.s32 $0xFFFF9800  }
0x7a: {  	[tilespmem:s16], [sflag:$0x1] =	stream.indirect.gather @!p0 [hbm4b:s3+s18], $0x10, s17, s18, $0xb8;
	[tilespmem:$0x10400] =	vst v63  }
0x7b: {  	s16 =	simm.s32 @!p0 $0xD80;
	s17 =	simm.s32 @!p0 $0x3C00  }
0x7c: {  	[tilespmem:s17], [sflag:$0x1] =	stream.indirect.gather @!p0 [hbm4b:s3+s18], $0x10, s16, s18, $0xb8;
	[tilespmem:$0x10400] =	vst v63  }
0x7d: {  	s16 =	simm.s32 @!p0 $0xE00;
	s17 =	simm.s32 @!p0 $0x4400  }
0x7e: {  	[tilespmem:s17], [sflag:$0x1] =	stream.indirect.gather @!p0 [hbm4b:s3+s18], $0x10, s16, s18, $0xb8;
	[tilespmem:$0x10400] =	vst v63  }
0x7f: {  	s16 =	simm.s32 @!p0 $0xE80;
	s17 =	simm.s32 @!p0 $0x4C00  }
0x80: {  	[tilespmem:s17], [sflag:$0x1] =	stream.indirect.gather @!p0 [hbm4b:s3+s18], $0x10, s16, s18, $0xb8;
	[tilespmem:$0x10400] =	vst v63  }
0x81: {  	s16 =	simm.s32 @!p0 $0xF00;
	s17 =	simm.s32 @!p0 $0x5400  }
0x82: {  	[tilespmem:s17], [sflag:$0x1] =	stream.indirect.gather @!p0 [hbm4b:s3+s18], $0x10, s16, s18, $0xb8;
	[tilespmem:$0x10400] =	vst v63  }
0x83: {  	s16 =	simm.s32 @!p0 $0xF80;
	s17 =	simm.s32 @!p0 $0x5C00  }
0x84: {  	[tilespmem:s17], [sflag:$0x1] =	stream.indirect.gather @!p0 [hbm4b:s3+s18], $0x10, s16, s18, $0xb8;
	[tilespmem:$0x10400] =	vst v63  }
0x85: {  	s16 =	simm.s32 @!p0 $0x1000;
	s17 =	simm.s32 @!p0 $0x6400  }
0x86: {  	[tilespmem:s17], [sflag:$0x1] =	stream.indirect.gather @!p0 [hbm4b:s3+s18], $0x10, s16, s18, $0xb8;
	[tilespmem:$0x10400] =	vst v63  }
0x87: {  	s16 =	simm.s32 @!p0 $0x1080;
	s17 =	simm.s32 @!p0 $0x6C00  }
0x88: {  	[tilespmem:s17], [sflag:$0x1] =	stream.indirect.gather @!p0 [hbm4b:s3+s18], $0x10, s16, s18, $0xb8;
	[tilespmem:$0x10400] =	vst v63  }
0x89: {  	s16 =	simm.s32 @!p0 $0x1100;
	s17 =	simm.s32 @!p0 $0x7400  }
0x8a: {  	[tilespmem:s17], [sflag:$0x1] =	stream.indirect.gather @!p0 [hbm4b:s3+s18], $0x10, s16, s18, $0xb8;
	[tilespmem:$0x10400] =	vst v63  }
0x8b: {  	s16 =	simm.s32 @!p0 $0x1180;
	s17 =	simm.s32 @!p0 $0x7C00  }
0x8c: {  	[tilespmem:s17], [sflag:$0x1] =	stream.indirect.gather @!p0 [hbm4b:s3+s18], $0x10, s16, s18, $0xb8;
	[tilespmem:$0x10400] =	vst v63  }
0x8d: {  	s16 =	simm.s32 @!p0 $0x1200;
	s17 =	simm.s32 @!p0 $0x8400  }
0x8e: {  	[tilespmem:s17], [sflag:$0x1] =	stream.indirect.gather @!p0 [hbm4b:s3+s18], $0x10, s16, s18, $0xb8;
	[tilespmem:$0x10400] =	vst v63  }
0x8f: {  	s16 =	simm.s32 @!p0 $0x1280;
	s17 =	simm.s32 @!p0 $0x8C00  }
0x90: {  	[tilespmem:s17], [sflag:$0x1] =	stream.indirect.gather @!p0 [hbm4b:s3+s18], $0x10, s16, s18, $0xb8;
	[tilespmem:$0x10400] =	vst v63  }
0x91: {  	s16 =	simm.s32 @!p0 $0x1300;
	s17 =	simm.s32 @!p0 $0x9400  }
0x92: {  	[tilespmem:s17], [sflag:$0x1] =	stream.indirect.gather @!p0 [hbm4b:s3+s18], $0x10, s16, s18, $0xb8;
	[tilespmem:$0x10400] =	vst v63  }
0x93: {  	_ =	swait.ge [sflag:s14], $0x800  }
0x94: {  	[sflag:s14] =	ssyncset.done $0x0  }
0x95: {  	[sflag:s14] =	ssyncadd.s32 $0xFFFFF800  }
0x96: {  	_ =	swait.ge [sflag:s14], $0x800  }
0x97: {  	[sflag:s14] =	ssyncset.done $0x0  }
0x98: {  	[sflag:s14] =	ssyncadd.s32 $0xFFFFF800  }
0x99: {  	_ =	swait.ge [sflag:s14], $0x800  }
0x9a: {  	[sflag:s14] =	ssyncset.done $0x0  }
0x9b: {  	[sflag:s14] =	ssyncadd.s32 $0xFFFFF800  }
0x9c: {  	_ =	swait.ge [sflag:s14], $0x800  }
0x9d: {  	[sflag:s14] =	ssyncset.done $0x0  }
0x9e: {  	[sflag:s14] =	ssyncadd.s32 $0xFFFFF800  }
0x9f: {  	_ =	swait.ge [sflag:s14], $0x800  }
0xa0: {  	[sflag:s14] =	ssyncset.done $0x0  }
0xa1: {  	[sflag:s14] =	ssyncadd.s32 $0xFFFFF800  }
0xa2: {  	_ =	swait.ge [sflag:s14], $0x800  }
0xa3: {  	[sflag:s14] =	ssyncset.done $0x0  }
0xa4: {  	[sflag:s14] =	ssyncadd.s32 $0xFFFFF800  }
0xa5: {  	_ =	swait.ge [sflag:s14], $0x800  }
0xa6: {  	[sflag:s14] =	ssyncset.done $0x0  }
0xa7: {  	[sflag:s14] =	ssyncadd.s32 $0xFFFFF800  }
0xa8: {  	_ =	swait.ge [sflag:s14], $0x800  }
0xa9: {  	[sflag:s14] =	ssyncset.done $0x0  }
0xaa: {  	[sflag:s14] =	ssyncadd.s32 $0xFFFFF800  }
0xab: {  	_ =	swait.ge [sflag:s14], $0x800  }
0xac: {  	[sflag:s14] =	ssyncset.done $0x0  }
0xad: {  	[sflag:s14] =	ssyncadd.s32 $0xFFFFF800  }
0xae: {  	_ =	swait.ge [sflag:s14], $0x800  }
0xaf: {  	[sflag:s14] =	ssyncset.done $0x0  }
0xb0: {  	[sflag:s14] =	ssyncadd.s32 $0xFFFFF800  }
0xb1: {  	_ =	swait.ge [sflag:s14], $0x800  }
0xb2: {  	[sflag:s14] =	ssyncset.done $0x0  }
0xb3: {  	[sflag:s14] =	ssyncadd.s32 $0xFFFFF800  }
0xb4: {  	_ =	swait.ge [sflag:s14], $0x800  }
0xb5: {  	[sflag:s14] =	ssyncset.done $0x0  }
0xb6: {  	[sflag:s14] =	ssyncadd.s32 $0xFFFFF800  }
0xb7: {  	_ =	swait.ge [sflag:s14], $0x800  }
0xb8: {  	[sflag:s14] =	ssyncset.done $0x0  }
0xb9: {  	s19 =	simm.s32 $0x6800;
	s21 =	simm.s32 $0xD00;
	[sflag:s14] =	ssyncadd.s32 $0xFFFFF800  }
0xba: {  	[hbm4b:s7+s2] =	stream.linear.scatter [tilespmem:s12], [sflag:$0x3], $0x6800, $0x38;
	[tilespmem:$0x10400] =	vst v63  }
0xbb: {  	s18 =	simm.s32 $0x3400;
	s17 =	sadd.s32 $0x1A00, s6;
	_ =	swait.ge [sflag:s8], $0x6800  }
0xbc: {  	s16 =	sadd.s32 $0x1A00, s7;
	s22 =	rddreg [dreg:$0x4];
	[sflag:s8] =	ssyncset.done $0x0  }
.LBB2_2:
0xbd: {  	s23 =	sadd.s32 $0x680, s21;
	[sflag:s8] =	ssyncadd.s32 $0xFFFF9800  }
0xbe: {  	[tilespmem:s12], [sflag:$0x2] =	stream.indirect.gather [hbm4b:s3+s9], $0x10, s23, s9, $0xb8;
	[tilespmem:$0x10400] =	vst v63  }
0xbf: {  	s25 =	sadd.s32 $0x700, s21  }
0xc0: {  	[tilespmem:s22], [sflag:$0x2] =	stream.indirect.gather [hbm4b:s3+s9], $0x10, s25, s9, $0xb8;
	[tilespmem:$0x10400] =	vst v63  }
0xc1: {  	s24 =	rddreg [dreg:$0x5];
	s26 =	sadd.s32 $0x780, s21  }
0xc2: {  	[tilespmem:s24], [sflag:$0x2] =	stream.indirect.gather [hbm4b:s3+s9], $0x10, s26, s9, $0xb8;
	[tilespmem:$0x10400] =	vst v63  }
0xc3: {  	s28 =	rddreg [dreg:$0x6];
	s29 =	sadd.s32 $0x800, s21  }
0xc4: {  	[tilespmem:s28], [sflag:$0x2] =	stream.indirect.gather [hbm4b:s3+s9], $0x10, s29, s9, $0xb8;
	[tilespmem:$0x10400] =	vst v63  }
0xc5: {  	s30 =	rddreg [dreg:$0x7];
	s23 =	sadd.s32 $0x880, s21  }
0xc6: {  	[tilespmem:s30], [sflag:$0x2] =	stream.indirect.gather [hbm4b:s3+s9], $0x10, s23, s9, $0xb8;
	[tilespmem:$0x10400] =	vst v63  }
0xc7: {  	s25 =	rddreg [dreg:$0x8];
	s26 =	sadd.s32 $0x900, s21  }
0xc8: {  	[tilespmem:s25], [sflag:$0x2] =	stream.indirect.gather [hbm4b:s3+s9], $0x10, s26, s9, $0xb8;
	[tilespmem:$0x10400] =	vst v63  }
0xc9: {  	s28 =	rddreg [dreg:$0x9];
	s29 =	sadd.s32 $0x980, s21  }
0xca: {  	[tilespmem:s28], [sflag:$0x2] =	stream.indirect.gather [hbm4b:s3+s9], $0x10, s29, s9, $0xb8;
	[tilespmem:$0x10400] =	vst v63  }
0xcb: {  	s24 =	sadd.s32 $0xA00, s21;
	s30 =	rddreg [dreg:$0xa]  }
0xcc: {  	[tilespmem:s30], [sflag:$0x2] =	stream.indirect.gather [hbm4b:s3+s9], $0x10, s24, s9, $0xb8;
	[tilespmem:$0x10400] =	vst v63  }
0xcd: {  	s25 =	rddreg [dreg:$0xb];
	s26 =	sadd.s32 $0xA80, s21  }
0xce: {  	[tilespmem:s25], [sflag:$0x2] =	stream.indirect.gather [hbm4b:s3+s9], $0x10, s26, s9, $0xb8;
	[tilespmem:$0x10400] =	vst v63  }
0xcf: {  	s28 =	rddreg [dreg:$0xc];
	s29 =	sadd.s32 $0xB00, s21  }
0xd0: {  	[tilespmem:s28], [sflag:$0x2] =	stream.indirect.gather [hbm4b:s3+s9], $0x10, s29, s9, $0xb8;
	[tilespmem:$0x10400] =	vst v63  }
0xd1: {  	s30 =	rddreg [dreg:$0xd];
	s25 =	sadd.s32 $0xB80, s21  }
0xd2: {  	[tilespmem:s30], [sflag:$0x2] =	stream.indirect.gather [hbm4b:s3+s9], $0x10, s25, s9, $0xb8;
	[tilespmem:$0x10400] =	vst v63  }
0xd3: {  	s26 =	rddreg [dreg:$0xe];
	s28 =	sadd.s32 $0xC00, s21  }
0xd4: {  	[tilespmem:s26], [sflag:$0x2] =	stream.indirect.gather [hbm4b:s3+s9], $0x10, s28, s9, $0xb8;
	[tilespmem:$0x10400] =	vst v63  }
0xd5: {  	s29 =	rddreg [dreg:$0xf];
	s30 =	sadd.s32 $0xC80, s21  }
0xd6: {  	[tilespmem:s29], [sflag:$0x2] =	stream.indirect.gather [hbm4b:s3+s9], $0x10, s30, s9, $0xb8;
	[tilespmem:$0x10400] =	vst v63  }
0xd7: {  	_ =	swait.ge [sflag:s13], $0x800  }
0xd8: {  	[sflag:s13] =	ssyncset.done $0x0  }
0xd9: {  	[sflag:s13] =	ssyncadd.s32 $0xFFFFF800  }
0xda: {  	_ =	swait.ge [sflag:s13], $0x800  }
0xdb: {  	[sflag:s13] =	ssyncset.done $0x0  }
0xdc: {  	[sflag:s13] =	ssyncadd.s32 $0xFFFFF800  }
0xdd: {  	_ =	swait.ge [sflag:s13], $0x800  }
0xde: {  	[sflag:s13] =	ssyncset.done $0x0  }
0xdf: {  	[sflag:s13] =	ssyncadd.s32 $0xFFFFF800  }
0xe0: {  	_ =	swait.ge [sflag:s13], $0x800  }
0xe1: {  	[sflag:s13] =	ssyncset.done $0x0  }
0xe2: {  	[sflag:s13] =	ssyncadd.s32 $0xFFFFF800  }
0xe3: {  	_ =	swait.ge [sflag:s13], $0x800  }
0xe4: {  	[sflag:s13] =	ssyncset.done $0x0  }
0xe5: {  	[sflag:s13] =	ssyncadd.s32 $0xFFFFF800  }
0xe6: {  	_ =	swait.ge [sflag:s13], $0x800  }
0xe7: {  	[sflag:s13] =	ssyncset.done $0x0  }
0xe8: {  	[sflag:s13] =	ssyncadd.s32 $0xFFFFF800  }
0xe9: {  	_ =	swait.ge [sflag:s13], $0x800  }
0xea: {  	[sflag:s13] =	ssyncset.done $0x0  }
0xeb: {  	[sflag:s13] =	ssyncadd.s32 $0xFFFFF800  }
0xec: {  	_ =	swait.ge [sflag:s13], $0x800  }
0xed: {  	[sflag:s13] =	ssyncset.done $0x0  }
0xee: {  	[sflag:s13] =	ssyncadd.s32 $0xFFFFF800  }
0xef: {  	_ =	swait.ge [sflag:s13], $0x800  }
0xf0: {  	[sflag:s13] =	ssyncset.done $0x0  }
0xf1: {  	[sflag:s13] =	ssyncadd.s32 $0xFFFFF800  }
0xf2: {  	_ =	swait.ge [sflag:s13], $0x800  }
0xf3: {  	[sflag:s13] =	ssyncset.done $0x0  }
0xf4: {  	[sflag:s13] =	ssyncadd.s32 $0xFFFFF800  }
0xf5: {  	_ =	swait.ge [sflag:s13], $0x800  }
0xf6: {  	[sflag:s13] =	ssyncset.done $0x0  }
0xf7: {  	[sflag:s13] =	ssyncadd.s32 $0xFFFFF800  }
0xf8: {  	_ =	swait.ge [sflag:s13], $0x800  }
0xf9: {  	[sflag:s13] =	ssyncset.done $0x0  }
0xfa: {  	[sflag:s13] =	ssyncadd.s32 $0xFFFFF800  }
0xfb: {  	_ =	swait.ge [sflag:s13], $0x800  }
0xfc: {  	[sflag:s13] =	ssyncset.done $0x0  }
0xfd: {  	[sflag:s13] =	ssyncadd.s32 $0xFFFFF800  }
0xfe: {  	[hbm4b:s17+s2] =	stream.linear.scatter [tilespmem:s10], [sflag:$0x3], $0x6800, $0x38;
	[tilespmem:$0x10400] =	vst v63  }
0xff: {  	p1 =	seq.s32 s18, $0x9C00;
	_ =	swait.ge [sflag:s8], $0x6800  }
0x100: {  	s18 =	sshra.s32 @!p1 s18, $0x2;
	s22 =	simm.s32 @!p1 $0x3400;
	[sflag:s8] =	ssyncset.done $0x0  }
0x101: {  	s23 =	sadd.s32 @!p1 $0xD00, s18;
	s21 =	simm.s32 @!p1 $0x80;
	[sflag:s8] =	ssyncadd.s32 $0xFFFF9800  }
0x102: {  	[tilespmem:s22], [sflag:$0x1] =	stream.indirect.gather @!p1 [hbm4b:s3+s21], $0x10, s23, s21, $0xb8;
	[tilespmem:$0x10400] =	vst v63  }
0x103: {  	s22 =	sadd.s32 @!p1 $0xD80, s18;
	s23 =	simm.s32 @!p1 $0x3C00  }
0x104: {  	[tilespmem:s23], [sflag:$0x1] =	stream.indirect.gather @!p1 [hbm4b:s3+s21], $0x10, s22, s21, $0xb8;
	[tilespmem:$0x10400] =	vst v63  }
0x105: {  	s24 =	sadd.s32 @!p1 $0xE00, s18;
	s22 =	simm.s32 @!p1 $0x4400  }
0x106: {  	[tilespmem:s22], [sflag:$0x1] =	stream.indirect.gather @!p1 [hbm4b:s3+s21], $0x10, s24, s21, $0xb8;
	[tilespmem:$0x10400] =	vst v63  }
0x107: {  	s20 =	smov.u32 s19;
	s23 =	sadd.s32 @!p1 $0xE80, s18;
	s22 =	simm.s32 @!p1 $0x4C00  }
0x108: {  	[tilespmem:s22], [sflag:$0x1] =	stream.indirect.gather @!p1 [hbm4b:s3+s21], $0x10, s23, s21, $0xb8;
	[tilespmem:$0x10400] =	vst v63  }
0x109: {  	s25 =	sadd.s32 @!p1 $0xF00, s18;
	s26 =	sadd.s32 @!p1 $0x1000, s18;
	s22 =	simm.s32 @!p1 $0x5400  }
0x10a: {  	[tilespmem:s22], [sflag:$0x1] =	stream.indirect.gather @!p1 [hbm4b:s3+s21], $0x10, s25, s21, $0xb8;
	[tilespmem:$0x10400] =	vst v63  }
0x10b: {  	s28 =	sadd.s32 @!p1 $0x1100, s18;
	s24 =	sadd.s32 @!p1 $0xF80, s18;
	s22 =	simm.s32 @!p1 $0x5C00  }
0x10c: {  	[tilespmem:s22], [sflag:$0x1] =	stream.indirect.gather @!p1 [hbm4b:s3+s21], $0x10, s24, s21, $0xb8;
	[tilespmem:$0x10400] =	vst v63  }
0x10d: {  	s29 =	sadd.s32 @!p1 $0x1200, s18;
	s30 =	sadd.s32 @!p1 $0x1300, s18;
	s22 =	simm.s32 @!p1 $0x6400  }
0x10e: {  	[tilespmem:s22], [sflag:$0x1] =	stream.indirect.gather @!p1 [hbm4b:s3+s21], $0x10, s26, s21, $0xb8;
	[tilespmem:$0x10400] =	vst v63  }
0x10f: {  	s23 =	sadd.s32 @!p1 $0x1080, s18;
	s25 =	sadd.s32 @!p1 $0x1180, s18;
	s22 =	simm.s32 @!p1 $0x6C00  }
0x110: {  	[tilespmem:s22], [sflag:$0x1] =	stream.indirect.gather @!p1 [hbm4b:s3+s21], $0x10, s23, s21, $0xb8;
	[tilespmem:$0x10400] =	vst v63  }
0x111: {  	s24 =	sadd.s32 @!p1 $0x1280, s18;
	s18 =	smov.u32 s20;
	s20 =	simm.s32 @!p1 $0x7400  }
0x112: {  	[tilespmem:s20], [sflag:$0x1] =	stream.indirect.gather @!p1 [hbm4b:s3+s21], $0x10, s28, s21, $0xb8;
	[tilespmem:$0x10400] =	vst v63  }
0x113: {  	s20 =	simm.s32 @!p1 $0x7C00  }
0x114: {  	[tilespmem:s20], [sflag:$0x1] =	stream.indirect.gather @!p1 [hbm4b:s3+s21], $0x10, s25, s21, $0xb8;
	[tilespmem:$0x10400] =	vst v63  }
0x115: {  	s20 =	simm.s32 @!p1 $0x8400  }
0x116: {  	[tilespmem:s20], [sflag:$0x1] =	stream.indirect.gather @!p1 [hbm4b:s3+s21], $0x10, s29, s21, $0xb8;
	[tilespmem:$0x10400] =	vst v63  }
0x117: {  	s20 =	simm.s32 @!p1 $0x8C00  }
0x118: {  	[tilespmem:s20], [sflag:$0x1] =	stream.indirect.gather @!p1 [hbm4b:s3+s21], $0x10, s24, s21, $0xb8;
	[tilespmem:$0x10400] =	vst v63  }
0x119: {  	s20 =	simm.s32 @!p1 $0x9400  }
0x11a: {  	[tilespmem:s20], [sflag:$0x1] =	stream.indirect.gather @!p1 [hbm4b:s3+s21], $0x10, s30, s21, $0xb8;
	[tilespmem:$0x10400] =	vst v63  }
0x11b: {  	_ =	swait.ge [sflag:s14], $0x800  }
0x11c: {  	[sflag:s14] =	ssyncset.done $0x0  }
0x11d: {  	[sflag:s14] =	ssyncadd.s32 $0xFFFFF800  }
0x11e: {  	_ =	swait.ge [sflag:s14], $0x800  }
0x11f: {  	[sflag:s14] =	ssyncset.done $0x0  }
0x120: {  	[sflag:s14] =	ssyncadd.s32 $0xFFFFF800  }
0x121: {  	_ =	swait.ge [sflag:s14], $0x800  }
0x122: {  	[sflag:s14] =	ssyncset.done $0x0  }
0x123: {  	[sflag:s14] =	ssyncadd.s32 $0xFFFFF800  }
0x124: {  	_ =	swait.ge [sflag:s14], $0x800  }
0x125: {  	[sflag:s14] =	ssyncset.done $0x0  }
0x126: {  	[sflag:s14] =	ssyncadd.s32 $0xFFFFF800  }
0x127: {  	_ =	swait.ge [sflag:s14], $0x800  }
0x128: {  	[sflag:s14] =	ssyncset.done $0x0  }
0x129: {  	[sflag:s14] =	ssyncadd.s32 $0xFFFFF800  }
0x12a: {  	_ =	swait.ge [sflag:s14], $0x800  }
0x12b: {  	[sflag:s14] =	ssyncset.done $0x0  }
0x12c: {  	[sflag:s14] =	ssyncadd.s32 $0xFFFFF800  }
0x12d: {  	_ =	swait.ge [sflag:s14], $0x800  }
0x12e: {  	[sflag:s14] =	ssyncset.done $0x0  }
0x12f: {  	[sflag:s14] =	ssyncadd.s32 $0xFFFFF800  }
0x130: {  	_ =	swait.ge [sflag:s14], $0x800  }
0x131: {  	[sflag:s14] =	ssyncset.done $0x0  }
0x132: {  	[sflag:s14] =	ssyncadd.s32 $0xFFFFF800  }
0x133: {  	_ =	swait.ge [sflag:s14], $0x800  }
0x134: {  	[sflag:s14] =	ssyncset.done $0x0  }
0x135: {  	[sflag:s14] =	ssyncadd.s32 $0xFFFFF800  }
0x136: {  	_ =	swait.ge [sflag:s14], $0x800  }
0x137: {  	[sflag:s14] =	ssyncset.done $0x0  }
0x138: {  	[sflag:s14] =	ssyncadd.s32 $0xFFFFF800  }
0x139: {  	_ =	swait.ge [sflag:s14], $0x800  }
0x13a: {  	[sflag:s14] =	ssyncset.done $0x0  }
0x13b: {  	[sflag:s14] =	ssyncadd.s32 $0xFFFFF800  }
0x13c: {  	_ =	swait.ge [sflag:s14], $0x800  }
0x13d: {  	[sflag:s14] =	ssyncset.done $0x0  }
0x13e: {  	s19 =	sadd.s32 $0x3400, s19;
	[sflag:s14] =	ssyncadd.s32 $0xFFFFF800  }
0x13f: {  	p0 =	sne.s32 s19, $0xD000;
	_ =	swait.ge [sflag:s14], $0x800  }
.Ltmp0:
0x140: {  	[sflag:s14] =	ssyncset.done $0x0;
	(pc) =	sbr.rel @p0 .LBB2_2-.Ltmp0, $4  }
0x141: {  	[sflag:s14] =	ssyncadd.s32 $0xFFFFF800  }
0x142: {  	[hbm4b:s16+s2] =	stream.linear.scatter [tilespmem:s12], [sflag:$0x3], $0x6800, $0x38;
	[tilespmem:$0x10400] =	vst v63  }
0x143: {  	s17 =	sadd.s32 $0x1A00, s17;
	s21 =	sshra.s32 s18, $0x2;
	_ =	swait.ge [sflag:s8], $0x6800  }
0x144: {  	s16 =	sadd.s32 $0x1A00, s16;
	s22 =	rddreg [dreg:$0x4];
	[sflag:s8] =	ssyncset.done $0x0  }
0x145: {  	s19 =	sadd.s32 $0x680, s21;
	[sflag:s8] =	ssyncadd.s32 $0xFFFF9800  }
0x146: {  	[tilespmem:s12], [sflag:$0x2] =	stream.indirect.gather [hbm4b:s3+s9], $0x10, s19, s9, $0xb8;
	[tilespmem:$0x10400] =	vst v63  }
0x147: {  	s23 =	sadd.s32 $0x700, s21  }
0x148: {  	[tilespmem:s22], [sflag:$0x2] =	stream.indirect.gather [hbm4b:s3+s9], $0x10, s23, s9, $0xb8;
	[tilespmem:$0x10400] =	vst v63  }
0x149: {  	s20 =	rddreg [dreg:$0x5];
	s24 =	sadd.s32 $0x780, s21  }
0x14a: {  	[tilespmem:s20], [sflag:$0x2] =	stream.indirect.gather [hbm4b:s3+s9], $0x10, s24, s9, $0xb8;
	[tilespmem:$0x10400] =	vst v63  }
0x14b: {  	s25 =	rddreg [dreg:$0x6];
	s26 =	sadd.s32 $0x800, s21  }
0x14c: {  	[tilespmem:s25], [sflag:$0x2] =	stream.indirect.gather [hbm4b:s3+s9], $0x10, s26, s9, $0xb8;
	[tilespmem:$0x10400] =	vst v63  }
0x14d: {  	s28 =	rddreg [dreg:$0x7];
	s29 =	sadd.s32 $0x880, s21  }
0x14e: {  	[tilespmem:s28], [sflag:$0x2] =	stream.indirect.gather [hbm4b:s3+s9], $0x10, s29, s9, $0xb8;
	[tilespmem:$0x10400] =	vst v63  }
0x14f: {  	s30 =	rddreg [dreg:$0x8];
	s20 =	sadd.s32 $0x900, s21  }
0x150: {  	[tilespmem:s30], [sflag:$0x2] =	stream.indirect.gather [hbm4b:s3+s9], $0x10, s20, s9, $0xb8;
	[tilespmem:$0x10400] =	vst v63  }
0x151: {  	s23 =	rddreg [dreg:$0x9];
	s24 =	sadd.s32 $0x980, s21  }
0x152: {  	[tilespmem:s23], [sflag:$0x2] =	stream.indirect.gather [hbm4b:s3+s9], $0x10, s24, s9, $0xb8;
	[tilespmem:$0x10400] =	vst v63  }
0x153: {  	s25 =	rddreg [dreg:$0xa];
	s26 =	sadd.s32 $0xA00, s21  }
0x154: {  	[tilespmem:s25], [sflag:$0x2] =	stream.indirect.gather [hbm4b:s3+s9], $0x10, s26, s9, $0xb8;
	[tilespmem:$0x10400] =	vst v63  }
0x155: {  	s28 =	rddreg [dreg:$0xb];
	s29 =	sadd.s32 $0xA80, s21  }
0x156: {  	[tilespmem:s28], [sflag:$0x2] =	stream.indirect.gather [hbm4b:s3+s9], $0x10, s29, s9, $0xb8;
	[tilespmem:$0x10400] =	vst v63  }
0x157: {  	s30 =	rddreg [dreg:$0xc];
	s23 =	sadd.s32 $0xB00, s21  }
0x158: {  	[tilespmem:s30], [sflag:$0x2] =	stream.indirect.gather [hbm4b:s3+s9], $0x10, s23, s9, $0xb8;
	[tilespmem:$0x10400] =	vst v63  }
0x159: {  	s24 =	rddreg [dreg:$0xd];
	s25 =	sadd.s32 $0xB80, s21  }
0x15a: {  	[tilespmem:s24], [sflag:$0x2] =	stream.indirect.gather [hbm4b:s3+s9], $0x10, s25, s9, $0xb8;
	[tilespmem:$0x10400] =	vst v63  }
0x15b: {  	s26 =	rddreg [dreg:$0xe];
	s28 =	sadd.s32 $0xC00, s21  }
0x15c: {  	[tilespmem:s26], [sflag:$0x2] =	stream.indirect.gather [hbm4b:s3+s9], $0x10, s28, s9, $0xb8;
	[tilespmem:$0x10400] =	vst v63  }
0x15d: {  	s29 =	rddreg [dreg:$0xf];
	s30 =	sadd.s32 $0xC80, s21  }
0x15e: {  	[tilespmem:s29], [sflag:$0x2] =	stream.indirect.gather [hbm4b:s3+s9], $0x10, s30, s9, $0xb8;
	[tilespmem:$0x10400] =	vst v63  }
0x15f: {  	_ =	swait.ge [sflag:s13], $0x800  }
0x160: {  	[sflag:s13] =	ssyncset.done $0x0  }
0x161: {  	[sflag:s13] =	ssyncadd.s32 $0xFFFFF800  }
0x162: {  	_ =	swait.ge [sflag:s13], $0x800  }
0x163: {  	[sflag:s13] =	ssyncset.done $0x0  }
0x164: {  	[sflag:s13] =	ssyncadd.s32 $0xFFFFF800  }
0x165: {  	_ =	swait.ge [sflag:s13], $0x800  }
0x166: {  	[sflag:s13] =	ssyncset.done $0x0  }
0x167: {  	[sflag:s13] =	ssyncadd.s32 $0xFFFFF800  }
0x168: {  	_ =	swait.ge [sflag:s13], $0x800  }
0x169: {  	[sflag:s13] =	ssyncset.done $0x0  }
0x16a: {  	[sflag:s13] =	ssyncadd.s32 $0xFFFFF800  }
0x16b: {  	_ =	swait.ge [sflag:s13], $0x800  }
0x16c: {  	[sflag:s13] =	ssyncset.done $0x0  }
0x16d: {  	[sflag:s13] =	ssyncadd.s32 $0xFFFFF800  }
0x16e: {  	_ =	swait.ge [sflag:s13], $0x800  }
0x16f: {  	[sflag:s13] =	ssyncset.done $0x0  }
0x170: {  	[sflag:s13] =	ssyncadd.s32 $0xFFFFF800  }
0x171: {  	_ =	swait.ge [sflag:s13], $0x800  }
0x172: {  	[sflag:s13] =	ssyncset.done $0x0  }
0x173: {  	[sflag:s13] =	ssyncadd.s32 $0xFFFFF800  }
0x174: {  	_ =	swait.ge [sflag:s13], $0x800  }
0x175: {  	[sflag:s13] =	ssyncset.done $0x0  }
0x176: {  	[sflag:s13] =	ssyncadd.s32 $0xFFFFF800  }
0x177: {  	_ =	swait.ge [sflag:s13], $0x800  }
0x178: {  	[sflag:s13] =	ssyncset.done $0x0  }
0x179: {  	[sflag:s13] =	ssyncadd.s32 $0xFFFFF800  }
0x17a: {  	_ =	swait.ge [sflag:s13], $0x800  }
0x17b: {  	[sflag:s13] =	ssyncset.done $0x0  }
0x17c: {  	[sflag:s13] =	ssyncadd.s32 $0xFFFFF800  }
0x17d: {  	_ =	swait.ge [sflag:s13], $0x800  }
0x17e: {  	[sflag:s13] =	ssyncset.done $0x0  }
0x17f: {  	[sflag:s13] =	ssyncadd.s32 $0xFFFFF800  }
0x180: {  	_ =	swait.ge [sflag:s13], $0x800  }
0x181: {  	[sflag:s13] =	ssyncset.done $0x0  }
0x182: {  	[sflag:s13] =	ssyncadd.s32 $0xFFFFF800  }
0x183: {  	_ =	swait.ge [sflag:s13], $0x800  }
0x184: {  	[sflag:s13] =	ssyncset.done $0x0  }
0x185: {  	[sflag:s13] =	ssyncadd.s32 $0xFFFFF800  }
0x186: {  	[hbm4b:s17+s2] =	stream.linear.scatter [tilespmem:s10], [sflag:$0x3], $0x6800, $0x38;
	[tilespmem:$0x10400] =	vst v63  }
0x187: {  	p0 =	seq.s32 s18, $0x9C00;
	_ =	swait.ge [sflag:s8], $0x6800  }
0x188: {  	s20 =	simm.s32 @!p0 $0x80;
	s17 =	sshra.s32 @!p0 s18, $0x2;
	[sflag:s8] =	ssyncset.done $0x0  }
0x189: {  	s18 =	simm.s32 @!p0 $0x3400;
	s19 =	sadd.s32 @!p0 $0xD00, s17;
	[sflag:s8] =	ssyncadd.s32 $0xFFFF9800  }
0x18a: {  	[tilespmem:s18], [sflag:$0x1] =	stream.indirect.gather @!p0 [hbm4b:s3+s20], $0x10, s19, s20, $0xb8;
	[tilespmem:$0x10400] =	vst v63  }
0x18b: {  	s18 =	sadd.s32 @!p0 $0xD80, s17;
	s19 =	simm.s32 @!p0 $0x3C00  }
0x18c: {  	[tilespmem:s19], [sflag:$0x1] =	stream.indirect.gather @!p0 [hbm4b:s3+s20], $0x10, s18, s20, $0xb8;
	[tilespmem:$0x10400] =	vst v63  }
0x18d: {  	s18 =	sadd.s32 @!p0 $0xE00, s17;
	s19 =	simm.s32 @!p0 $0x4400  }
0x18e: {  	[tilespmem:s19], [sflag:$0x1] =	stream.indirect.gather @!p0 [hbm4b:s3+s20], $0x10, s18, s20, $0xb8;
	[tilespmem:$0x10400] =	vst v63  }
0x18f: {  	s18 =	sadd.s32 @!p0 $0xE80, s17;
	s19 =	simm.s32 @!p0 $0x4C00  }
0x190: {  	[tilespmem:s19], [sflag:$0x1] =	stream.indirect.gather @!p0 [hbm4b:s3+s20], $0x10, s18, s20, $0xb8;
	[tilespmem:$0x10400] =	vst v63  }
0x191: {  	s18 =	sadd.s32 @!p0 $0xF00, s17;
	s19 =	simm.s32 @!p0 $0x5400  }
0x192: {  	[tilespmem:s19], [sflag:$0x1] =	stream.indirect.gather @!p0 [hbm4b:s3+s20], $0x10, s18, s20, $0xb8;
	[tilespmem:$0x10400] =	vst v63  }
0x193: {  	s18 =	sadd.s32 @!p0 $0xF80, s17;
	s19 =	simm.s32 @!p0 $0x5C00  }
0x194: {  	[tilespmem:s19], [sflag:$0x1] =	stream.indirect.gather @!p0 [hbm4b:s3+s20], $0x10, s18, s20, $0xb8;
	[tilespmem:$0x10400] =	vst v63  }
0x195: {  	s18 =	sadd.s32 @!p0 $0x1000, s17;
	s19 =	simm.s32 @!p0 $0x6400  }
0x196: {  	[tilespmem:s19], [sflag:$0x1] =	stream.indirect.gather @!p0 [hbm4b:s3+s20], $0x10, s18, s20, $0xb8;
	[tilespmem:$0x10400] =	vst v63  }
0x197: {  	s18 =	sadd.s32 @!p0 $0x1080, s17;
	s19 =	simm.s32 @!p0 $0x6C00  }
0x198: {  	[tilespmem:s19], [sflag:$0x1] =	stream.indirect.gather @!p0 [hbm4b:s3+s20], $0x10, s18, s20, $0xb8;
	[tilespmem:$0x10400] =	vst v63  }
0x199: {  	s18 =	sadd.s32 @!p0 $0x1100, s17;
	s19 =	simm.s32 @!p0 $0x7400  }
0x19a: {  	[tilespmem:s19], [sflag:$0x1] =	stream.indirect.gather @!p0 [hbm4b:s3+s20], $0x10, s18, s20, $0xb8;
	[tilespmem:$0x10400] =	vst v63  }
0x19b: {  	s18 =	sadd.s32 @!p0 $0x1180, s17;
	s19 =	simm.s32 @!p0 $0x7C00  }
0x19c: {  	[tilespmem:s19], [sflag:$0x1] =	stream.indirect.gather @!p0 [hbm4b:s3+s20], $0x10, s18, s20, $0xb8;
	[tilespmem:$0x10400] =	vst v63  }
0x19d: {  	s18 =	sadd.s32 @!p0 $0x1200, s17;
	s19 =	simm.s32 @!p0 $0x8400  }
0x19e: {  	[tilespmem:s19], [sflag:$0x1] =	stream.indirect.gather @!p0 [hbm4b:s3+s20], $0x10, s18, s20, $0xb8;
	[tilespmem:$0x10400] =	vst v63  }
0x19f: {  	s18 =	sadd.s32 @!p0 $0x1280, s17;
	s19 =	simm.s32 @!p0 $0x8C00  }
0x1a0: {  	[tilespmem:s19], [sflag:$0x1] =	stream.indirect.gather @!p0 [hbm4b:s3+s20], $0x10, s18, s20, $0xb8;
	[tilespmem:$0x10400] =	vst v63  }
0x1a1: {  	s17 =	sadd.s32 @!p0 $0x1300, s17;
	s18 =	simm.s32 @!p0 $0x9400  }
0x1a2: {  	[tilespmem:s18], [sflag:$0x1] =	stream.indirect.gather @!p0 [hbm4b:s3+s20], $0x10, s17, s20, $0xb8;
	[tilespmem:$0x10400] =	vst v63  }
0x1a3: {  	_ =	swait.ge [sflag:s14], $0x800  }
0x1a4: {  	[sflag:s14] =	ssyncset.done $0x0  }
0x1a5: {  	[sflag:s14] =	ssyncadd.s32 $0xFFFFF800  }
0x1a6: {  	_ =	swait.ge [sflag:s14], $0x800  }
0x1a7: {  	[sflag:s14] =	ssyncset.done $0x0  }
0x1a8: {  	[sflag:s14] =	ssyncadd.s32 $0xFFFFF800  }
0x1a9: {  	_ =	swait.ge [sflag:s14], $0x800  }
0x1aa: {  	[sflag:s14] =	ssyncset.done $0x0  }
0x1ab: {  	[sflag:s14] =	ssyncadd.s32 $0xFFFFF800  }
0x1ac: {  	_ =	swait.ge [sflag:s14], $0x800  }
0x1ad: {  	[sflag:s14] =	ssyncset.done $0x0  }
0x1ae: {  	[sflag:s14] =	ssyncadd.s32 $0xFFFFF800  }
0x1af: {  	_ =	swait.ge [sflag:s14], $0x800  }
0x1b0: {  	[sflag:s14] =	ssyncset.done $0x0  }
0x1b1: {  	[sflag:s14] =	ssyncadd.s32 $0xFFFFF800  }
0x1b2: {  	_ =	swait.ge [sflag:s14], $0x800  }
0x1b3: {  	[sflag:s14] =	ssyncset.done $0x0  }
0x1b4: {  	[sflag:s14] =	ssyncadd.s32 $0xFFFFF800  }
0x1b5: {  	_ =	swait.ge [sflag:s14], $0x800  }
0x1b6: {  	[sflag:s14] =	ssyncset.done $0x0  }
0x1b7: {  	[sflag:s14] =	ssyncadd.s32 $0xFFFFF800  }
0x1b8: {  	_ =	swait.ge [sflag:s14], $0x800  }
0x1b9: {  	[sflag:s14] =	ssyncset.done $0x0  }
0x1ba: {  	[sflag:s14] =	ssyncadd.s32 $0xFFFFF800  }
0x1bb: {  	_ =	swait.ge [sflag:s14], $0x800  }
0x1bc: {  	[sflag:s14] =	ssyncset.done $0x0  }
0x1bd: {  	[sflag:s14] =	ssyncadd.s32 $0xFFFFF800  }
0x1be: {  	_ =	swait.ge [sflag:s14], $0x800  }
0x1bf: {  	[sflag:s14] =	ssyncset.done $0x0  }
0x1c0: {  	[sflag:s14] =	ssyncadd.s32 $0xFFFFF800  }
0x1c1: {  	_ =	swait.ge [sflag:s14], $0x800  }
0x1c2: {  	[sflag:s14] =	ssyncset.done $0x0  }
0x1c3: {  	[sflag:s14] =	ssyncadd.s32 $0xFFFFF800  }
0x1c4: {  	_ =	swait.ge [sflag:s14], $0x800  }
0x1c5: {  	[sflag:s14] =	ssyncset.done $0x0  }
0x1c6: {  	[sflag:s14] =	ssyncadd.s32 $0xFFFFF800  }
0x1c7: {  	s15 =	sadd.s32 $0x1, s15;
	_ =	swait.ge [sflag:s14], $0x800  }
0x1c8: {  	p0 =	sne.s32 s15, s5;
	[sflag:s14] =	ssyncset.done $0x0  }
.Ltmp1:
0x1c9: {  	[sflag:s14] =	ssyncadd.s32 $0xFFFFF800;
	(pc) =	sbr.rel @p0 .LBB2_1-.Ltmp1, $4  }
0x1ca: {  	[hbm4b:s16+s2] =	stream.linear.scatter [tilespmem:s12], [sflag:$0x3], $0x6800, $0x38;
	[tilespmem:$0x10400] =	vst v63  }
0x1cb: {  	_ =	swait.ge [sflag:s8], $0x6800  }
0x1cc: {  	[sflag:s8] =	ssyncset.done $0x0  }
0x1cd: {  	[sflag:s8] =	ssyncadd.s32 $0xFFFF9800  }
0x1ce: {  	_ =	sfence.sel $0x180000  }
0x1cf: {  	[bflag:$0x0] =	sbarrier.arrive $0xFFFF  }
0x1d0: {  	_ =	strace $0x9000004A  }
0x1d1: {  	s0 =	stileid.u32;
	[bflag:$0x2] =	sbarrier.arrive $0xFFFF  }
0x1d2: {  	p0 =	sne.s32 s0, $0x0;
	s0 =	rddreg [dreg:$0x3]  }
0x1d3: {  	s0 =	sadd.s32 @!p0 $0x100000, s0  }
0x1d4: {  	[sflag:s0] =	ssyncadd.tile.s32 @!p0 $0x1;
	_ =	shalt  }
.Lfunc_end2:
_tile_overlayer_lowered:
.L_overlay_start_2:
0x1d5: {  	(tag) =	ssettag $0x2  }
0x1d6: {  	s0 =	rddreg [dreg:$0x0];
	s2 =	stileid.u32  }
0x1d7: {  	s1 =	rddreg [dreg:$0x1];
	p0 =	sne.s32 s2, $0x0  }
0x1d8: {  	s3 =	rddreg [dreg:$0x2];
	[bflag:$0x3] =	sbarrier.arrive $0xFFFF;
	s2 =	simm.s32 @!p0 $0x1C03  }
0x1d9: {  	[timem:s3], [sflag:s2] =	dma.local @!p0 [hbm:s0], s1  }
0x1da: {  	s0 =	simm.s32 @!p0 $0x3  }
0x1db: {  	_ =	swait.ge @!p0 [sflag:s0], s1  }
0x1dc: {  	s1 =	ssub.s32 @!p0 $0x0, s1;
	[sflag:s0] =	ssyncset.done @!p0 $0x0  }
0x1dd: {  	[sflag:s0] =	ssyncadd.s32 @!p0 s1  }
0x1de: {  	[bflag:$0x3] =	sbarrier.arrive $0xFFFF  }
0x1df: {  	_ =	shalt  }

</sc_bundles>
